<compile_context>
chip_gen: v7x
topology: tpu7x:2x2x1
jax: 0.10.2.dev20260603
libtpu: 0.0.44.dev20260713+nightly
codegen_flags: <defaults>
</compile_context>

<pallas_src>
import functools

import jax
import jax.numpy as jnp
import numpy as np
from jax import lax
from jax.experimental import pallas as pl
from jax.experimental.pallas import tpu as pltpu
from jax.experimental.pallas import tpu_sc as plsc

BATCH = 4096
IN_DIM = 1024
OUT_DIM = 2048
L = 16

_GATE_COEFFS = np.array(
    [
        [0, 0, 0, 0],
        [0, 0, 0, 1],
        [0, 1, 0, -1],
        [0, 1, 0, 0],
        [0, 0, 1, -1],
        [0, 0, 1, 0],
        [0, 1, 1, -2],
        [0, 1, 1, -1],
        [1, -1, -1, 1],
        [1, -1, -1, 2],
        [1, 0, -1, 0],
        [1, 0, -1, 1],
        [1, -1, 0, 0],
        [1, -1, 0, 1],
        [1, 0, 0, -1],
        [1, 0, 0, 0],
    ],
    dtype=np.float32,
)


def _coeff_body(wt_ref, ct_ref, ca_ref, cb_ref, out_ref, cab_ref):
    wt = wt_ref[...]
    m = jnp.max(wt, axis=0, keepdims=True)
    e = jnp.exp(wt - m)
    sm = e / jnp.sum(e, axis=0, keepdims=True)
    ct = ct_ref[...]
    k = lax.dot_general(
        ct, sm, (((1,), (0,)), ((), ())),
        precision=lax.Precision.HIGHEST,
        preferred_element_type=jnp.float32,
    )
    kb = lax.bitcast_convert_type(
        k.astype(jnp.bfloat16), jnp.uint16).astype(jnp.uint32)
    packed = jnp.stack([kb[0] | (kb[1] << 16), kb[2] | (kb[3] << 16)])
    out_ref[...] = lax.bitcast_convert_type(packed, jnp.int32)
    cab_ref[...] = ca_ref[...] | (cb_ref[...] << 16)


_coeff_call = pl.pallas_call(
    _coeff_body,
    out_shape=(
        jax.ShapeDtypeStruct((2, OUT_DIM), jnp.int32),
        jax.ShapeDtypeStruct((OUT_DIM,), jnp.int32),
    ),
)


_R = 16


def _make_sc_main():
    info = plsc.get_sparse_core_info()
    nw = info.num_cores * info.num_subcores
    rows_per_w = BATCH // nw
    nchunk = OUT_DIM // L
    nblocks = rows_per_w // _R
    mesh = plsc.VectorSubcoreMesh(core_axis_name="c", subcore_axis_name="s")

    @functools.partial(
        pl.kernel,
        mesh=mesh,
        out_type=jax.ShapeDtypeStruct((BATCH, OUT_DIM), jnp.float32),
        compiler_params=pltpu.CompilerParams(needs_layout_passes=False),
        scratch_types=[
            pltpu.VMEM((OUT_DIM,), jnp.int32),
            pltpu.VMEM((2, OUT_DIM), jnp.int32),
            pltpu.VMEM((_R, IN_DIM), jnp.float32),
            pltpu.VMEM((_R, IN_DIM), jnp.float32),
            pltpu.VMEM((_R, OUT_DIM), jnp.float32),
            pltpu.VMEM((_R, OUT_DIM), jnp.float32),
            pltpu.SemaphoreType.DMA,
            pltpu.SemaphoreType.DMA,
            pltpu.SemaphoreType.DMA,
            pltpu.SemaphoreType.DMA,
        ],
    )
    def sc_main(x_hbm, k_hbm, cab_hbm, out_hbm, cab_v, k_v,
                xb0, xb1, ob0, ob1, isem0, isem1, osem0, osem1):
        wid = lax.axis_index("s") * info.num_cores + lax.axis_index("c")
        pltpu.sync_copy(cab_hbm, cab_v)
        pltpu.sync_copy(k_hbm, k_v)
        base = wid * rows_per_w
        xbufs, obufs = (xb0, xb1), (ob0, ob1)
        isems, osems = (isem0, isem1), (osem0, osem1)

        def x_slice(blk):
            return x_hbm.at[pl.ds(base + blk * _R, _R), :]

        def o_slice(blk):
            return out_hbm.at[pl.ds(base + blk * _R, _R), :]

        row_ids = [jnp.full((L,), r, jnp.int32) for r in range(_R)]

        def compute(xb, ob):
            @plsc.parallel_loop(0, nchunk, unroll=1)
            def _chunk(c):
                off = c * L
                cab = cab_v[pl.ds(off, L)]
                idxa = cab & 0xFFFF
                idxb = lax.shift_right_logical(cab, 16)
                w01 = k_v[0, pl.ds(off, L)]
                w23 = k_v[1, pl.ds(off, L)]
                k0 = plsc.bitcast(lax.shift_left(w01, 16), jnp.float32)
                k1 = plsc.bitcast(w01 & jnp.int32(-65536), jnp.float32)
                k2 = plsc.bitcast(lax.shift_left(w23, 16), jnp.float32)
                k3 = plsc.bitcast(w23 & jnp.int32(-65536), jnp.float32)
                for r in range(_R):
                    a = plsc.load_gather(xb, [row_ids[r], idxa])
                    b = plsc.load_gather(xb, [row_ids[r], idxb])
                    ob[r, pl.ds(off, L)] = k0 + a * k1
                    plsc.addupdate(ob.at[r, pl.ds(off, L)], b * (k2 + a * k3))

        pltpu.async_copy(x_slice(0), xb0, isem0)
        pltpu.async_copy(x_slice(1), xb1, isem1)

        def iter_body(i, carry):
            for b in range(2):
                blk = 2 * i + b
                pltpu.make_async_copy(x_slice(blk), xbufs[b], isems[b]).wait()

                @pl.when(i > 0)
                def _():
                    pltpu.make_async_copy(
                        obufs[b], o_slice(blk), osems[b]).wait()

                compute(xbufs[b], obufs[b])
                pltpu.async_copy(obufs[b], o_slice(blk), osems[b])

                @pl.when(blk + 2 < nblocks)
                def _():
                    pltpu.async_copy(x_slice(blk + 2), xbufs[b], isems[b])
            return carry

        lax.fori_loop(0, nblocks // 2, iter_body, 0)
        pltpu.make_async_copy(ob0, o_slice(nblocks - 2), osem0).wait()
        pltpu.make_async_copy(ob1, o_slice(nblocks - 1), osem1).wait()

    return sc_main


_sc_main = _make_sc_main()


def kernel(x, weights, conn_a, conn_b):
    coeffs, cab = _coeff_call(
        weights.T, jnp.asarray(_GATE_COEFFS.T), conn_a, conn_b)
    return _sc_main(x, coeffs, cab)

# --- scband reference (transcript-rebuilt; emitter-appended) ---
"""Pipeline reference for scband-diff-logic-layer-81123342287625 (READ-ONLY COPY).

The authoritative reference and input builder live on the scoring server;
editing this copy changes nothing except your own understanding.
"""

import jax, jax.numpy as jnp
import numpy as np

IN_DIM = 1024
OUT_DIM = 2048
BATCH = 4096


def make_connections(in_dim, out_dim):
    # Faithful port of get_unique_connections; the final permutation uses a
    # fixed numpy seed (torch.randperm is not bit-reproducible across frameworks).
    x = np.arange(in_dim, dtype=np.int64)
    a, b = x[::2], x[1::2]
    m = min(a.shape[-1], b.shape[-1])
    a, b = a[:m], b[:m]
    if a.shape[-1] < out_dim:
        a_, b_ = x[1::2], x[2::2]
        a = np.concatenate([a, a_], axis=-1)
        b = np.concatenate([b, b_], axis=-1)
        m = min(a.shape[-1], b.shape[-1])
        a, b = a[:m], b[:m]
    offset = 2
    while out_dim > a.shape[-1] > offset:
        a_, b_ = x[:-offset], x[offset:]
        a = np.concatenate([a, a_], axis=-1)
        b = np.concatenate([b, b_], axis=-1)
        offset += 1
        assert a.shape[-1] == b.shape[-1]
    assert a.shape[-1] >= out_dim
    a, b = a[:out_dim], b[:out_dim]
    perm = np.random.RandomState(0).permutation(out_dim)
    return a[perm], b[perm]


def bin_op_s(a, b, i_s):
    ops = jnp.stack([
        jnp.zeros_like(a),
        a * b,
        a * (1 - b),
        a,
        (1 - a) * b,
        b,
        a + b - 2 * a * b,
        a + b - a * b,
        1 - (a + b - a * b),
        1 - (a + b - 2 * a * b),
        1 - b,
        1 - b + a * b,
        1 - a,
        1 - a + a * b,
        1 - a * b,
        jnp.ones_like(a),
    ], axis=-1)
    return jnp.einsum('...i,...i->...', ops, i_s)


def setup_inputs(seed: int = 0) -> dict:
    key = jax.random.key(seed)
    x = jax.random.uniform(key, (BATCH, IN_DIM), dtype=jnp.float32)
    # weights initialized as in __init__: zeros, col 3 set to 5.0 (deterministic)
    w = np.zeros((OUT_DIM, 16), dtype=np.float32)
    w[:, 3] = 5.0
    weights = jnp.asarray(w)
    ca, cb = make_connections(IN_DIM, OUT_DIM)
    return {
        'x': x,
        'weights': weights,
        'conn_a': jnp.asarray(ca, dtype=jnp.int32),
        'conn_b': jnp.asarray(cb, dtype=jnp.int32),
    }


def reference(x, weights, conn_a, conn_b):
    # grad_factor == 1.0 so GradFactor is a no-op.
    a = x[:, conn_a]
    b = x[:, conn_b]
    # module default training=True -> softmax over the 16 gate logits
    w = jax.nn.softmax(weights, axis=-1)
    return bin_op_s(a, b, w)

if __name__ == "__main__":
    import jax
    _d = setup_inputs()
    print(jax.jit(kernel)(*tuple(_d.values())))

</pallas_src>

<mosaic_0001>
#map = affine_map<(d0, d1) -> (0, 0)>
#map1 = affine_map<(d0, d1) -> (0)>
module attributes {stable_mosaic.version = 14 : i64} {
  func.func @sc_main(%arg0: i32, %arg1: i32, %arg2: memref<4096x1024xf32, #tpu.memory_space<hbm>>, %arg3: memref<2x2048xi32, #tpu.memory_space<hbm>>, %arg4: memref<2048xi32, #tpu.memory_space<hbm>>, %arg5: memref<4096x2048xf32, #tpu.memory_space<hbm>>, %arg6: memref<2048xi32, #tpu.memory_space<vmem>>, %arg7: memref<2x2048xi32, #tpu.memory_space<vmem>>, %arg8: memref<16x1024xf32, #tpu.memory_space<vmem>>, %arg9: memref<16x1024xf32, #tpu.memory_space<vmem>>, %arg10: memref<16x2048xf32, #tpu.memory_space<vmem>>, %arg11: memref<16x2048xf32, #tpu.memory_space<vmem>>, %arg12: memref<!tpu.dma_semaphore, #tpu.memory_space<semaphore_mem>>, %arg13: memref<!tpu.dma_semaphore, #tpu.memory_space<semaphore_mem>>, %arg14: memref<!tpu.dma_semaphore, #tpu.memory_space<semaphore_mem>>, %arg15: memref<!tpu.dma_semaphore, #tpu.memory_space<semaphore_mem>>) attributes {dimension_semantics = [#tpu.dimension_semantics<core_parallel>, #tpu.dimension_semantics<subcore_parallel>], iteration_bounds = array<i64: 2, 16>, scalar_prefetch = 0 : i64, scratch_operands = 10 : i64, tpu.core_type = #tpu.core_type<sc_vector_subcore>, window_params = [{transform_indices = #map}, {transform_indices = #map}, {transform_indices = #map1}, {transform_indices = #map}]} {
    %mul3A = arith.constant 2 : i32
    %mul3A_0 = arith.muli %arg1, %mul3A : i32
    %add3A = arith.addi %mul3A_0, %arg0 : i32
    "tpu.region"() ({
      %run_scoped3A = tpu.sem_alloc : memref<!tpu.dma_semaphore, #tpu.memory_space<semaphore_mem>>
      tpu.enqueue_dma source(%arg4 : memref<2048xi32, #tpu.memory_space<hbm>>) target(%arg6 : memref<2048xi32, #tpu.memory_space<vmem>>) target_semaphore(%run_scoped3A : memref<!tpu.dma_semaphore, #tpu.memory_space<semaphore_mem>>)
      tpu.wait_dma2 semaphore(%run_scoped3A : memref<!tpu.dma_semaphore, #tpu.memory_space<semaphore_mem>>) src(%arg4 : memref<2048xi32, #tpu.memory_space<hbm>>) dst(%arg6 : memref<2048xi32, #tpu.memory_space<vmem>>)
      tpu.yield
    }) : () -> ()
    "tpu.region"() ({
      %run_scoped3A = tpu.sem_alloc : memref<!tpu.dma_semaphore, #tpu.memory_space<semaphore_mem>>
      tpu.enqueue_dma source(%arg3 : memref<2x2048xi32, #tpu.memory_space<hbm>>) target(%arg7 : memref<2x2048xi32, #tpu.memory_space<vmem>>) target_semaphore(%run_scoped3A : memref<!tpu.dma_semaphore, #tpu.memory_space<semaphore_mem>>)
      tpu.wait_dma2 semaphore(%run_scoped3A : memref<!tpu.dma_semaphore, #tpu.memory_space<semaphore_mem>>) src(%arg3 : memref<2x2048xi32, #tpu.memory_space<hbm>>) dst(%arg7 : memref<2x2048xi32, #tpu.memory_space<vmem>>)
      tpu.yield
    }) : () -> ()
    %mul3A_1 = arith.constant 128 : i32
    %mul3A_2 = arith.muli %add3A, %mul3A_1 : i32
    %broadcast_in_dim3A = arith.constant 0 : i32
    %broadcast_in_dim3A_3 = vector.broadcast %broadcast_in_dim3A : i32 to vector<16xi32>
    %broadcast_in_dim3A_4 = arith.constant 1 : i32
    %broadcast_in_dim3A_5 = vector.broadcast %broadcast_in_dim3A_4 : i32 to vector<16xi32>
    %broadcast_in_dim3A_6 = arith.constant 2 : i32
    %broadcast_in_dim3A_7 = vector.broadcast %broadcast_in_dim3A_6 : i32 to vector<16xi32>
    %broadcast_in_dim3A_8 = arith.constant 3 : i32
    %broadcast_in_dim3A_9 = vector.broadcast %broadcast_in_dim3A_8 : i32 to vector<16xi32>
    %broadcast_in_dim3A_10 = arith.constant 4 : i32
    %broadcast_in_dim3A_11 = vector.broadcast %broadcast_in_dim3A_10 : i32 to vector<16xi32>
    %broadcast_in_dim3A_12 = arith.constant 5 : i32
    %broadcast_in_dim3A_13 = vector.broadcast %broadcast_in_dim3A_12 : i32 to vector<16xi32>
    %broadcast_in_dim3A_14 = arith.constant 6 : i32
    %broadcast_in_dim3A_15 = vector.broadcast %broadcast_in_dim3A_14 : i32 to vector<16xi32>
    %broadcast_in_dim3A_16 = arith.constant 7 : i32
    %broadcast_in_dim3A_17 = vector.broadcast %broadcast_in_dim3A_16 : i32 to vector<16xi32>
    %broadcast_in_dim3A_18 = arith.constant 8 : i32
    %broadcast_in_dim3A_19 = vector.broadcast %broadcast_in_dim3A_18 : i32 to vector<16xi32>
    %broadcast_in_dim3A_20 = arith.constant 9 : i32
    %broadcast_in_dim3A_21 = vector.broadcast %broadcast_in_dim3A_20 : i32 to vector<16xi32>
    %broadcast_in_dim3A_22 = arith.constant 10 : i32
    %broadcast_in_dim3A_23 = vector.broadcast %broadcast_in_dim3A_22 : i32 to vector<16xi32>
    %broadcast_in_dim3A_24 = arith.constant 11 : i32
    %broadcast_in_dim3A_25 = vector.broadcast %broadcast_in_dim3A_24 : i32 to vector<16xi32>
    %broadcast_in_dim3A_26 = arith.constant 12 : i32
    %broadcast_in_dim3A_27 = vector.broadcast %broadcast_in_dim3A_26 : i32 to vector<16xi32>
    %broadcast_in_dim3A_28 = arith.constant 13 : i32
    %broadcast_in_dim3A_29 = vector.broadcast %broadcast_in_dim3A_28 : i32 to vector<16xi32>
    %broadcast_in_dim3A_30 = arith.constant 14 : i32
    %broadcast_in_dim3A_31 = vector.broadcast %broadcast_in_dim3A_30 : i32 to vector<16xi32>
    %broadcast_in_dim3A_32 = arith.constant 15 : i32
    %broadcast_in_dim3A_33 = vector.broadcast %broadcast_in_dim3A_32 : i32 to vector<16xi32>
    %add3A_34 = arith.constant 0 : i32
    %add3A_35 = arith.addi %mul3A_2, %add3A_34 : i32
    %dma_start3A = arith.constant 0 : i32
    %dma_start3A_36 = tpu.memref_slice %arg2[%add3A_35, %dma_start3A] : memref<4096x1024xf32, #tpu.memory_space<hbm>> -> memref<16x1024xf32, #tpu.memory_space<hbm>>
    %dma_start3A_37 = arith.constant 0 : i32
    %dma_start3A_38 = tpu.memref_slice %arg2[%add3A_35, %dma_start3A_37] : memref<4096x1024xf32, #tpu.memory_space<hbm>> -> memref<16x1024xf32, #tpu.memory_space<hbm>>
    tpu.enqueue_dma source(%dma_start3A_38 : memref<16x1024xf32, #tpu.memory_space<hbm>>) target(%arg8 : memref<16x1024xf32, #tpu.memory_space<vmem>>) target_semaphore(%arg12 : memref<!tpu.dma_semaphore, #tpu.memory_space<semaphore_mem>>)
    %add3A_39 = arith.constant 16 : i32
    %add3A_40 = arith.addi %mul3A_2, %add3A_39 : i32
    %dma_start3A_41 = arith.constant 0 : i32
    %dma_start3A_42 = tpu.memref_slice %arg2[%add3A_40, %dma_start3A_41] : memref<4096x1024xf32, #tpu.memory_space<hbm>> -> memref<16x1024xf32, #tpu.memory_space<hbm>>
    %dma_start3A_43 = arith.constant 0 : i32
    %dma_start3A_44 = tpu.memref_slice %arg2[%add3A_40, %dma_start3A_43] : memref<4096x1024xf32, #tpu.memory_space<hbm>> -> memref<16x1024xf32, #tpu.memory_space<hbm>>
    tpu.enqueue_dma source(%dma_start3A_44 : memref<16x1024xf32, #tpu.memory_space<hbm>>) target(%arg9 : memref<16x1024xf32, #tpu.memory_space<vmem>>) target_semaphore(%arg13 : memref<!tpu.dma_semaphore, #tpu.memory_space<semaphore_mem>>)
    %scan3A = arith.constant 0 : i32
    %scan3A_45 = arith.constant 0 : i32
    %scan3A_46 = arith.constant 4 : i32
    %scan3A_47 = arith.addi %scan3A_45, %scan3A_46 : i32
    %scan3A_48 = arith.constant 1 : i32
    scf.for %scan3A_61 = %scan3A_45 to %scan3A_47 step %scan3A_48  : i32 {
      %mul3A_62 = arith.constant 2 : i32
      %mul3A_63 = arith.muli %mul3A_62, %scan3A_61 : i32
      %add3A_64 = arith.constant 0 : i32
      %add3A_65 = arith.addi %mul3A_63, %add3A_64 : i32
      %mul3A_66 = arith.constant 16 : i32
      %mul3A_67 = arith.muli %add3A_65, %mul3A_66 : i32
      %add3A_68 = arith.addi %mul3A_2, %mul3A_67 : i32
      %dma_wait3A_69 = arith.constant 0 : i32
      %dma_wait3A_70 = tpu.memref_slice %arg2[%add3A_68, %dma_wait3A_69] : memref<4096x1024xf32, #tpu.memory_space<hbm>> -> memref<16x1024xf32, #tpu.memory_space<hbm>>
      %dma_wait3A_71 = arith.constant 0 : i32
      %dma_wait3A_72 = tpu.memref_slice %arg2[%add3A_68, %dma_wait3A_71] : memref<4096x1024xf32, #tpu.memory_space<hbm>> -> memref<16x1024xf32, #tpu.memory_space<hbm>>
      tpu.wait_dma2 semaphore(%arg12 : memref<!tpu.dma_semaphore, #tpu.memory_space<semaphore_mem>>) src(%dma_wait3A_72 : memref<16x1024xf32, #tpu.memory_space<hbm>>) dst(%arg8 : memref<16x1024xf32, #tpu.memory_space<vmem>>)
      %gt3A = arith.constant 0 : i32
      %gt3A_73 = arith.cmpi sgt, %scan3A_61, %gt3A : i32
      %convert_element_type3A = arith.extui %gt3A_73 : i1 to i32
      %cond3A = arith.constant 0 : i32
      %cond3A_74 = arith.cmpi ne, %convert_element_type3A, %cond3A : i32
      scf.if %cond3A_74 {
        %mul3A_123 = arith.constant 16 : i32
        %mul3A_124 = arith.muli %add3A_65, %mul3A_123 : i32
        %add3A_125 = arith.addi %mul3A_2, %mul3A_124 : i32
        %dma_wait3A_126 = arith.constant 0 : i32
        %dma_wait3A_127 = tpu.memref_slice %arg5[%add3A_125, %dma_wait3A_126] : memref<4096x2048xf32, #tpu.memory_space<hbm>> -> memref<16x2048xf32, #tpu.memory_space<hbm>>
        %dma_wait3A_128 = arith.constant 0 : i32
        %dma_wait3A_129 = tpu.memref_slice %arg5[%add3A_125, %dma_wait3A_128] : memref<4096x2048xf32, #tpu.memory_space<hbm>> -> memref<16x2048xf32, #tpu.memory_space<hbm>>
        tpu.wait_dma2 semaphore(%arg14 : memref<!tpu.dma_semaphore, #tpu.memory_space<semaphore_mem>>) src(%arg10 : memref<16x2048xf32, #tpu.memory_space<vmem>>) dst(%dma_wait3A_129 : memref<16x2048xf32, #tpu.memory_space<hbm>>)
      } else {
      }
      %parallel_loop3A = arith.constant 0 : i32
      %parallel_loop3A_75 = arith.constant 128 : i32
      %parallel_loop3A_76 = arith.constant 1 : i32
      scf.for %parallel_loop3A_123 = %parallel_loop3A to %parallel_loop3A_75 step %parallel_loop3A_76  : i32 {
        %parallel_loop3A_124 = arith.constant 16 : i32
        %parallel_loop3A_125 = arith.muli %parallel_loop3A_123, %parallel_loop3A_124 : i32
        %parallel_loop3A_126 = arith.index_cast %parallel_loop3A_125 : i32 to index
        %parallel_loop3A_127 = tpu.vector_load %arg6[%parallel_loop3A_126] {strides = array<i32>} : memref<2048xi32, #tpu.memory_space<vmem>>, vector<16xi32>,
        %parallel_loop3A_128 = arith.constant 65535 : i32
        %parallel_loop3A_129 = vector.broadcast %parallel_loop3A_128 : i32 to vector<16xi32>
        %parallel_loop3A_130 = arith.andi %parallel_loop3A_127, %parallel_loop3A_129 : vector<16xi32>
        %parallel_loop3A_131 = arith.constant 16 : i32
        %parallel_loop3A_132 = vector.broadcast %parallel_loop3A_131 : i32 to vector<16xi32>
        %parallel_loop3A_133 = arith.shrui %parallel_loop3A_127, %parallel_loop3A_132 : vector<16xi32>
        %parallel_loop3A_134 = arith.constant 0 : i32
        %parallel_loop3A_135 = arith.index_cast %parallel_loop3A_134 : i32 to index
        %parallel_loop3A_136 = arith.index_cast %parallel_loop3A_125 : i32 to index
        %parallel_loop3A_137 = tpu.vector_load %arg7[%parallel_loop3A_135, %parallel_loop3A_136] {strides = array<i32>} : memref<2x2048xi32, #tpu.memory_space<vmem>>, vector<16xi32>,
        %parallel_loop3A_138 = arith.constant 1 : i32
        %parallel_loop3A_139 = arith.index_cast %parallel_loop3A_138 : i32 to index
        %parallel_loop3A_140 = arith.index_cast %parallel_loop3A_125 : i32 to index
        %parallel_loop3A_141 = tpu.vector_load %arg7[%parallel_loop3A_139, %parallel_loop3A_140] {strides = array<i32>} : memref<2x2048xi32, #tpu.memory_space<vmem>>, vector<16xi32>,
        %parallel_loop3A_142 = arith.constant 16 : i32
        %parallel_loop3A_143 = vector.broadcast %parallel_loop3A_142 : i32 to vector<16xi32>
        %parallel_loop3A_144 = arith.shli %parallel_loop3A_137, %parallel_loop3A_143 : vector<16xi32>
        %parallel_loop3A_145 = vector.bitcast %parallel_loop3A_144 : vector<16xi32> to vector<16xf32>
        %parallel_loop3A_146 = arith.constant -65536 : i32
        %parallel_loop3A_147 = vector.broadcast %parallel_loop3A_146 : i32 to vector<16xi32>
        %parallel_loop3A_148 = arith.andi %parallel_loop3A_137, %parallel_loop3A_147 : vector<16xi32>
        %parallel_loop3A_149 = vector.bitcast %parallel_loop3A_148 : vector<16xi32> to vector<16xf32>
        %parallel_loop3A_150 = arith.constant 16 : i32
        %parallel_loop3A_151 = vector.broadcast %parallel_loop3A_150 : i32 to vector<16xi32>
        %parallel_loop3A_152 = arith.shli %parallel_loop3A_141, %parallel_loop3A_151 : vector<16xi32>
        %parallel_loop3A_153 = vector.bitcast %parallel_loop3A_152 : vector<16xi32> to vector<16xf32>
        %parallel_loop3A_154 = arith.constant -65536 : i32
        %parallel_loop3A_155 = vector.broadcast %parallel_loop3A_154 : i32 to vector<16xi32>
        %parallel_loop3A_156 = arith.andi %parallel_loop3A_141, %parallel_loop3A_155 : vector<16xi32>
        %parallel_loop3A_157 = vector.bitcast %parallel_loop3A_156 : vector<16xi32> to vector<16xf32>
        %parallel_loop3A_158 = tpu.vector_load_idx %arg8[%broadcast_in_dim3A_3, %parallel_loop3A_130] : memref<16x1024xf32, #tpu.memory_space<vmem>>[vector<16xi32>, vector<16xi32>], vector<16xf32>,
        %parallel_loop3A_159 = tpu.vector_load_idx %arg8[%broadcast_in_dim3A_3, %parallel_loop3A_133] : memref<16x1024xf32, #tpu.memory_space<vmem>>[vector<16xi32>, vector<16xi32>], vector<16xf32>,
        %parallel_loop3A_160 = arith.mulf %parallel_loop3A_158, %parallel_loop3A_149 : vector<16xf32>
        %parallel_loop3A_161 = arith.addf %parallel_loop3A_145, %parallel_loop3A_160 : vector<16xf32>
        %parallel_loop3A_162 = arith.constant 0 : i32
        %parallel_loop3A_163 = arith.index_cast %parallel_loop3A_162 : i32 to index
        %parallel_loop3A_164 = arith.index_cast %parallel_loop3A_125 : i32 to index
        %parallel_loop3A_165 = tpu.vector_load %arg10[%parallel_loop3A_163, %parallel_loop3A_164] {strides = array<i32>} : memref<16x2048xf32, #tpu.memory_space<vmem>>, vector<16xf32>,
        tpu.vector_store %arg10[%parallel_loop3A_163, %parallel_loop3A_164], %parallel_loop3A_161 {strides = array<i32>} : memref<16x2048xf32, #tpu.memory_space<vmem>>, vector<16xf32>,
        %parallel_loop3A_166 = arith.mulf %parallel_loop3A_158, %parallel_loop3A_157 : vector<16xf32>
        %parallel_loop3A_167 = arith.addf %parallel_loop3A_153, %parallel_loop3A_166 : vector<16xf32>
        %parallel_loop3A_168 = arith.mulf %parallel_loop3A_159, %parallel_loop3A_167 : vector<16xf32>
        %parallel_loop3A_169 = arith.constant 0 : i32
        %parallel_loop3A_170 = arith.index_cast %parallel_loop3A_169 : i32 to index
        %parallel_loop3A_171 = arith.index_cast %parallel_loop3A_125 : i32 to index
        %parallel_loop3A_172 = tpu.vector_load %arg10[%parallel_loop3A_170, %parallel_loop3A_171] {strides = array<i32>} : memref<16x2048xf32, #tpu.memory_space<vmem>>, vector<16xf32>,
        tpu.vector_store %arg10[%parallel_loop3A_170, %parallel_loop3A_171], %parallel_loop3A_168 {add = true, strides = array<i32>} : memref<16x2048xf32, #tpu.memory_space<vmem>>, vector<16xf32>,
        %parallel_loop3A_173 = tpu.vector_load_idx %arg8[%broadcast_in_dim3A_5, %parallel_loop3A_130] : memref<16x1024xf32, #tpu.memory_space<vmem>>[vector<16xi32>, vector<16xi32>], vector<16xf32>,
        %parallel_loop3A_174 = tpu.vector_load_idx %arg8[%broadcast_in_dim3A_5, %parallel_loop3A_133] : memref<16x1024xf32, #tpu.memory_space<vmem>>[vector<16xi32>, vector<16xi32>], vector<16xf32>,
        %parallel_loop3A_175 = arith.mulf %parallel_loop3A_173, %parallel_loop3A_149 : vector<16xf32>
        %parallel_loop3A_176 = arith.addf %parallel_loop3A_145, %parallel_loop3A_175 : vector<16xf32>
        %parallel_loop3A_177 = arith.constant 1 : i32
        %parallel_loop3A_178 = arith.index_cast %parallel_loop3A_177 : i32 to index
        %parallel_loop3A_179 = arith.index_cast %parallel_loop3A_125 : i32 to index
        %parallel_loop3A_180 = tpu.vector_load %arg10[%parallel_loop3A_178, %parallel_loop3A_179] {strides = array<i32>} : memref<16x2048xf32, #tpu.memory_space<vmem>>, vector<16xf32>,
        tpu.vector_store %arg10[%parallel_loop3A_178, %parallel_loop3A_179], %parallel_loop3A_176 {strides = array<i32>} : memref<16x2048xf32, #tpu.memory_space<vmem>>, vector<16xf32>,
        %parallel_loop3A_181 = arith.mulf %parallel_loop3A_173, %parallel_loop3A_157 : vector<16xf32>
        %parallel_loop3A_182 = arith.addf %parallel_loop3A_153, %parallel_loop3A_181 : vector<16xf32>
        %parallel_loop3A_183 = arith.mulf %parallel_loop3A_174, %parallel_loop3A_182 : vector<16xf32>
        %parallel_loop3A_184 = arith.constant 1 : i32
        %parallel_loop3A_185 = arith.index_cast %parallel_loop3A_184 : i32 to index
        %parallel_loop3A_186 = arith.index_cast %parallel_loop3A_125 : i32 to index
        %parallel_loop3A_187 = tpu.vector_load %arg10[%parallel_loop3A_185, %parallel_loop3A_186] {strides = array<i32>} : memref<16x2048xf32, #tpu.memory_space<vmem>>, vector<16xf32>,
        tpu.vector_store %arg10[%parallel_loop3A_185, %parallel_loop3A_186], %parallel_loop3A_183 {add = true, strides = array<i32>} : memref<16x2048xf32, #tpu.memory_space<vmem>>, vector<16xf32>,
        %parallel_loop3A_188 = tpu.vector_load_idx %arg8[%broadcast_in_dim3A_7, %parallel_loop3A_130] : memref<16x1024xf32, #tpu.memory_space<vmem>>[vector<16xi32>, vector<16xi32>], vector<16xf32>,
        %parallel_loop3A_189 = tpu.vector_load_idx %arg8[%broadcast_in_dim3A_7, %parallel_loop3A_133] : memref<16x1024xf32, #tpu.memory_space<vmem>>[vector<16xi32>, vector<16xi32>], vector<16xf32>,
        %parallel_loop3A_190 = arith.mulf %parallel_loop3A_188, %parallel_loop3A_149 : vector<16xf32>
        %parallel_loop3A_191 = arith.addf %parallel_loop3A_145, %parallel_loop3A_190 : vector<16xf32>
        %parallel_loop3A_192 = arith.constant 2 : i32
        %parallel_loop3A_193 = arith.index_cast %parallel_loop3A_192 : i32 to index
        %parallel_loop3A_194 = arith.index_cast %parallel_loop3A_125 : i32 to index
        %parallel_loop3A_195 = tpu.vector_load %arg10[%parallel_loop3A_193, %parallel_loop3A_194] {strides = array<i32>} : memref<16x2048xf32, #tpu.memory_space<vmem>>, vector<16xf32>,
        tpu.vector_store %arg10[%parallel_loop3A_193, %parallel_loop3A_194], %parallel_loop3A_191 {strides = array<i32>} : memref<16x2048xf32, #tpu.memory_space<vmem>>, vector<16xf32>,
        %parallel_loop3A_196 = arith.mulf %parallel_loop3A_188, %parallel_loop3A_157 : vector<16xf32>
        %parallel_loop3A_197 = arith.addf %parallel_loop3A_153, %parallel_loop3A_196 : vector<16xf32>
        %parallel_loop3A_198 = arith.mulf %parallel_loop3A_189, %parallel_loop3A_197 : vector<16xf32>
        %parallel_loop3A_199 = arith.constant 2 : i32
        %parallel_loop3A_200 = arith.index_cast %parallel_loop3A_199 : i32 to index
        %parallel_loop3A_201 = arith.index_cast %parallel_loop3A_125 : i32 to index
        %parallel_loop3A_202 = tpu.vector_load %arg10[%parallel_loop3A_200, %parallel_loop3A_201] {strides = array<i32>} : memref<16x2048xf32, #tpu.memory_space<vmem>>, vector<16xf32>,
        tpu.vector_store %arg10[%parallel_loop3A_200, %parallel_loop3A_201], %parallel_loop3A_198 {add = true, strides = array<i32>} : memref<16x2048xf32, #tpu.memory_space<vmem>>, vector<16xf32>,
        %parallel_loop3A_203 = tpu.vector_load_idx %arg8[%broadcast_in_dim3A_9, %parallel_loop3A_130] : memref<16x1024xf32, #tpu.memory_space<vmem>>[vector<16xi32>, vector<16xi32>], vector<16xf32>,
        %parallel_loop3A_204 = tpu.vector_load_idx %arg8[%broadcast_in_dim3A_9, %parallel_loop3A_133] : memref<16x1024xf32, #tpu.memory_space<vmem>>[vector<16xi32>, vector<16xi32>], vector<16xf32>,
        %parallel_loop3A_205 = arith.mulf %parallel_loop3A_203, %parallel_loop3A_149 : vector<16xf32>
        %parallel_loop3A_206 = arith.addf %parallel_loop3A_145, %parallel_loop3A_205 : vector<16xf32>
        %parallel_loop3A_207 = arith.constant 3 : i32
        %parallel_loop3A_208 = arith.index_cast %parallel_loop3A_207 : i32 to index
        %parallel_loop3A_209 = arith.index_cast %parallel_loop3A_125 : i32 to index
        %parallel_loop3A_210 = tpu.vector_load %arg10[%parallel_loop3A_208, %parallel_loop3A_209] {strides = array<i32>} : memref<16x2048xf32, #tpu.memory_space<vmem>>, vector<16xf32>,
        tpu.vector_store %arg10[%parallel_loop3A_208, %parallel_loop3A_209], %parallel_loop3A_206 {strides = array<i32>} : memref<16x2048xf32, #tpu.memory_space<vmem>>, vector<16xf32>,
        %parallel_loop3A_211 = arith.mulf %parallel_loop3A_203, %parallel_loop3A_157 : vector<16xf32>
        %parallel_loop3A_212 = arith.addf %parallel_loop3A_153, %parallel_loop3A_211 : vector<16xf32>
        %parallel_loop3A_213 = arith.mulf %parallel_loop3A_204, %parallel_loop3A_212 : vector<16xf32>
        %parallel_loop3A_214 = arith.constant 3 : i32
        %parallel_loop3A_215 = arith.index_cast %parallel_loop3A_214 : i32 to index
        %parallel_loop3A_216 = arith.index_cast %parallel_loop3A_125 : i32 to index
        %parallel_loop3A_217 = tpu.vector_load %arg10[%parallel_loop3A_215, %parallel_loop3A_216] {strides = array<i32>} : memref<16x2048xf32, #tpu.memory_space<vmem>>, vector<16xf32>,
        tpu.vector_store %arg10[%parallel_loop3A_215, %parallel_loop3A_216], %parallel_loop3A_213 {add = true, strides = array<i32>} : memref<16x2048xf32, #tpu.memory_space<vmem>>, vector<16xf32>,
        %parallel_loop3A_218 = tpu.vector_load_idx %arg8[%broadcast_in_dim3A_11, %parallel_loop3A_130] : memref<16x1024xf32, #tpu.memory_space<vmem>>[vector<16xi32>, vector<16xi32>], vector<16xf32>,
        %parallel_loop3A_219 = tpu.vector_load_idx %arg8[%broadcast_in_dim3A_11, %parallel_loop3A_133] : memref<16x1024xf32, #tpu.memory_space<vmem>>[vector<16xi32>, vector<16xi32>], vector<16xf32>,
        %parallel_loop3A_220 = arith.mulf %parallel_loop3A_218, %parallel_loop3A_149 : vector<16xf32>
        %parallel_loop3A_221 = arith.addf %parallel_loop3A_145, %parallel_loop3A_220 : vector<16xf32>
        %parallel_loop3A_222 = arith.constant 4 : i32
        %parallel_loop3A_223 = arith.index_cast %parallel_loop3A_222 : i32 to index
        %parallel_loop3A_224 = arith.index_cast %parallel_loop3A_125 : i32 to index
        %parallel_loop3A_225 = tpu.vector_load %arg10[%parallel_loop3A_223, %parallel_loop3A_224] {strides = array<i32>} : memref<16x2048xf32, #tpu.memory_space<vmem>>, vector<16xf32>,
        tpu.vector_store %arg10[%parallel_loop3A_223, %parallel_loop3A_224], %parallel_loop3A_221 {strides = array<i32>} : memref<16x2048xf32, #tpu.memory_space<vmem>>, vector<16xf32>,
        %parallel_loop3A_226 = arith.mulf %parallel_loop3A_218, %parallel_loop3A_157 : vector<16xf32>
        %parallel_loop3A_227 = arith.addf %parallel_loop3A_153, %parallel_loop3A_226 : vector<16xf32>
        %parallel_loop3A_228 = arith.mulf %parallel_loop3A_219, %parallel_loop3A_227 : vector<16xf32>
        %parallel_loop3A_229 = arith.constant 4 : i32
        %parallel_loop3A_230 = arith.index_cast %parallel_loop3A_229 : i32 to index
        %parallel_loop3A_231 = arith.index_cast %parallel_loop3A_125 : i32 to index
        %parallel_loop3A_232 = tpu.vector_load %arg10[%parallel_loop3A_230, %parallel_loop3A_231] {strides = array<i32>} : memref<16x2048xf32, #tpu.memory_space<vmem>>, vector<16xf32>,
        tpu.vector_store %arg10[%parallel_loop3A_230, %parallel_loop3A_231], %parallel_loop3A_228 {add = true, strides = array<i32>} : memref<16x2048xf32, #tpu.memory_space<vmem>>, vector<16xf32>,
        %parallel_loop3A_233 = tpu.vector_load_idx %arg8[%broadcast_in_dim3A_13, %parallel_loop3A_130] : memref<16x1024xf32, #tpu.memory_space<vmem>>[vector<16xi32>, vector<16xi32>], vector<16xf32>,
        %parallel_loop3A_234 = tpu.vector_load_idx %arg8[%broadcast_in_dim3A_13, %parallel_loop3A_133] : memref<16x1024xf32, #tpu.memory_space<vmem>>[vector<16xi32>, vector<16xi32>], vector<16xf32>,
        %parallel_loop3A_235 = arith.mulf %parallel_loop3A_233, %parallel_loop3A_149 : vector<16xf32>
        %parallel_loop3A_236 = arith.addf %parallel_loop3A_145, %parallel_loop3A_235 : vector<16xf32>
        %parallel_loop3A_237 = arith.constant 5 : i32
        %parallel_loop3A_238 = arith.index_cast %parallel_loop3A_237 : i32 to index
        %parallel_loop3A_239 = arith.index_cast %parallel_loop3A_125 : i32 to index
        %parallel_loop3A_240 = tpu.vector_load %arg10[%parallel_loop3A_238, %parallel_loop3A_239] {strides = array<i32>} : memref<16x2048xf32, #tpu.memory_space<vmem>>, vector<16xf32>,
        tpu.vector_store %arg10[%parallel_loop3A_238, %parallel_loop3A_239], %parallel_loop3A_236 {strides = array<i32>} : memref<16x2048xf32, #tpu.memory_space<vmem>>, vector<16xf32>,
        %parallel_loop3A_241 = arith.mulf %parallel_loop3A_233, %parallel_loop3A_157 : vector<16xf32>
        %parallel_loop3A_242 = arith.addf %parallel_loop3A_153, %parallel_loop3A_241 : vector<16xf32>
        %parallel_loop3A_243 = arith.mulf %parallel_loop3A_234, %parallel_loop3A_242 : vector<16xf32>
        %parallel_loop3A_244 = arith.constant 5 : i32
        %parallel_loop3A_245 = arith.index_cast %parallel_loop3A_244 : i32 to index
        %parallel_loop3A_246 = arith.index_cast %parallel_loop3A_125 : i32 to index
        %parallel_loop3A_247 = tpu.vector_load %arg10[%parallel_loop3A_245, %parallel_loop3A_246] {strides = array<i32>} : memref<16x2048xf32, #tpu.memory_space<vmem>>, vector<16xf32>,
        tpu.vector_store %arg10[%parallel_loop3A_245, %parallel_loop3A_246], %parallel_loop3A_243 {add = true, strides = array<i32>} : memref<16x2048xf32, #tpu.memory_space<vmem>>, vector<16xf32>,
        %parallel_loop3A_248 = tpu.vector_load_idx %arg8[%broadcast_in_dim3A_15, %parallel_loop3A_130] : memref<16x1024xf32, #tpu.memory_space<vmem>>[vector<16xi32>, vector<16xi32>], vector<16xf32>,
        %parallel_loop3A_249 = tpu.vector_load_idx %arg8[%broadcast_in_dim3A_15, %parallel_loop3A_133] : memref<16x1024xf32, #tpu.memory_space<vmem>>[vector<16xi32>, vector<16xi32>], vector<16xf32>,
        %parallel_loop3A_250 = arith.mulf %parallel_loop3A_248, %parallel_loop3A_149 : vector<16xf32>
        %parallel_loop3A_251 = arith.addf %parallel_loop3A_145, %parallel_loop3A_250 : vector<16xf32>
        %parallel_loop3A_252 = arith.constant 6 : i32
        %parallel_loop3A_253 = arith.index_cast %parallel_loop3A_252 : i32 to index
        %parallel_loop3A_254 = arith.index_cast %parallel_loop3A_125 : i32 to index
        %parallel_loop3A_255 = tpu.vector_load %arg10[%parallel_loop3A_253, %parallel_loop3A_254] {strides = array<i32>} : memref<16x2048xf32, #tpu.memory_space<vmem>>, vector<16xf32>,
        tpu.vector_store %arg10[%parallel_loop3A_253, %parallel_loop3A_254], %parallel_loop3A_251 {strides = array<i32>} : memref<16x2048xf32, #tpu.memory_space<vmem>>, vector<16xf32>,
        %parallel_loop3A_256 = arith.mulf %parallel_loop3A_248, %parallel_loop3A_157 : vector<16xf32>
        %parallel_loop3A_257 = arith.addf %parallel_loop3A_153, %parallel_loop3A_256 : vector<16xf32>
        %parallel_loop3A_258 = arith.mulf %parallel_loop3A_249, %parallel_loop3A_257 : vector<16xf32>
        %parallel_loop3A_259 = arith.constant 6 : i32
        %parallel_loop3A_260 = arith.index_cast %parallel_loop3A_259 : i32 to index
        %parallel_loop3A_261 = arith.index_cast %parallel_loop3A_125 : i32 to index
        %parallel_loop3A_262 = tpu.vector_load %arg10[%parallel_loop3A_260, %parallel_loop3A_261] {strides = array<i32>} : memref<16x2048xf32, #tpu.memory_space<vmem>>, vector<16xf32>,
        tpu.vector_store %arg10[%parallel_loop3A_260, %parallel_loop3A_261], %parallel_loop3A_258 {add = true, strides = array<i32>} : memref<16x2048xf32, #tpu.memory_space<vmem>>, vector<16xf32>,
        %parallel_loop3A_263 = tpu.vector_load_idx %arg8[%broadcast_in_dim3A_17, %parallel_loop3A_130] : memref<16x1024xf32, #tpu.memory_space<vmem>>[vector<16xi32>, vector<16xi32>], vector<16xf32>,
        %parallel_loop3A_264 = tpu.vector_load_idx %arg8[%broadcast_in_dim3A_17, %parallel_loop3A_133] : memref<16x1024xf32, #tpu.memory_space<vmem>>[vector<16xi32>, vector<16xi32>], vector<16xf32>,
        %parallel_loop3A_265 = arith.mulf %parallel_loop3A_263, %parallel_loop3A_149 : vector<16xf32>
        %parallel_loop3A_266 = arith.addf %parallel_loop3A_145, %parallel_loop3A_265 : vector<16xf32>
        %parallel_loop3A_267 = arith.constant 7 : i32
        %parallel_loop3A_268 = arith.index_cast %parallel_loop3A_267 : i32 to index
        %parallel_loop3A_269 = arith.index_cast %parallel_loop3A_125 : i32 to index
        %parallel_loop3A_270 = tpu.vector_load %arg10[%parallel_loop3A_268, %parallel_loop3A_269] {strides = array<i32>} : memref<16x2048xf32, #tpu.memory_space<vmem>>, vector<16xf32>,
        tpu.vector_store %arg10[%parallel_loop3A_268, %parallel_loop3A_269], %parallel_loop3A_266 {strides = array<i32>} : memref<16x2048xf32, #tpu.memory_space<vmem>>, vector<16xf32>,
        %parallel_loop3A_271 = arith.mulf %parallel_loop3A_263, %parallel_loop3A_157 : vector<16xf32>
        %parallel_loop3A_272 = arith.addf %parallel_loop3A_153, %parallel_loop3A_271 : vector<16xf32>
        %parallel_loop3A_273 = arith.mulf %parallel_loop3A_264, %parallel_loop3A_272 : vector<16xf32>
        %parallel_loop3A_274 = arith.constant 7 : i32
        %parallel_loop3A_275 = arith.index_cast %parallel_loop3A_274 : i32 to index
        %parallel_loop3A_276 = arith.index_cast %parallel_loop3A_125 : i32 to index
        %parallel_loop3A_277 = tpu.vector_load %arg10[%parallel_loop3A_275, %parallel_loop3A_276] {strides = array<i32>} : memref<16x2048xf32, #tpu.memory_space<vmem>>, vector<16xf32>,
        tpu.vector_store %arg10[%parallel_loop3A_275, %parallel_loop3A_276], %parallel_loop3A_273 {add = true, strides = array<i32>} : memref<16x2048xf32, #tpu.memory_space<vmem>>, vector<16xf32>,
        %parallel_loop3A_278 = tpu.vector_load_idx %arg8[%broadcast_in_dim3A_19, %parallel_loop3A_130] : memref<16x1024xf32, #tpu.memory_space<vmem>>[vector<16xi32>, vector<16xi32>], vector<16xf32>,
        %parallel_loop3A_279 = tpu.vector_load_idx %arg8[%broadcast_in_dim3A_19, %parallel_loop3A_133] : memref<16x1024xf32, #tpu.memory_space<vmem>>[vector<16xi32>, vector<16xi32>], vector<16xf32>,
        %parallel_loop3A_280 = arith.mulf %parallel_loop3A_278, %parallel_loop3A_149 : vector<16xf32>
        %parallel_loop3A_281 = arith.addf %parallel_loop3A_145, %parallel_loop3A_280 : vector<16xf32>
        %parallel_loop3A_282 = arith.constant 8 : i32
        %parallel_loop3A_283 = arith.index_cast %parallel_loop3A_282 : i32 to index
        %parallel_loop3A_284 = arith.index_cast %parallel_loop3A_125 : i32 to index
        %parallel_loop3A_285 = tpu.vector_load %arg10[%parallel_loop3A_283, %parallel_loop3A_284] {strides = array<i32>} : memref<16x2048xf32, #tpu.memory_space<vmem>>, vector<16xf32>,
        tpu.vector_store %arg10[%parallel_loop3A_283, %parallel_loop3A_284], %parallel_loop3A_281 {strides = array<i32>} : memref<16x2048xf32, #tpu.memory_space<vmem>>, vector<16xf32>,
        %parallel_loop3A_286 = arith.mulf %parallel_loop3A_278, %parallel_loop3A_157 : vector<16xf32>
        %parallel_loop3A_287 = arith.addf %parallel_loop3A_153, %parallel_loop3A_286 : vector<16xf32>
        %parallel_loop3A_288 = arith.mulf %parallel_loop3A_279, %parallel_loop3A_287 : vector<16xf32>
        %parallel_loop3A_289 = arith.constant 8 : i32
        %parallel_loop3A_290 = arith.index_cast %parallel_loop3A_289 : i32 to index
        %parallel_loop3A_291 = arith.index_cast %parallel_loop3A_125 : i32 to index
        %parallel_loop3A_292 = tpu.vector_load %arg10[%parallel_loop3A_290, %parallel_loop3A_291] {strides = array<i32>} : memref<16x2048xf32, #tpu.memory_space<vmem>>, vector<16xf32>,
        tpu.vector_store %arg10[%parallel_loop3A_290, %parallel_loop3A_291], %parallel_loop3A_288 {add = true, strides = array<i32>} : memref<16x2048xf32, #tpu.memory_space<vmem>>, vector<16xf32>,
        %parallel_loop3A_293 = tpu.vector_load_idx %arg8[%broadcast_in_dim3A_21, %parallel_loop3A_130] : memref<16x1024xf32, #tpu.memory_space<vmem>>[vector<16xi32>, vector<16xi32>], vector<16xf32>,
        %parallel_loop3A_294 = tpu.vector_load_idx %arg8[%broadcast_in_dim3A_21, %parallel_loop3A_133] : memref<16x1024xf32, #tpu.memory_space<vmem>>[vector<16xi32>, vector<16xi32>], vector<16xf32>,
        %parallel_loop3A_295 = arith.mulf %parallel_loop3A_293, %parallel_loop3A_149 : vector<16xf32>
        %parallel_loop3A_296 = arith.addf %parallel_loop3A_145, %parallel_loop3A_295 : vector<16xf32>
        %parallel_loop3A_297 = arith.constant 9 : i32
        %parallel_loop3A_298 = arith.index_cast %parallel_loop3A_297 : i32 to index
        %parallel_loop3A_299 = arith.index_cast %parallel_loop3A_125 : i32 to index
        %parallel_loop3A_300 = tpu.vector_load %arg10[%parallel_loop3A_298, %parallel_loop3A_299] {strides = array<i32>} : memref<16x2048xf32, #tpu.memory_space<vmem>>, vector<16xf32>,
        tpu.vector_store %arg10[%parallel_loop3A_298, %parallel_loop3A_299], %parallel_loop3A_296 {strides = array<i32>} : memref<16x2048xf32, #tpu.memory_space<vmem>>, vector<16xf32>,
        %parallel_loop3A_301 = arith.mulf %parallel_loop3A_293, %parallel_loop3A_157 : vector<16xf32>
        %parallel_loop3A_302 = arith.addf %parallel_loop3A_153, %parallel_loop3A_301 : vector<16xf32>
        %parallel_loop3A_303 = arith.mulf %parallel_loop3A_294, %parallel_loop3A_302 : vector<16xf32>
        %parallel_loop3A_304 = arith.constant 9 : i32
        %parallel_loop3A_305 = arith.index_cast %parallel_loop3A_304 : i32 to index
        %parallel_loop3A_306 = arith.index_cast %parallel_loop3A_125 : i32 to index
        %parallel_loop3A_307 = tpu.vector_load %arg10[%parallel_loop3A_305, %parallel_loop3A_306] {strides = array<i32>} : memref<16x2048xf32, #tpu.memory_space<vmem>>, vector<16xf32>,
        tpu.vector_store %arg10[%parallel_loop3A_305, %parallel_loop3A_306], %parallel_loop3A_303 {add = true, strides = array<i32>} : memref<16x2048xf32, #tpu.memory_space<vmem>>, vector<16xf32>,
        %parallel_loop3A_308 = tpu.vector_load_idx %arg8[%broadcast_in_dim3A_23, %parallel_loop3A_130] : memref<16x1024xf32, #tpu.memory_space<vmem>>[vector<16xi32>, vector<16xi32>], vector<16xf32>,
        %parallel_loop3A_309 = tpu.vector_load_idx %arg8[%broadcast_in_dim3A_23, %parallel_loop3A_133] : memref<16x1024xf32, #tpu.memory_space<vmem>>[vector<16xi32>, vector<16xi32>], vector<16xf32>,
        %parallel_loop3A_310 = arith.mulf %parallel_loop3A_308, %parallel_loop3A_149 : vector<16xf32>
        %parallel_loop3A_311 = arith.addf %parallel_loop3A_145, %parallel_loop3A_310 : vector<16xf32>
        %parallel_loop3A_312 = arith.constant 10 : i32
        %parallel_loop3A_313 = arith.index_cast %parallel_loop3A_312 : i32 to index
        %parallel_loop3A_314 = arith.index_cast %parallel_loop3A_125 : i32 to index
        %parallel_loop3A_315 = tpu.vector_load %arg10[%parallel_loop3A_313, %parallel_loop3A_314] {strides = array<i32>} : memref<16x2048xf32, #tpu.memory_space<vmem>>, vector<16xf32>,
        tpu.vector_store %arg10[%parallel_loop3A_313, %parallel_loop3A_314], %parallel_loop3A_311 {strides = array<i32>} : memref<16x2048xf32, #tpu.memory_space<vmem>>, vector<16xf32>,
        %parallel_loop3A_316 = arith.mulf %parallel_loop3A_308, %parallel_loop3A_157 : vector<16xf32>
        %parallel_loop3A_317 = arith.addf %parallel_loop3A_153, %parallel_loop3A_316 : vector<16xf32>
        %parallel_loop3A_318 = arith.mulf %parallel_loop3A_309, %parallel_loop3A_317 : vector<16xf32>
        %parallel_loop3A_319 = arith.constant 10 : i32
        %parallel_loop3A_320 = arith.index_cast %parallel_loop3A_319 : i32 to index
        %parallel_loop3A_321 = arith.index_cast %parallel_loop3A_125 : i32 to index
        %parallel_loop3A_322 = tpu.vector_load %arg10[%parallel_loop3A_320, %parallel_loop3A_321] {strides = array<i32>} : memref<16x2048xf32, #tpu.memory_space<vmem>>, vector<16xf32>,
        tpu.vector_store %arg10[%parallel_loop3A_320, %parallel_loop3A_321], %parallel_loop3A_318 {add = true, strides = array<i32>} : memref<16x2048xf32, #tpu.memory_space<vmem>>, vector<16xf32>,
        %parallel_loop3A_323 = tpu.vector_load_idx %arg8[%broadcast_in_dim3A_25, %parallel_loop3A_130] : memref<16x1024xf32, #tpu.memory_space<vmem>>[vector<16xi32>, vector<16xi32>], vector<16xf32>,
        %parallel_loop3A_324 = tpu.vector_load_idx %arg8[%broadcast_in_dim3A_25, %parallel_loop3A_133] : memref<16x1024xf32, #tpu.memory_space<vmem>>[vector<16xi32>, vector<16xi32>], vector<16xf32>,
        %parallel_loop3A_325 = arith.mulf %parallel_loop3A_323, %parallel_loop3A_149 : vector<16xf32>
        %parallel_loop3A_326 = arith.addf %parallel_loop3A_145, %parallel_loop3A_325 : vector<16xf32>
        %parallel_loop3A_327 = arith.constant 11 : i32
        %parallel_loop3A_328 = arith.index_cast %parallel_loop3A_327 : i32 to index
        %parallel_loop3A_329 = arith.index_cast %parallel_loop3A_125 : i32 to index
        %parallel_loop3A_330 = tpu.vector_load %arg10[%parallel_loop3A_328, %parallel_loop3A_329] {strides = array<i32>} : memref<16x2048xf32, #tpu.memory_space<vmem>>, vector<16xf32>,
        tpu.vector_store %arg10[%parallel_loop3A_328, %parallel_loop3A_329], %parallel_loop3A_326 {strides = array<i32>} : memref<16x2048xf32, #tpu.memory_space<vmem>>, vector<16xf32>,
        %parallel_loop3A_331 = arith.mulf %parallel_loop3A_323, %parallel_loop3A_157 : vector<16xf32>
        %parallel_loop3A_332 = arith.addf %parallel_loop3A_153, %parallel_loop3A_331 : vector<16xf32>
        %parallel_loop3A_333 = arith.mulf %parallel_loop3A_324, %parallel_loop3A_332 : vector<16xf32>
        %parallel_loop3A_334 = arith.constant 11 : i32
        %parallel_loop3A_335 = arith.index_cast %parallel_loop3A_334 : i32 to index
        %parallel_loop3A_336 = arith.index_cast %parallel_loop3A_125 : i32 to index
        %parallel_loop3A_337 = tpu.vector_load %arg10[%parallel_loop3A_335, %parallel_loop3A_336] {strides = array<i32>} : memref<16x2048xf32, #tpu.memory_space<vmem>>, vector<16xf32>,
        tpu.vector_store %arg10[%parallel_loop3A_335, %parallel_loop3A_336], %parallel_loop3A_333 {add = true, strides = array<i32>} : memref<16x2048xf32, #tpu.memory_space<vmem>>, vector<16xf32>,
        %parallel_loop3A_338 = tpu.vector_load_idx %arg8[%broadcast_in_dim3A_27, %parallel_loop3A_130] : memref<16x1024xf32, #tpu.memory_space<vmem>>[vector<16xi32>, vector<16xi32>], vector<16xf32>,
        %parallel_loop3A_339 = tpu.vector_load_idx %arg8[%broadcast_in_dim3A_27, %parallel_loop3A_133] : memref<16x1024xf32, #tpu.memory_space<vmem>>[vector<16xi32>, vector<16xi32>], vector<16xf32>,
        %parallel_loop3A_340 = arith.mulf %parallel_loop3A_338, %parallel_loop3A_149 : vector<16xf32>
        %parallel_loop3A_341 = arith.addf %parallel_loop3A_145, %parallel_loop3A_340 : vector<16xf32>
        %parallel_loop3A_342 = arith.constant 12 : i32
        %parallel_loop3A_343 = arith.index_cast %parallel_loop3A_342 : i32 to index
        %parallel_loop3A_344 = arith.index_cast %parallel_loop3A_125 : i32 to index
        %parallel_loop3A_345 = tpu.vector_load %arg10[%parallel_loop3A_343, %parallel_loop3A_344] {strides = array<i32>} : memref<16x2048xf32, #tpu.memory_space<vmem>>, vector<16xf32>,
        tpu.vector_store %arg10[%parallel_loop3A_343, %parallel_loop3A_344], %parallel_loop3A_341 {strides = array<i32>} : memref<16x2048xf32, #tpu.memory_space<vmem>>, vector<16xf32>,
        %parallel_loop3A_346 = arith.mulf %parallel_loop3A_338, %parallel_loop3A_157 : vector<16xf32>
        %parallel_loop3A_347 = arith.addf %parallel_loop3A_153, %parallel_loop3A_346 : vector<16xf32>
        %parallel_loop3A_348 = arith.mulf %parallel_loop3A_339, %parallel_loop3A_347 : vector<16xf32>
        %parallel_loop3A_349 = arith.constant 12 : i32
        %parallel_loop3A_350 = arith.index_cast %parallel_loop3A_349 : i32 to index
        %parallel_loop3A_351 = arith.index_cast %parallel_loop3A_125 : i32 to index
        %parallel_loop3A_352 = tpu.vector_load %arg10[%parallel_loop3A_350, %parallel_loop3A_351] {strides = array<i32>} : memref<16x2048xf32, #tpu.memory_space<vmem>>, vector<16xf32>,
        tpu.vector_store %arg10[%parallel_loop3A_350, %parallel_loop3A_351], %parallel_loop3A_348 {add = true, strides = array<i32>} : memref<16x2048xf32, #tpu.memory_space<vmem>>, vector<16xf32>,
        %parallel_loop3A_353 = tpu.vector_load_idx %arg8[%broadcast_in_dim3A_29, %parallel_loop3A_130] : memref<16x1024xf32, #tpu.memory_space<vmem>>[vector<16xi32>, vector<16xi32>], vector<16xf32>,
        %parallel_loop3A_354 = tpu.vector_load_idx %arg8[%broadcast_in_dim3A_29, %parallel_loop3A_133] : memref<16x1024xf32, #tpu.memory_space<vmem>>[vector<16xi32>, vector<16xi32>], vector<16xf32>,
        %parallel_loop3A_355 = arith.mulf %parallel_loop3A_353, %parallel_loop3A_149 : vector<16xf32>
        %parallel_loop3A_356 = arith.addf %parallel_loop3A_145, %parallel_loop3A_355 : vector<16xf32>
        %parallel_loop3A_357 = arith.constant 13 : i32
        %parallel_loop3A_358 = arith.index_cast %parallel_loop3A_357 : i32 to index
        %parallel_loop3A_359 = arith.index_cast %parallel_loop3A_125 : i32 to index
        %parallel_loop3A_360 = tpu.vector_load %arg10[%parallel_loop3A_358, %parallel_loop3A_359] {strides = array<i32>} : memref<16x2048xf32, #tpu.memory_space<vmem>>, vector<16xf32>,
        tpu.vector_store %arg10[%parallel_loop3A_358, %parallel_loop3A_359], %parallel_loop3A_356 {strides = array<i32>} : memref<16x2048xf32, #tpu.memory_space<vmem>>, vector<16xf32>,
        %parallel_loop3A_361 = arith.mulf %parallel_loop3A_353, %parallel_loop3A_157 : vector<16xf32>
        %parallel_loop3A_362 = arith.addf %parallel_loop3A_153, %parallel_loop3A_361 : vector<16xf32>
        %parallel_loop3A_363 = arith.mulf %parallel_loop3A_354, %parallel_loop3A_362 : vector<16xf32>
        %parallel_loop3A_364 = arith.constant 13 : i32
        %parallel_loop3A_365 = arith.index_cast %parallel_loop3A_364 : i32 to index
        %parallel_loop3A_366 = arith.index_cast %parallel_loop3A_125 : i32 to index
        %parallel_loop3A_367 = tpu.vector_load %arg10[%parallel_loop3A_365, %parallel_loop3A_366] {strides = array<i32>} : memref<16x2048xf32, #tpu.memory_space<vmem>>, vector<16xf32>,
        tpu.vector_store %arg10[%parallel_loop3A_365, %parallel_loop3A_366], %parallel_loop3A_363 {add = true, strides = array<i32>} : memref<16x2048xf32, #tpu.memory_space<vmem>>, vector<16xf32>,
        %parallel_loop3A_368 = tpu.vector_load_idx %arg8[%broadcast_in_dim3A_31, %parallel_loop3A_130] : memref<16x1024xf32, #tpu.memory_space<vmem>>[vector<16xi32>, vector<16xi32>], vector<16xf32>,
        %parallel_loop3A_369 = tpu.vector_load_idx %arg8[%broadcast_in_dim3A_31, %parallel_loop3A_133] : memref<16x1024xf32, #tpu.memory_space<vmem>>[vector<16xi32>, vector<16xi32>], vector<16xf32>,
        %parallel_loop3A_370 = arith.mulf %parallel_loop3A_368, %parallel_loop3A_149 : vector<16xf32>
        %parallel_loop3A_371 = arith.addf %parallel_loop3A_145, %parallel_loop3A_370 : vector<16xf32>
        %parallel_loop3A_372 = arith.constant 14 : i32
        %parallel_loop3A_373 = arith.index_cast %parallel_loop3A_372 : i32 to index
        %parallel_loop3A_374 = arith.index_cast %parallel_loop3A_125 : i32 to index
        %parallel_loop3A_375 = tpu.vector_load %arg10[%parallel_loop3A_373, %parallel_loop3A_374] {strides = array<i32>} : memref<16x2048xf32, #tpu.memory_space<vmem>>, vector<16xf32>,
        tpu.vector_store %arg10[%parallel_loop3A_373, %parallel_loop3A_374], %parallel_loop3A_371 {strides = array<i32>} : memref<16x2048xf32, #tpu.memory_space<vmem>>, vector<16xf32>,
        %parallel_loop3A_376 = arith.mulf %parallel_loop3A_368, %parallel_loop3A_157 : vector<16xf32>
        %parallel_loop3A_377 = arith.addf %parallel_loop3A_153, %parallel_loop3A_376 : vector<16xf32>
        %parallel_loop3A_378 = arith.mulf %parallel_loop3A_369, %parallel_loop3A_377 : vector<16xf32>
        %parallel_loop3A_379 = arith.constant 14 : i32
        %parallel_loop3A_380 = arith.index_cast %parallel_loop3A_379 : i32 to index
        %parallel_loop3A_381 = arith.index_cast %parallel_loop3A_125 : i32 to index
        %parallel_loop3A_382 = tpu.vector_load %arg10[%parallel_loop3A_380, %parallel_loop3A_381] {strides = array<i32>} : memref<16x2048xf32, #tpu.memory_space<vmem>>, vector<16xf32>,
        tpu.vector_store %arg10[%parallel_loop3A_380, %parallel_loop3A_381], %parallel_loop3A_378 {add = true, strides = array<i32>} : memref<16x2048xf32, #tpu.memory_space<vmem>>, vector<16xf32>,
        %parallel_loop3A_383 = tpu.vector_load_idx %arg8[%broadcast_in_dim3A_33, %parallel_loop3A_130] : memref<16x1024xf32, #tpu.memory_space<vmem>>[vector<16xi32>, vector<16xi32>], vector<16xf32>,
        %parallel_loop3A_384 = tpu.vector_load_idx %arg8[%broadcast_in_dim3A_33, %parallel_loop3A_133] : memref<16x1024xf32, #tpu.memory_space<vmem>>[vector<16xi32>, vector<16xi32>], vector<16xf32>,
        %parallel_loop3A_385 = arith.mulf %parallel_loop3A_383, %parallel_loop3A_149 : vector<16xf32>
        %parallel_loop3A_386 = arith.addf %parallel_loop3A_145, %parallel_loop3A_385 : vector<16xf32>
        %parallel_loop3A_387 = arith.constant 15 : i32
        %parallel_loop3A_388 = arith.index_cast %parallel_loop3A_387 : i32 to index
        %parallel_loop3A_389 = arith.index_cast %parallel_loop3A_125 : i32 to index
        %parallel_loop3A_390 = tpu.vector_load %arg10[%parallel_loop3A_388, %parallel_loop3A_389] {strides = array<i32>} : memref<16x2048xf32, #tpu.memory_space<vmem>>, vector<16xf32>,
        tpu.vector_store %arg10[%parallel_loop3A_388, %parallel_loop3A_389], %parallel_loop3A_386 {strides = array<i32>} : memref<16x2048xf32, #tpu.memory_space<vmem>>, vector<16xf32>,
        %parallel_loop3A_391 = arith.mulf %parallel_loop3A_383, %parallel_loop3A_157 : vector<16xf32>
        %parallel_loop3A_392 = arith.addf %parallel_loop3A_153, %parallel_loop3A_391 : vector<16xf32>
        %parallel_loop3A_393 = arith.mulf %parallel_loop3A_384, %parallel_loop3A_392 : vector<16xf32>
        %parallel_loop3A_394 = arith.constant 15 : i32
        %parallel_loop3A_395 = arith.index_cast %parallel_loop3A_394 : i32 to index
        %parallel_loop3A_396 = arith.index_cast %parallel_loop3A_125 : i32 to index
        %parallel_loop3A_397 = tpu.vector_load %arg10[%parallel_loop3A_395, %parallel_loop3A_396] {strides = array<i32>} : memref<16x2048xf32, #tpu.memory_space<vmem>>, vector<16xf32>,
        tpu.vector_store %arg10[%parallel_loop3A_395, %parallel_loop3A_396], %parallel_loop3A_393 {add = true, strides = array<i32>} : memref<16x2048xf32, #tpu.memory_space<vmem>>, vector<16xf32>,
      } {sc.loop_unroll_factor = 1 : i64, sc.parallel_access}
      %mul3A_77 = arith.constant 16 : i32
      %mul3A_78 = arith.muli %add3A_65, %mul3A_77 : i32
      %add3A_79 = arith.addi %mul3A_2, %mul3A_78 : i32
      %dma_start3A_80 = arith.constant 0 : i32
      %dma_start3A_81 = tpu.memref_slice %arg5[%add3A_79, %dma_start3A_80] : memref<4096x2048xf32, #tpu.memory_space<hbm>> -> memref<16x2048xf32, #tpu.memory_space<hbm>>
      %dma_start3A_82 = arith.constant 0 : i32
      %dma_start3A_83 = tpu.memref_slice %arg5[%add3A_79, %dma_start3A_82] : memref<4096x2048xf32, #tpu.memory_space<hbm>> -> memref<16x2048xf32, #tpu.memory_space<hbm>>
      tpu.enqueue_dma source(%arg10 : memref<16x2048xf32, #tpu.memory_space<vmem>>) target(%dma_start3A_83 : memref<16x2048xf32, #tpu.memory_space<hbm>>) target_semaphore(%arg14 : memref<!tpu.dma_semaphore, #tpu.memory_space<semaphore_mem>>)
      %add3A_84 = arith.constant 2 : i32
      %add3A_85 = arith.addi %add3A_65, %add3A_84 : i32
      %lt3A = arith.constant 8 : i32
      %lt3A_86 = arith.cmpi slt, %add3A_85, %lt3A : i32
      %convert_element_type3A_87 = arith.extui %lt3A_86 : i1 to i32
      %cond3A_88 = arith.constant 0 : i32
      %cond3A_89 = arith.cmpi ne, %convert_element_type3A_87, %cond3A_88 : i32
      scf.if %cond3A_89 {
        %add3A_123 = arith.constant 2 : i32
        %add3A_124 = arith.addi %add3A_65, %add3A_123 : i32
        %mul3A_125 = arith.constant 16 : i32
        %mul3A_126 = arith.muli %add3A_124, %mul3A_125 : i32
        %add3A_127 = arith.addi %mul3A_2, %mul3A_126 : i32
        %dma_start3A_128 = arith.constant 0 : i32
        %dma_start3A_129 = tpu.memref_slice %arg2[%add3A_127, %dma_start3A_128] : memref<4096x1024xf32, #tpu.memory_space<hbm>> -> memref<16x1024xf32, #tpu.memory_space<hbm>>
        %dma_start3A_130 = arith.constant 0 : i32
        %dma_start3A_131 = tpu.memref_slice %arg2[%add3A_127, %dma_start3A_130] : memref<4096x1024xf32, #tpu.memory_space<hbm>> -> memref<16x1024xf32, #tpu.memory_space<hbm>>
        tpu.enqueue_dma source(%dma_start3A_131 : memref<16x1024xf32, #tpu.memory_space<hbm>>) target(%arg8 : memref<16x1024xf32, #tpu.memory_space<vmem>>) target_semaphore(%arg12 : memref<!tpu.dma_semaphore, #tpu.memory_space<semaphore_mem>>)
      } else {
      }
      %mul3A_90 = arith.constant 2 : i32
      %mul3A_91 = arith.muli %mul3A_90, %scan3A_61 : i32
      %add3A_92 = arith.constant 1 : i32
      %add3A_93 = arith.addi %mul3A_91, %add3A_92 : i32
      %mul3A_94 = arith.constant 16 : i32
      %mul3A_95 = arith.muli %add3A_93, %mul3A_94 : i32
      %add3A_96 = arith.addi %mul3A_2, %mul3A_95 : i32
      %dma_wait3A_97 = arith.constant 0 : i32
      %dma_wait3A_98 = tpu.memref_slice %arg2[%add3A_96, %dma_wait3A_97] : memref<4096x1024xf32, #tpu.memory_space<hbm>> -> memref<16x1024xf32, #tpu.memory_space<hbm>>
      %dma_wait3A_99 = arith.constant 0 : i32
      %dma_wait3A_100 = tpu.memref_slice %arg2[%add3A_96, %dma_wait3A_99] : memref<4096x1024xf32, #tpu.memory_space<hbm>> -> memref<16x1024xf32, #tpu.memory_space<hbm>>
      tpu.wait_dma2 semaphore(%arg13 : memref<!tpu.dma_semaphore, #tpu.memory_space<semaphore_mem>>) src(%dma_wait3A_100 : memref<16x1024xf32, #tpu.memory_space<hbm>>) dst(%arg9 : memref<16x1024xf32, #tpu.memory_space<vmem>>)
      %gt3A_101 = arith.constant 0 : i32
      %gt3A_102 = arith.cmpi sgt, %scan3A_61, %gt3A_101 : i32
      %convert_element_type3A_103 = arith.extui %gt3A_102 : i1 to i32
      %cond3A_104 = arith.constant 0 : i32
      %cond3A_105 = arith.cmpi ne, %convert_element_type3A_103, %cond3A_104 : i32
      scf.if %cond3A_105 {
        %mul3A_123 = arith.constant 16 : i32
        %mul3A_124 = arith.muli %add3A_93, %mul3A_123 : i32
        %add3A_125 = arith.addi %mul3A_2, %mul3A_124 : i32
        %dma_wait3A_126 = arith.constant 0 : i32
        %dma_wait3A_127 = tpu.memref_slice %arg5[%add3A_125, %dma_wait3A_126] : memref<4096x2048xf32, #tpu.memory_space<hbm>> -> memref<16x2048xf32, #tpu.memory_space<hbm>>
        %dma_wait3A_128 = arith.constant 0 : i32
        %dma_wait3A_129 = tpu.memref_slice %arg5[%add3A_125, %dma_wait3A_128] : memref<4096x2048xf32, #tpu.memory_space<hbm>> -> memref<16x2048xf32, #tpu.memory_space<hbm>>
        tpu.wait_dma2 semaphore(%arg15 : memref<!tpu.dma_semaphore, #tpu.memory_space<semaphore_mem>>) src(%arg11 : memref<16x2048xf32, #tpu.memory_space<vmem>>) dst(%dma_wait3A_129 : memref<16x2048xf32, #tpu.memory_space<hbm>>)
      } else {
      }
      %parallel_loop3A_106 = arith.constant 0 : i32
      %parallel_loop3A_107 = arith.constant 128 : i32
      %parallel_loop3A_108 = arith.constant 1 : i32
      scf.for %parallel_loop3A_123 = %parallel_loop3A_106 to %parallel_loop3A_107 step %parallel_loop3A_108  : i32 {
        %parallel_loop3A_124 = arith.constant 16 : i32
        %parallel_loop3A_125 = arith.muli %parallel_loop3A_123, %parallel_loop3A_124 : i32
        %parallel_loop3A_126 = arith.index_cast %parallel_loop3A_125 : i32 to index
        %parallel_loop3A_127 = tpu.vector_load %arg6[%parallel_loop3A_126] {strides = array<i32>} : memref<2048xi32, #tpu.memory_space<vmem>>, vector<16xi32>,
        %parallel_loop3A_128 = arith.constant 65535 : i32
        %parallel_loop3A_129 = vector.broadcast %parallel_loop3A_128 : i32 to vector<16xi32>
        %parallel_loop3A_130 = arith.andi %parallel_loop3A_127, %parallel_loop3A_129 : vector<16xi32>
        %parallel_loop3A_131 = arith.constant 16 : i32
        %parallel_loop3A_132 = vector.broadcast %parallel_loop3A_131 : i32 to vector<16xi32>
        %parallel_loop3A_133 = arith.shrui %parallel_loop3A_127, %parallel_loop3A_132 : vector<16xi32>
        %parallel_loop3A_134 = arith.constant 0 : i32
        %parallel_loop3A_135 = arith.index_cast %parallel_loop3A_134 : i32 to index
        %parallel_loop3A_136 = arith.index_cast %parallel_loop3A_125 : i32 to index
        %parallel_loop3A_137 = tpu.vector_load %arg7[%parallel_loop3A_135, %parallel_loop3A_136] {strides = array<i32>} : memref<2x2048xi32, #tpu.memory_space<vmem>>, vector<16xi32>,
        %parallel_loop3A_138 = arith.constant 1 : i32
        %parallel_loop3A_139 = arith.index_cast %parallel_loop3A_138 : i32 to index
        %parallel_loop3A_140 = arith.index_cast %parallel_loop3A_125 : i32 to index
        %parallel_loop3A_141 = tpu.vector_load %arg7[%parallel_loop3A_139, %parallel_loop3A_140] {strides = array<i32>} : memref<2x2048xi32, #tpu.memory_space<vmem>>, vector<16xi32>,
        %parallel_loop3A_142 = arith.constant 16 : i32
        %parallel_loop3A_143 = vector.broadcast %parallel_loop3A_142 : i32 to vector<16xi32>
        %parallel_loop3A_144 = arith.shli %parallel_loop3A_137, %parallel_loop3A_143 : vector<16xi32>
        %parallel_loop3A_145 = vector.bitcast %parallel_loop3A_144 : vector<16xi32> to vector<16xf32>
        %parallel_loop3A_146 = arith.constant -65536 : i32
        %parallel_loop3A_147 = vector.broadcast %parallel_loop3A_146 : i32 to vector<16xi32>
        %parallel_loop3A_148 = arith.andi %parallel_loop3A_137, %parallel_loop3A_147 : vector<16xi32>
        %parallel_loop3A_149 = vector.bitcast %parallel_loop3A_148 : vector<16xi32> to vector<16xf32>
        %parallel_loop3A_150 = arith.constant 16 : i32
        %parallel_loop3A_151 = vector.broadcast %parallel_loop3A_150 : i32 to vector<16xi32>
        %parallel_loop3A_152 = arith.shli %parallel_loop3A_141, %parallel_loop3A_151 : vector<16xi32>
        %parallel_loop3A_153 = vector.bitcast %parallel_loop3A_152 : vector<16xi32> to vector<16xf32>
        %parallel_loop3A_154 = arith.constant -65536 : i32
        %parallel_loop3A_155 = vector.broadcast %parallel_loop3A_154 : i32 to vector<16xi32>
        %parallel_loop3A_156 = arith.andi %parallel_loop3A_141, %parallel_loop3A_155 : vector<16xi32>
        %parallel_loop3A_157 = vector.bitcast %parallel_loop3A_156 : vector<16xi32> to vector<16xf32>
        %parallel_loop3A_158 = tpu.vector_load_idx %arg9[%broadcast_in_dim3A_3, %parallel_loop3A_130] : memref<16x1024xf32, #tpu.memory_space<vmem>>[vector<16xi32>, vector<16xi32>], vector<16xf32>,
        %parallel_loop3A_159 = tpu.vector_load_idx %arg9[%broadcast_in_dim3A_3, %parallel_loop3A_133] : memref<16x1024xf32, #tpu.memory_space<vmem>>[vector<16xi32>, vector<16xi32>], vector<16xf32>,
        %parallel_loop3A_160 = arith.mulf %parallel_loop3A_158, %parallel_loop3A_149 : vector<16xf32>
        %parallel_loop3A_161 = arith.addf %parallel_loop3A_145, %parallel_loop3A_160 : vector<16xf32>
        %parallel_loop3A_162 = arith.constant 0 : i32
        %parallel_loop3A_163 = arith.index_cast %parallel_loop3A_162 : i32 to index
        %parallel_loop3A_164 = arith.index_cast %parallel_loop3A_125 : i32 to index
        %parallel_loop3A_165 = tpu.vector_load %arg11[%parallel_loop3A_163, %parallel_loop3A_164] {strides = array<i32>} : memref<16x2048xf32, #tpu.memory_space<vmem>>, vector<16xf32>,
        tpu.vector_store %arg11[%parallel_loop3A_163, %parallel_loop3A_164], %parallel_loop3A_161 {strides = array<i32>} : memref<16x2048xf32, #tpu.memory_space<vmem>>, vector<16xf32>,
        %parallel_loop3A_166 = arith.mulf %parallel_loop3A_158, %parallel_loop3A_157 : vector<16xf32>
        %parallel_loop3A_167 = arith.addf %parallel_loop3A_153, %parallel_loop3A_166 : vector<16xf32>
        %parallel_loop3A_168 = arith.mulf %parallel_loop3A_159, %parallel_loop3A_167 : vector<16xf32>
        %parallel_loop3A_169 = arith.constant 0 : i32
        %parallel_loop3A_170 = arith.index_cast %parallel_loop3A_169 : i32 to index
        %parallel_loop3A_171 = arith.index_cast %parallel_loop3A_125 : i32 to index
        %parallel_loop3A_172 = tpu.vector_load %arg11[%parallel_loop3A_170, %parallel_loop3A_171] {strides = array<i32>} : memref<16x2048xf32, #tpu.memory_space<vmem>>, vector<16xf32>,
        tpu.vector_store %arg11[%parallel_loop3A_170, %parallel_loop3A_171], %parallel_loop3A_168 {add = true, strides = array<i32>} : memref<16x2048xf32, #tpu.memory_space<vmem>>, vector<16xf32>,
        %parallel_loop3A_173 = tpu.vector_load_idx %arg9[%broadcast_in_dim3A_5, %parallel_loop3A_130] : memref<16x1024xf32, #tpu.memory_space<vmem>>[vector<16xi32>, vector<16xi32>], vector<16xf32>,
        %parallel_loop3A_174 = tpu.vector_load_idx %arg9[%broadcast_in_dim3A_5, %parallel_loop3A_133] : memref<16x1024xf32, #tpu.memory_space<vmem>>[vector<16xi32>, vector<16xi32>], vector<16xf32>,
        %parallel_loop3A_175 = arith.mulf %parallel_loop3A_173, %parallel_loop3A_149 : vector<16xf32>
        %parallel_loop3A_176 = arith.addf %parallel_loop3A_145, %parallel_loop3A_175 : vector<16xf32>
        %parallel_loop3A_177 = arith.constant 1 : i32
        %parallel_loop3A_178 = arith.index_cast %parallel_loop3A_177 : i32 to index
        %parallel_loop3A_179 = arith.index_cast %parallel_loop3A_125 : i32 to index
        %parallel_loop3A_180 = tpu.vector_load %arg11[%parallel_loop3A_178, %parallel_loop3A_179] {strides = array<i32>} : memref<16x2048xf32, #tpu.memory_space<vmem>>, vector<16xf32>,
        tpu.vector_store %arg11[%parallel_loop3A_178, %parallel_loop3A_179], %parallel_loop3A_176 {strides = array<i32>} : memref<16x2048xf32, #tpu.memory_space<vmem>>, vector<16xf32>,
        %parallel_loop3A_181 = arith.mulf %parallel_loop3A_173, %parallel_loop3A_157 : vector<16xf32>
        %parallel_loop3A_182 = arith.addf %parallel_loop3A_153, %parallel_loop3A_181 : vector<16xf32>
        %parallel_loop3A_183 = arith.mulf %parallel_loop3A_174, %parallel_loop3A_182 : vector<16xf32>
        %parallel_loop3A_184 = arith.constant 1 : i32
        %parallel_loop3A_185 = arith.index_cast %parallel_loop3A_184 : i32 to index
        %parallel_loop3A_186 = arith.index_cast %parallel_loop3A_125 : i32 to index
        %parallel_loop3A_187 = tpu.vector_load %arg11[%parallel_loop3A_185, %parallel_loop3A_186] {strides = array<i32>} : memref<16x2048xf32, #tpu.memory_space<vmem>>, vector<16xf32>,
        tpu.vector_store %arg11[%parallel_loop3A_185, %parallel_loop3A_186], %parallel_loop3A_183 {add = true, strides = array<i32>} : memref<16x2048xf32, #tpu.memory_space<vmem>>, vector<16xf32>,
        %parallel_loop3A_188 = tpu.vector_load_idx %arg9[%broadcast_in_dim3A_7, %parallel_loop3A_130] : memref<16x1024xf32, #tpu.memory_space<vmem>>[vector<16xi32>, vector<16xi32>], vector<16xf32>,
        %parallel_loop3A_189 = tpu.vector_load_idx %arg9[%broadcast_in_dim3A_7, %parallel_loop3A_133] : memref<16x1024xf32, #tpu.memory_space<vmem>>[vector<16xi32>, vector<16xi32>], vector<16xf32>,
        %parallel_loop3A_190 = arith.mulf %parallel_loop3A_188, %parallel_loop3A_149 : vector<16xf32>
        %parallel_loop3A_191 = arith.addf %parallel_loop3A_145, %parallel_loop3A_190 : vector<16xf32>
        %parallel_loop3A_192 = arith.constant 2 : i32
        %parallel_loop3A_193 = arith.index_cast %parallel_loop3A_192 : i32 to index
        %parallel_loop3A_194 = arith.index_cast %parallel_loop3A_125 : i32 to index
        %parallel_loop3A_195 = tpu.vector_load %arg11[%parallel_loop3A_193, %parallel_loop3A_194] {strides = array<i32>} : memref<16x2048xf32, #tpu.memory_space<vmem>>, vector<16xf32>,
        tpu.vector_store %arg11[%parallel_loop3A_193, %parallel_loop3A_194], %parallel_loop3A_191 {strides = array<i32>} : memref<16x2048xf32, #tpu.memory_space<vmem>>, vector<16xf32>,
        %parallel_loop3A_196 = arith.mulf %parallel_loop3A_188, %parallel_loop3A_157 : vector<16xf32>
        %parallel_loop3A_197 = arith.addf %parallel_loop3A_153, %parallel_loop3A_196 : vector<16xf32>
        %parallel_loop3A_198 = arith.mulf %parallel_loop3A_189, %parallel_loop3A_197 : vector<16xf32>
        %parallel_loop3A_199 = arith.constant 2 : i32
        %parallel_loop3A_200 = arith.index_cast %parallel_loop3A_199 : i32 to index
        %parallel_loop3A_201 = arith.index_cast %parallel_loop3A_125 : i32 to index
        %parallel_loop3A_202 = tpu.vector_load %arg11[%parallel_loop3A_200, %parallel_loop3A_201] {strides = array<i32>} : memref<16x2048xf32, #tpu.memory_space<vmem>>, vector<16xf32>,
        tpu.vector_store %arg11[%parallel_loop3A_200, %parallel_loop3A_201], %parallel_loop3A_198 {add = true, strides = array<i32>} : memref<16x2048xf32, #tpu.memory_space<vmem>>, vector<16xf32>,
        %parallel_loop3A_203 = tpu.vector_load_idx %arg9[%broadcast_in_dim3A_9, %parallel_loop3A_130] : memref<16x1024xf32, #tpu.memory_space<vmem>>[vector<16xi32>, vector<16xi32>], vector<16xf32>,
        %parallel_loop3A_204 = tpu.vector_load_idx %arg9[%broadcast_in_dim3A_9, %parallel_loop3A_133] : memref<16x1024xf32, #tpu.memory_space<vmem>>[vector<16xi32>, vector<16xi32>], vector<16xf32>,
        %parallel_loop3A_205 = arith.mulf %parallel_loop3A_203, %parallel_loop3A_149 : vector<16xf32>
        %parallel_loop3A_206 = arith.addf %parallel_loop3A_145, %parallel_loop3A_205 : vector<16xf32>
        %parallel_loop3A_207 = arith.constant 3 : i32
        %parallel_loop3A_208 = arith.index_cast %parallel_loop3A_207 : i32 to index
        %parallel_loop3A_209 = arith.index_cast %parallel_loop3A_125 : i32 to index
        %parallel_loop3A_210 = tpu.vector_load %arg11[%parallel_loop3A_208, %parallel_loop3A_209] {strides = array<i32>} : memref<16x2048xf32, #tpu.memory_space<vmem>>, vector<16xf32>,
        tpu.vector_store %arg11[%parallel_loop3A_208, %parallel_loop3A_209], %parallel_loop3A_206 {strides = array<i32>} : memref<16x2048xf32, #tpu.memory_space<vmem>>, vector<16xf32>,
        %parallel_loop3A_211 = arith.mulf %parallel_loop3A_203, %parallel_loop3A_157 : vector<16xf32>
        %parallel_loop3A_212 = arith.addf %parallel_loop3A_153, %parallel_loop3A_211 : vector<16xf32>
        %parallel_loop3A_213 = arith.mulf %parallel_loop3A_204, %parallel_loop3A_212 : vector<16xf32>
        %parallel_loop3A_214 = arith.constant 3 : i32
        %parallel_loop3A_215 = arith.index_cast %parallel_loop3A_214 : i32 to index
        %parallel_loop3A_216 = arith.index_cast %parallel_loop3A_125 : i32 to index
        %parallel_loop3A_217 = tpu.vector_load %arg11[%parallel_loop3A_215, %parallel_loop3A_216] {strides = array<i32>} : memref<16x2048xf32, #tpu.memory_space<vmem>>, vector<16xf32>,
        tpu.vector_store %arg11[%parallel_loop3A_215, %parallel_loop3A_216], %parallel_loop3A_213 {add = true, strides = array<i32>} : memref<16x2048xf32, #tpu.memory_space<vmem>>, vector<16xf32>,
        %parallel_loop3A_218 = tpu.vector_load_idx %arg9[%broadcast_in_dim3A_11, %parallel_loop3A_130] : memref<16x1024xf32, #tpu.memory_space<vmem>>[vector<16xi32>, vector<16xi32>], vector<16xf32>,
        %parallel_loop3A_219 = tpu.vector_load_idx %arg9[%broadcast_in_dim3A_11, %parallel_loop3A_133] : memref<16x1024xf32, #tpu.memory_space<vmem>>[vector<16xi32>, vector<16xi32>], vector<16xf32>,
        %parallel_loop3A_220 = arith.mulf %parallel_loop3A_218, %parallel_loop3A_149 : vector<16xf32>
        %parallel_loop3A_221 = arith.addf %parallel_loop3A_145, %parallel_loop3A_220 : vector<16xf32>
        %parallel_loop3A_222 = arith.constant 4 : i32
        %parallel_loop3A_223 = arith.index_cast %parallel_loop3A_222 : i32 to index
        %parallel_loop3A_224 = arith.index_cast %parallel_loop3A_125 : i32 to index
        %parallel_loop3A_225 = tpu.vector_load %arg11[%parallel_loop3A_223, %parallel_loop3A_224] {strides = array<i32>} : memref<16x2048xf32, #tpu.memory_space<vmem>>, vector<16xf32>,
        tpu.vector_store %arg11[%parallel_loop3A_223, %parallel_loop3A_224], %parallel_loop3A_221 {strides = array<i32>} : memref<16x2048xf32, #tpu.memory_space<vmem>>, vector<16xf32>,
        %parallel_loop3A_226 = arith.mulf %parallel_loop3A_218, %parallel_loop3A_157 : vector<16xf32>
        %parallel_loop3A_227 = arith.addf %parallel_loop3A_153, %parallel_loop3A_226 : vector<16xf32>
        %parallel_loop3A_228 = arith.mulf %parallel_loop3A_219, %parallel_loop3A_227 : vector<16xf32>
        %parallel_loop3A_229 = arith.constant 4 : i32
        %parallel_loop3A_230 = arith.index_cast %parallel_loop3A_229 : i32 to index
        %parallel_loop3A_231 = arith.index_cast %parallel_loop3A_125 : i32 to index
        %parallel_loop3A_232 = tpu.vector_load %arg11[%parallel_loop3A_230, %parallel_loop3A_231] {strides = array<i32>} : memref<16x2048xf32, #tpu.memory_space<vmem>>, vector<16xf32>,
        tpu.vector_store %arg11[%parallel_loop3A_230, %parallel_loop3A_231], %parallel_loop3A_228 {add = true, strides = array<i32>} : memref<16x2048xf32, #tpu.memory_space<vmem>>, vector<16xf32>,
        %parallel_loop3A_233 = tpu.vector_load_idx %arg9[%broadcast_in_dim3A_13, %parallel_loop3A_130] : memref<16x1024xf32, #tpu.memory_space<vmem>>[vector<16xi32>, vector<16xi32>], vector<16xf32>,
        %parallel_loop3A_234 = tpu.vector_load_idx %arg9[%broadcast_in_dim3A_13, %parallel_loop3A_133] : memref<16x1024xf32, #tpu.memory_space<vmem>>[vector<16xi32>, vector<16xi32>], vector<16xf32>,
        %parallel_loop3A_235 = arith.mulf %parallel_loop3A_233, %parallel_loop3A_149 : vector<16xf32>
        %parallel_loop3A_236 = arith.addf %parallel_loop3A_145, %parallel_loop3A_235 : vector<16xf32>
        %parallel_loop3A_237 = arith.constant 5 : i32
        %parallel_loop3A_238 = arith.index_cast %parallel_loop3A_237 : i32 to index
        %parallel_loop3A_239 = arith.index_cast %parallel_loop3A_125 : i32 to index
        %parallel_loop3A_240 = tpu.vector_load %arg11[%parallel_loop3A_238, %parallel_loop3A_239] {strides = array<i32>} : memref<16x2048xf32, #tpu.memory_space<vmem>>, vector<16xf32>,
        tpu.vector_store %arg11[%parallel_loop3A_238, %parallel_loop3A_239], %parallel_loop3A_236 {strides = array<i32>} : memref<16x2048xf32, #tpu.memory_space<vmem>>, vector<16xf32>,
        %parallel_loop3A_241 = arith.mulf %parallel_loop3A_233, %parallel_loop3A_157 : vector<16xf32>
        %parallel_loop3A_242 = arith.addf %parallel_loop3A_153, %parallel_loop3A_241 : vector<16xf32>
        %parallel_loop3A_243 = arith.mulf %parallel_loop3A_234, %parallel_loop3A_242 : vector<16xf32>
        %parallel_loop3A_244 = arith.constant 5 : i32
        %parallel_loop3A_245 = arith.index_cast %parallel_loop3A_244 : i32 to index
        %parallel_loop3A_246 = arith.index_cast %parallel_loop3A_125 : i32 to index
        %parallel_loop3A_247 = tpu.vector_load %arg11[%parallel_loop3A_245, %parallel_loop3A_246] {strides = array<i32>} : memref<16x2048xf32, #tpu.memory_space<vmem>>, vector<16xf32>,
        tpu.vector_store %arg11[%parallel_loop3A_245, %parallel_loop3A_246], %parallel_loop3A_243 {add = true, strides = array<i32>} : memref<16x2048xf32, #tpu.memory_space<vmem>>, vector<16xf32>,
        %parallel_loop3A_248 = tpu.vector_load_idx %arg9[%broadcast_in_dim3A_15, %parallel_loop3A_130] : memref<16x1024xf32, #tpu.memory_space<vmem>>[vector<16xi32>, vector<16xi32>], vector<16xf32>,
        %parallel_loop3A_249 = tpu.vector_load_idx %arg9[%broadcast_in_dim3A_15, %parallel_loop3A_133] : memref<16x1024xf32, #tpu.memory_space<vmem>>[vector<16xi32>, vector<16xi32>], vector<16xf32>,
        %parallel_loop3A_250 = arith.mulf %parallel_loop3A_248, %parallel_loop3A_149 : vector<16xf32>
        %parallel_loop3A_251 = arith.addf %parallel_loop3A_145, %parallel_loop3A_250 : vector<16xf32>
        %parallel_loop3A_252 = arith.constant 6 : i32
        %parallel_loop3A_253 = arith.index_cast %parallel_loop3A_252 : i32 to index
        %parallel_loop3A_254 = arith.index_cast %parallel_loop3A_125 : i32 to index
        %parallel_loop3A_255 = tpu.vector_load %arg11[%parallel_loop3A_253, %parallel_loop3A_254] {strides = array<i32>} : memref<16x2048xf32, #tpu.memory_space<vmem>>, vector<16xf32>,
        tpu.vector_store %arg11[%parallel_loop3A_253, %parallel_loop3A_254], %parallel_loop3A_251 {strides = array<i32>} : memref<16x2048xf32, #tpu.memory_space<vmem>>, vector<16xf32>,
        %parallel_loop3A_256 = arith.mulf %parallel_loop3A_248, %parallel_loop3A_157 : vector<16xf32>
        %parallel_loop3A_257 = arith.addf %parallel_loop3A_153, %parallel_loop3A_256 : vector<16xf32>
        %parallel_loop3A_258 = arith.mulf %parallel_loop3A_249, %parallel_loop3A_257 : vector<16xf32>
        %parallel_loop3A_259 = arith.constant 6 : i32
        %parallel_loop3A_260 = arith.index_cast %parallel_loop3A_259 : i32 to index
        %parallel_loop3A_261 = arith.index_cast %parallel_loop3A_125 : i32 to index
        %parallel_loop3A_262 = tpu.vector_load %arg11[%parallel_loop3A_260, %parallel_loop3A_261] {strides = array<i32>} : memref<16x2048xf32, #tpu.memory_space<vmem>>, vector<16xf32>,
        tpu.vector_store %arg11[%parallel_loop3A_260, %parallel_loop3A_261], %parallel_loop3A_258 {add = true, strides = array<i32>} : memref<16x2048xf32, #tpu.memory_space<vmem>>, vector<16xf32>,
        %parallel_loop3A_263 = tpu.vector_load_idx %arg9[%broadcast_in_dim3A_17, %parallel_loop3A_130] : memref<16x1024xf32, #tpu.memory_space<vmem>>[vector<16xi32>, vector<16xi32>], vector<16xf32>,
        %parallel_loop3A_264 = tpu.vector_load_idx %arg9[%broadcast_in_dim3A_17, %parallel_loop3A_133] : memref<16x1024xf32, #tpu.memory_space<vmem>>[vector<16xi32>, vector<16xi32>], vector<16xf32>,
        %parallel_loop3A_265 = arith.mulf %parallel_loop3A_263, %parallel_loop3A_149 : vector<16xf32>
        %parallel_loop3A_266 = arith.addf %parallel_loop3A_145, %parallel_loop3A_265 : vector<16xf32>
        %parallel_loop3A_267 = arith.constant 7 : i32
        %parallel_loop3A_268 = arith.index_cast %parallel_loop3A_267 : i32 to index
        %parallel_loop3A_269 = arith.index_cast %parallel_loop3A_125 : i32 to index
        %parallel_loop3A_270 = tpu.vector_load %arg11[%parallel_loop3A_268, %parallel_loop3A_269] {strides = array<i32>} : memref<16x2048xf32, #tpu.memory_space<vmem>>, vector<16xf32>,
        tpu.vector_store %arg11[%parallel_loop3A_268, %parallel_loop3A_269], %parallel_loop3A_266 {strides = array<i32>} : memref<16x2048xf32, #tpu.memory_space<vmem>>, vector<16xf32>,
        %parallel_loop3A_271 = arith.mulf %parallel_loop3A_263, %parallel_loop3A_157 : vector<16xf32>
        %parallel_loop3A_272 = arith.addf %parallel_loop3A_153, %parallel_loop3A_271 : vector<16xf32>
        %parallel_loop3A_273 = arith.mulf %parallel_loop3A_264, %parallel_loop3A_272 : vector<16xf32>
        %parallel_loop3A_274 = arith.constant 7 : i32
        %parallel_loop3A_275 = arith.index_cast %parallel_loop3A_274 : i32 to index
        %parallel_loop3A_276 = arith.index_cast %parallel_loop3A_125 : i32 to index
        %parallel_loop3A_277 = tpu.vector_load %arg11[%parallel_loop3A_275, %parallel_loop3A_276] {strides = array<i32>} : memref<16x2048xf32, #tpu.memory_space<vmem>>, vector<16xf32>,
        tpu.vector_store %arg11[%parallel_loop3A_275, %parallel_loop3A_276], %parallel_loop3A_273 {add = true, strides = array<i32>} : memref<16x2048xf32, #tpu.memory_space<vmem>>, vector<16xf32>,
        %parallel_loop3A_278 = tpu.vector_load_idx %arg9[%broadcast_in_dim3A_19, %parallel_loop3A_130] : memref<16x1024xf32, #tpu.memory_space<vmem>>[vector<16xi32>, vector<16xi32>], vector<16xf32>,
        %parallel_loop3A_279 = tpu.vector_load_idx %arg9[%broadcast_in_dim3A_19, %parallel_loop3A_133] : memref<16x1024xf32, #tpu.memory_space<vmem>>[vector<16xi32>, vector<16xi32>], vector<16xf32>,
        %parallel_loop3A_280 = arith.mulf %parallel_loop3A_278, %parallel_loop3A_149 : vector<16xf32>
        %parallel_loop3A_281 = arith.addf %parallel_loop3A_145, %parallel_loop3A_280 : vector<16xf32>
        %parallel_loop3A_282 = arith.constant 8 : i32
        %parallel_loop3A_283 = arith.index_cast %parallel_loop3A_282 : i32 to index
        %parallel_loop3A_284 = arith.index_cast %parallel_loop3A_125 : i32 to index
        %parallel_loop3A_285 = tpu.vector_load %arg11[%parallel_loop3A_283, %parallel_loop3A_284] {strides = array<i32>} : memref<16x2048xf32, #tpu.memory_space<vmem>>, vector<16xf32>,
        tpu.vector_store %arg11[%parallel_loop3A_283, %parallel_loop3A_284], %parallel_loop3A_281 {strides = array<i32>} : memref<16x2048xf32, #tpu.memory_space<vmem>>, vector<16xf32>,
        %parallel_loop3A_286 = arith.mulf %parallel_loop3A_278, %parallel_loop3A_157 : vector<16xf32>
        %parallel_loop3A_287 = arith.addf %parallel_loop3A_153, %parallel_loop3A_286 : vector<16xf32>
        %parallel_loop3A_288 = arith.mulf %parallel_loop3A_279, %parallel_loop3A_287 : vector<16xf32>
        %parallel_loop3A_289 = arith.constant 8 : i32
        %parallel_loop3A_290 = arith.index_cast %parallel_loop3A_289 : i32 to index
        %parallel_loop3A_291 = arith.index_cast %parallel_loop3A_125 : i32 to index
        %parallel_loop3A_292 = tpu.vector_load %arg11[%parallel_loop3A_290, %parallel_loop3A_291] {strides = array<i32>} : memref<16x2048xf32, #tpu.memory_space<vmem>>, vector<16xf32>,
        tpu.vector_store %arg11[%parallel_loop3A_290, %parallel_loop3A_291], %parallel_loop3A_288 {add = true, strides = array<i32>} : memref<16x2048xf32, #tpu.memory_space<vmem>>, vector<16xf32>,
        %parallel_loop3A_293 = tpu.vector_load_idx %arg9[%broadcast_in_dim3A_21, %parallel_loop3A_130] : memref<16x1024xf32, #tpu.memory_space<vmem>>[vector<16xi32>, vector<16xi32>], vector<16xf32>,
        %parallel_loop3A_294 = tpu.vector_load_idx %arg9[%broadcast_in_dim3A_21, %parallel_loop3A_133] : memref<16x1024xf32, #tpu.memory_space<vmem>>[vector<16xi32>, vector<16xi32>], vector<16xf32>,
        %parallel_loop3A_295 = arith.mulf %parallel_loop3A_293, %parallel_loop3A_149 : vector<16xf32>
        %parallel_loop3A_296 = arith.addf %parallel_loop3A_145, %parallel_loop3A_295 : vector<16xf32>
        %parallel_loop3A_297 = arith.constant 9 : i32
        %parallel_loop3A_298 = arith.index_cast %parallel_loop3A_297 : i32 to index
        %parallel_loop3A_299 = arith.index_cast %parallel_loop3A_125 : i32 to index
        %parallel_loop3A_300 = tpu.vector_load %arg11[%parallel_loop3A_298, %parallel_loop3A_299] {strides = array<i32>} : memref<16x2048xf32, #tpu.memory_space<vmem>>, vector<16xf32>,
        tpu.vector_store %arg11[%parallel_loop3A_298, %parallel_loop3A_299], %parallel_loop3A_296 {strides = array<i32>} : memref<16x2048xf32, #tpu.memory_space<vmem>>, vector<16xf32>,
        %parallel_loop3A_301 = arith.mulf %parallel_loop3A_293, %parallel_loop3A_157 : vector<16xf32>
        %parallel_loop3A_302 = arith.addf %parallel_loop3A_153, %parallel_loop3A_301 : vector<16xf32>
        %parallel_loop3A_303 = arith.mulf %parallel_loop3A_294, %parallel_loop3A_302 : vector<16xf32>
        %parallel_loop3A_304 = arith.constant 9 : i32
        %parallel_loop3A_305 = arith.index_cast %parallel_loop3A_304 : i32 to index
        %parallel_loop3A_306 = arith.index_cast %parallel_loop3A_125 : i32 to index
        %parallel_loop3A_307 = tpu.vector_load %arg11[%parallel_loop3A_305, %parallel_loop3A_306] {strides = array<i32>} : memref<16x2048xf32, #tpu.memory_space<vmem>>, vector<16xf32>,
        tpu.vector_store %arg11[%parallel_loop3A_305, %parallel_loop3A_306], %parallel_loop3A_303 {add = true, strides = array<i32>} : memref<16x2048xf32, #tpu.memory_space<vmem>>, vector<16xf32>,
        %parallel_loop3A_308 = tpu.vector_load_idx %arg9[%broadcast_in_dim3A_23, %parallel_loop3A_130] : memref<16x1024xf32, #tpu.memory_space<vmem>>[vector<16xi32>, vector<16xi32>], vector<16xf32>,
        %parallel_loop3A_309 = tpu.vector_load_idx %arg9[%broadcast_in_dim3A_23, %parallel_loop3A_133] : memref<16x1024xf32, #tpu.memory_space<vmem>>[vector<16xi32>, vector<16xi32>], vector<16xf32>,
        %parallel_loop3A_310 = arith.mulf %parallel_loop3A_308, %parallel_loop3A_149 : vector<16xf32>
        %parallel_loop3A_311 = arith.addf %parallel_loop3A_145, %parallel_loop3A_310 : vector<16xf32>
        %parallel_loop3A_312 = arith.constant 10 : i32
        %parallel_loop3A_313 = arith.index_cast %parallel_loop3A_312 : i32 to index
        %parallel_loop3A_314 = arith.index_cast %parallel_loop3A_125 : i32 to index
        %parallel_loop3A_315 = tpu.vector_load %arg11[%parallel_loop3A_313, %parallel_loop3A_314] {strides = array<i32>} : memref<16x2048xf32, #tpu.memory_space<vmem>>, vector<16xf32>,
        tpu.vector_store %arg11[%parallel_loop3A_313, %parallel_loop3A_314], %parallel_loop3A_311 {strides = array<i32>} : memref<16x2048xf32, #tpu.memory_space<vmem>>, vector<16xf32>,
        %parallel_loop3A_316 = arith.mulf %parallel_loop3A_308, %parallel_loop3A_157 : vector<16xf32>
        %parallel_loop3A_317 = arith.addf %parallel_loop3A_153, %parallel_loop3A_316 : vector<16xf32>
        %parallel_loop3A_318 = arith.mulf %parallel_loop3A_309, %parallel_loop3A_317 : vector<16xf32>
        %parallel_loop3A_319 = arith.constant 10 : i32
        %parallel_loop3A_320 = arith.index_cast %parallel_loop3A_319 : i32 to index
        %parallel_loop3A_321 = arith.index_cast %parallel_loop3A_125 : i32 to index
        %parallel_loop3A_322 = tpu.vector_load %arg11[%parallel_loop3A_320, %parallel_loop3A_321] {strides = array<i32>} : memref<16x2048xf32, #tpu.memory_space<vmem>>, vector<16xf32>,
        tpu.vector_store %arg11[%parallel_loop3A_320, %parallel_loop3A_321], %parallel_loop3A_318 {add = true, strides = array<i32>} : memref<16x2048xf32, #tpu.memory_space<vmem>>, vector<16xf32>,
        %parallel_loop3A_323 = tpu.vector_load_idx %arg9[%broadcast_in_dim3A_25, %parallel_loop3A_130] : memref<16x1024xf32, #tpu.memory_space<vmem>>[vector<16xi32>, vector<16xi32>], vector<16xf32>,
        %parallel_loop3A_324 = tpu.vector_load_idx %arg9[%broadcast_in_dim3A_25, %parallel_loop3A_133] : memref<16x1024xf32, #tpu.memory_space<vmem>>[vector<16xi32>, vector<16xi32>], vector<16xf32>,
        %parallel_loop3A_325 = arith.mulf %parallel_loop3A_323, %parallel_loop3A_149 : vector<16xf32>
        %parallel_loop3A_326 = arith.addf %parallel_loop3A_145, %parallel_loop3A_325 : vector<16xf32>
        %parallel_loop3A_327 = arith.constant 11 : i32
        %parallel_loop3A_328 = arith.index_cast %parallel_loop3A_327 : i32 to index
        %parallel_loop3A_329 = arith.index_cast %parallel_loop3A_125 : i32 to index
        %parallel_loop3A_330 = tpu.vector_load %arg11[%parallel_loop3A_328, %parallel_loop3A_329] {strides = array<i32>} : memref<16x2048xf32, #tpu.memory_space<vmem>>, vector<16xf32>,
        tpu.vector_store %arg11[%parallel_loop3A_328, %parallel_loop3A_329], %parallel_loop3A_326 {strides = array<i32>} : memref<16x2048xf32, #tpu.memory_space<vmem>>, vector<16xf32>,
        %parallel_loop3A_331 = arith.mulf %parallel_loop3A_323, %parallel_loop3A_157 : vector<16xf32>
        %parallel_loop3A_332 = arith.addf %parallel_loop3A_153, %parallel_loop3A_331 : vector<16xf32>
        %parallel_loop3A_333 = arith.mulf %parallel_loop3A_324, %parallel_loop3A_332 : vector<16xf32>
        %parallel_loop3A_334 = arith.constant 11 : i32
        %parallel_loop3A_335 = arith.index_cast %parallel_loop3A_334 : i32 to index
        %parallel_loop3A_336 = arith.index_cast %parallel_loop3A_125 : i32 to index
        %parallel_loop3A_337 = tpu.vector_load %arg11[%parallel_loop3A_335, %parallel_loop3A_336] {strides = array<i32>} : memref<16x2048xf32, #tpu.memory_space<vmem>>, vector<16xf32>,
        tpu.vector_store %arg11[%parallel_loop3A_335, %parallel_loop3A_336], %parallel_loop3A_333 {add = true, strides = array<i32>} : memref<16x2048xf32, #tpu.memory_space<vmem>>, vector<16xf32>,
        %parallel_loop3A_338 = tpu.vector_load_idx %arg9[%broadcast_in_dim3A_27, %parallel_loop3A_130] : memref<16x1024xf32, #tpu.memory_space<vmem>>[vector<16xi32>, vector<16xi32>], vector<16xf32>,
        %parallel_loop3A_339 = tpu.vector_load_idx %arg9[%broadcast_in_dim3A_27, %parallel_loop3A_133] : memref<16x1024xf32, #tpu.memory_space<vmem>>[vector<16xi32>, vector<16xi32>], vector<16xf32>,
        %parallel_loop3A_340 = arith.mulf %parallel_loop3A_338, %parallel_loop3A_149 : vector<16xf32>
        %parallel_loop3A_341 = arith.addf %parallel_loop3A_145, %parallel_loop3A_340 : vector<16xf32>
        %parallel_loop3A_342 = arith.constant 12 : i32
        %parallel_loop3A_343 = arith.index_cast %parallel_loop3A_342 : i32 to index
        %parallel_loop3A_344 = arith.index_cast %parallel_loop3A_125 : i32 to index
        %parallel_loop3A_345 = tpu.vector_load %arg11[%parallel_loop3A_343, %parallel_loop3A_344] {strides = array<i32>} : memref<16x2048xf32, #tpu.memory_space<vmem>>, vector<16xf32>,
        tpu.vector_store %arg11[%parallel_loop3A_343, %parallel_loop3A_344], %parallel_loop3A_341 {strides = array<i32>} : memref<16x2048xf32, #tpu.memory_space<vmem>>, vector<16xf32>,
        %parallel_loop3A_346 = arith.mulf %parallel_loop3A_338, %parallel_loop3A_157 : vector<16xf32>
        %parallel_loop3A_347 = arith.addf %parallel_loop3A_153, %parallel_loop3A_346 : vector<16xf32>
        %parallel_loop3A_348 = arith.mulf %parallel_loop3A_339, %parallel_loop3A_347 : vector<16xf32>
        %parallel_loop3A_349 = arith.constant 12 : i32
        %parallel_loop3A_350 = arith.index_cast %parallel_loop3A_349 : i32 to index
        %parallel_loop3A_351 = arith.index_cast %parallel_loop3A_125 : i32 to index
        %parallel_loop3A_352 = tpu.vector_load %arg11[%parallel_loop3A_350, %parallel_loop3A_351] {strides = array<i32>} : memref<16x2048xf32, #tpu.memory_space<vmem>>, vector<16xf32>,
        tpu.vector_store %arg11[%parallel_loop3A_350, %parallel_loop3A_351], %parallel_loop3A_348 {add = true, strides = array<i32>} : memref<16x2048xf32, #tpu.memory_space<vmem>>, vector<16xf32>,
        %parallel_loop3A_353 = tpu.vector_load_idx %arg9[%broadcast_in_dim3A_29, %parallel_loop3A_130] : memref<16x1024xf32, #tpu.memory_space<vmem>>[vector<16xi32>, vector<16xi32>], vector<16xf32>,
        %parallel_loop3A_354 = tpu.vector_load_idx %arg9[%broadcast_in_dim3A_29, %parallel_loop3A_133] : memref<16x1024xf32, #tpu.memory_space<vmem>>[vector<16xi32>, vector<16xi32>], vector<16xf32>,
        %parallel_loop3A_355 = arith.mulf %parallel_loop3A_353, %parallel_loop3A_149 : vector<16xf32>
        %parallel_loop3A_356 = arith.addf %parallel_loop3A_145, %parallel_loop3A_355 : vector<16xf32>
        %parallel_loop3A_357 = arith.constant 13 : i32
        %parallel_loop3A_358 = arith.index_cast %parallel_loop3A_357 : i32 to index
        %parallel_loop3A_359 = arith.index_cast %parallel_loop3A_125 : i32 to index
        %parallel_loop3A_360 = tpu.vector_load %arg11[%parallel_loop3A_358, %parallel_loop3A_359] {strides = array<i32>} : memref<16x2048xf32, #tpu.memory_space<vmem>>, vector<16xf32>,
        tpu.vector_store %arg11[%parallel_loop3A_358, %parallel_loop3A_359], %parallel_loop3A_356 {strides = array<i32>} : memref<16x2048xf32, #tpu.memory_space<vmem>>, vector<16xf32>,
        %parallel_loop3A_361 = arith.mulf %parallel_loop3A_353, %parallel_loop3A_157 : vector<16xf32>
        %parallel_loop3A_362 = arith.addf %parallel_loop3A_153, %parallel_loop3A_361 : vector<16xf32>
        %parallel_loop3A_363 = arith.mulf %parallel_loop3A_354, %parallel_loop3A_362 : vector<16xf32>
        %parallel_loop3A_364 = arith.constant 13 : i32
        %parallel_loop3A_365 = arith.index_cast %parallel_loop3A_364 : i32 to index
        %parallel_loop3A_366 = arith.index_cast %parallel_loop3A_125 : i32 to index
        %parallel_loop3A_367 = tpu.vector_load %arg11[%parallel_loop3A_365, %parallel_loop3A_366] {strides = array<i32>} : memref<16x2048xf32, #tpu.memory_space<vmem>>, vector<16xf32>,
        tpu.vector_store %arg11[%parallel_loop3A_365, %parallel_loop3A_366], %parallel_loop3A_363 {add = true, strides = array<i32>} : memref<16x2048xf32, #tpu.memory_space<vmem>>, vector<16xf32>,
        %parallel_loop3A_368 = tpu.vector_load_idx %arg9[%broadcast_in_dim3A_31, %parallel_loop3A_130] : memref<16x1024xf32, #tpu.memory_space<vmem>>[vector<16xi32>, vector<16xi32>], vector<16xf32>,
        %parallel_loop3A_369 = tpu.vector_load_idx %arg9[%broadcast_in_dim3A_31, %parallel_loop3A_133] : memref<16x1024xf32, #tpu.memory_space<vmem>>[vector<16xi32>, vector<16xi32>], vector<16xf32>,
        %parallel_loop3A_370 = arith.mulf %parallel_loop3A_368, %parallel_loop3A_149 : vector<16xf32>
        %parallel_loop3A_371 = arith.addf %parallel_loop3A_145, %parallel_loop3A_370 : vector<16xf32>
        %parallel_loop3A_372 = arith.constant 14 : i32
        %parallel_loop3A_373 = arith.index_cast %parallel_loop3A_372 : i32 to index
        %parallel_loop3A_374 = arith.index_cast %parallel_loop3A_125 : i32 to index
        %parallel_loop3A_375 = tpu.vector_load %arg11[%parallel_loop3A_373, %parallel_loop3A_374] {strides = array<i32>} : memref<16x2048xf32, #tpu.memory_space<vmem>>, vector<16xf32>,
        tpu.vector_store %arg11[%parallel_loop3A_373, %parallel_loop3A_374], %parallel_loop3A_371 {strides = array<i32>} : memref<16x2048xf32, #tpu.memory_space<vmem>>, vector<16xf32>,
        %parallel_loop3A_376 = arith.mulf %parallel_loop3A_368, %parallel_loop3A_157 : vector<16xf32>
        %parallel_loop3A_377 = arith.addf %parallel_loop3A_153, %parallel_loop3A_376 : vector<16xf32>
        %parallel_loop3A_378 = arith.mulf %parallel_loop3A_369, %parallel_loop3A_377 : vector<16xf32>
        %parallel_loop3A_379 = arith.constant 14 : i32
        %parallel_loop3A_380 = arith.index_cast %parallel_loop3A_379 : i32 to index
        %parallel_loop3A_381 = arith.index_cast %parallel_loop3A_125 : i32 to index
        %parallel_loop3A_382 = tpu.vector_load %arg11[%parallel_loop3A_380, %parallel_loop3A_381] {strides = array<i32>} : memref<16x2048xf32, #tpu.memory_space<vmem>>, vector<16xf32>,
        tpu.vector_store %arg11[%parallel_loop3A_380, %parallel_loop3A_381], %parallel_loop3A_378 {add = true, strides = array<i32>} : memref<16x2048xf32, #tpu.memory_space<vmem>>, vector<16xf32>,
        %parallel_loop3A_383 = tpu.vector_load_idx %arg9[%broadcast_in_dim3A_33, %parallel_loop3A_130] : memref<16x1024xf32, #tpu.memory_space<vmem>>[vector<16xi32>, vector<16xi32>], vector<16xf32>,
        %parallel_loop3A_384 = tpu.vector_load_idx %arg9[%broadcast_in_dim3A_33, %parallel_loop3A_133] : memref<16x1024xf32, #tpu.memory_space<vmem>>[vector<16xi32>, vector<16xi32>], vector<16xf32>,
        %parallel_loop3A_385 = arith.mulf %parallel_loop3A_383, %parallel_loop3A_149 : vector<16xf32>
        %parallel_loop3A_386 = arith.addf %parallel_loop3A_145, %parallel_loop3A_385 : vector<16xf32>
        %parallel_loop3A_387 = arith.constant 15 : i32
        %parallel_loop3A_388 = arith.index_cast %parallel_loop3A_387 : i32 to index
        %parallel_loop3A_389 = arith.index_cast %parallel_loop3A_125 : i32 to index
        %parallel_loop3A_390 = tpu.vector_load %arg11[%parallel_loop3A_388, %parallel_loop3A_389] {strides = array<i32>} : memref<16x2048xf32, #tpu.memory_space<vmem>>, vector<16xf32>,
        tpu.vector_store %arg11[%parallel_loop3A_388, %parallel_loop3A_389], %parallel_loop3A_386 {strides = array<i32>} : memref<16x2048xf32, #tpu.memory_space<vmem>>, vector<16xf32>,
        %parallel_loop3A_391 = arith.mulf %parallel_loop3A_383, %parallel_loop3A_157 : vector<16xf32>
        %parallel_loop3A_392 = arith.addf %parallel_loop3A_153, %parallel_loop3A_391 : vector<16xf32>
        %parallel_loop3A_393 = arith.mulf %parallel_loop3A_384, %parallel_loop3A_392 : vector<16xf32>
        %parallel_loop3A_394 = arith.constant 15 : i32
        %parallel_loop3A_395 = arith.index_cast %parallel_loop3A_394 : i32 to index
        %parallel_loop3A_396 = arith.index_cast %parallel_loop3A_125 : i32 to index
        %parallel_loop3A_397 = tpu.vector_load %arg11[%parallel_loop3A_395, %parallel_loop3A_396] {strides = array<i32>} : memref<16x2048xf32, #tpu.memory_space<vmem>>, vector<16xf32>,
        tpu.vector_store %arg11[%parallel_loop3A_395, %parallel_loop3A_396], %parallel_loop3A_393 {add = true, strides = array<i32>} : memref<16x2048xf32, #tpu.memory_space<vmem>>, vector<16xf32>,
      } {sc.loop_unroll_factor = 1 : i64, sc.parallel_access}
      %mul3A_109 = arith.constant 16 : i32
      %mul3A_110 = arith.muli %add3A_93, %mul3A_109 : i32
      %add3A_111 = arith.addi %mul3A_2, %mul3A_110 : i32
      %dma_start3A_112 = arith.constant 0 : i32
      %dma_start3A_113 = tpu.memref_slice %arg5[%add3A_111, %dma_start3A_112] : memref<4096x2048xf32, #tpu.memory_space<hbm>> -> memref<16x2048xf32, #tpu.memory_space<hbm>>
      %dma_start3A_114 = arith.constant 0 : i32
      %dma_start3A_115 = tpu.memref_slice %arg5[%add3A_111, %dma_start3A_114] : memref<4096x2048xf32, #tpu.memory_space<hbm>> -> memref<16x2048xf32, #tpu.memory_space<hbm>>
      tpu.enqueue_dma source(%arg11 : memref<16x2048xf32, #tpu.memory_space<vmem>>) target(%dma_start3A_115 : memref<16x2048xf32, #tpu.memory_space<hbm>>) target_semaphore(%arg15 : memref<!tpu.dma_semaphore, #tpu.memory_space<semaphore_mem>>)
      %add3A_116 = arith.constant 2 : i32
      %add3A_117 = arith.addi %add3A_93, %add3A_116 : i32
      %lt3A_118 = arith.constant 8 : i32
      %lt3A_119 = arith.cmpi slt, %add3A_117, %lt3A_118 : i32
      %convert_element_type3A_120 = arith.extui %lt3A_119 : i1 to i32
      %cond3A_121 = arith.constant 0 : i32
      %cond3A_122 = arith.cmpi ne, %convert_element_type3A_120, %cond3A_121 : i32
      scf.if %cond3A_122 {
        %add3A_123 = arith.constant 2 : i32
        %add3A_124 = arith.addi %add3A_93, %add3A_123 : i32
        %mul3A_125 = arith.constant 16 : i32
        %mul3A_126 = arith.muli %add3A_124, %mul3A_125 : i32
        %add3A_127 = arith.addi %mul3A_2, %mul3A_126 : i32
        %dma_start3A_128 = arith.constant 0 : i32
        %dma_start3A_129 = tpu.memref_slice %arg2[%add3A_127, %dma_start3A_128] : memref<4096x1024xf32, #tpu.memory_space<hbm>> -> memref<16x1024xf32, #tpu.memory_space<hbm>>
        %dma_start3A_130 = arith.constant 0 : i32
        %dma_start3A_131 = tpu.memref_slice %arg2[%add3A_127, %dma_start3A_130] : memref<4096x1024xf32, #tpu.memory_space<hbm>> -> memref<16x1024xf32, #tpu.memory_space<hbm>>
        tpu.enqueue_dma source(%dma_start3A_131 : memref<16x1024xf32, #tpu.memory_space<hbm>>) target(%arg9 : memref<16x1024xf32, #tpu.memory_space<vmem>>) target_semaphore(%arg13 : memref<!tpu.dma_semaphore, #tpu.memory_space<semaphore_mem>>)
      } else {
      }
    }
    %scan3A_49 = arith.constant 4 : i32
    %add3A_50 = arith.constant 96 : i32
    %add3A_51 = arith.addi %mul3A_2, %add3A_50 : i32
    %dma_wait3A = arith.constant 0 : i32
    %dma_wait3A_52 = tpu.memref_slice %arg5[%add3A_51, %dma_wait3A] : memref<4096x2048xf32, #tpu.memory_space<hbm>> -> memref<16x2048xf32, #tpu.memory_space<hbm>>
    %dma_wait3A_53 = arith.constant 0 : i32
    %dma_wait3A_54 = tpu.memref_slice %arg5[%add3A_51, %dma_wait3A_53] : memref<4096x2048xf32, #tpu.memory_space<hbm>> -> memref<16x2048xf32, #tpu.memory_space<hbm>>
    tpu.wait_dma2 semaphore(%arg14 : memref<!tpu.dma_semaphore, #tpu.memory_space<semaphore_mem>>) src(%arg10 : memref<16x2048xf32, #tpu.memory_space<vmem>>) dst(%dma_wait3A_54 : memref<16x2048xf32, #tpu.memory_space<hbm>>)
    %add3A_55 = arith.constant 112 : i32
    %add3A_56 = arith.addi %mul3A_2, %add3A_55 : i32
    %dma_wait3A_57 = arith.constant 0 : i32
    %dma_wait3A_58 = tpu.memref_slice %arg5[%add3A_56, %dma_wait3A_57] : memref<4096x2048xf32, #tpu.memory_space<hbm>> -> memref<16x2048xf32, #tpu.memory_space<hbm>>
    %dma_wait3A_59 = arith.constant 0 : i32
    %dma_wait3A_60 = tpu.memref_slice %arg5[%add3A_56, %dma_wait3A_59] : memref<4096x2048xf32, #tpu.memory_space<hbm>> -> memref<16x2048xf32, #tpu.memory_space<hbm>>
    tpu.wait_dma2 semaphore(%arg15 : memref<!tpu.dma_semaphore, #tpu.memory_space<semaphore_mem>>) src(%arg11 : memref<16x2048xf32, #tpu.memory_space<vmem>>) dst(%dma_wait3A_60 : memref<16x2048xf32, #tpu.memory_space<hbm>>)
    return
  }
}

module attributes {stable_mosaic.version = 14 : i64} {
  func.func @_coeff_body(%arg0: memref<16x2048xf32, #tpu.memory_space<vmem>>, %arg1: memref<4x16xf32, #tpu.memory_space<vmem>>, %arg2: memref<2048xi32, #tpu.memory_space<vmem>>, %arg3: memref<2048xi32, #tpu.memory_space<vmem>>, %arg4: memref<2x2048xi32, #tpu.memory_space<vmem>>, %arg5: memref<2048xi32, #tpu.memory_space<vmem>>) attributes {dimension_semantics = [], scalar_prefetch = 0 : i64, scratch_operands = 0 : i64, tpu.core_type = #tpu.core_type<tc>} {
    %get3A = arith.constant 0 : index
    %get3A_0 = arith.constant 0 : index
    %get3A_1 = vector.load %arg0[%get3A, %get3A_0] : memref<16x2048xf32, #tpu.memory_space<vmem>>, vector<16x2048xf32>
    %reduce_max3A = arith.constant dense<0xFF800000> : vector<2048xf32>
    %reduce_max3A_2 = vector.multi_reduction <maximumf>, %get3A_1, %reduce_max3A [0] : vector<16x2048xf32> to vector<2048xf32>
    %broadcast_in_dim3A = vector.shape_cast %reduce_max3A_2 : vector<2048xf32> to vector<1x2048xf32>
    %sub3A = vector.broadcast %broadcast_in_dim3A : vector<1x2048xf32> to vector<16x2048xf32>
    %sub3A_3 = arith.subf %get3A_1, %sub3A : vector<16x2048xf32>
    %exp3A = math.exp %sub3A_3 : vector<16x2048xf32>
    %reduce_sum3A = arith.constant dense<0.000000e+00> : vector<2048xf32>
    %reduce_sum3A_4 = vector.multi_reduction <add>, %exp3A, %reduce_sum3A [0] : vector<16x2048xf32> to vector<2048xf32>
    %broadcast_in_dim3A_5 = vector.shape_cast %reduce_sum3A_4 : vector<2048xf32> to vector<1x2048xf32>
    %div3A = vector.broadcast %broadcast_in_dim3A_5 : vector<1x2048xf32> to vector<16x2048xf32>
    %div3A_6 = arith.divf %exp3A, %div3A : vector<16x2048xf32>
    %get3A_7 = arith.constant 0 : index
    %get3A_8 = arith.constant 0 : index
    %get3A_9 = vector.load %arg1[%get3A_7, %get3A_8] : memref<4x16xf32, #tpu.memory_space<vmem>>, vector<4x16xf32>
    %dot_general3A = arith.constant dense<0.000000e+00> : vector<4x2048xf32>
    %dot_general3A_10 = tpu.matmul %get3A_9, %div3A_6, %dot_general3A {dimension_numbers = #tpu.dot_dimension_numbers<[1], [0], [0], [1], [0, 0, 1, 1], [], []>, precision = #tpu.contract_precision<fp32>, transpose_lhs_hint = false} : vector<4x16xf32>, vector<16x2048xf32>, vector<4x2048xf32> -> vector<4x2048xf32>
    %convert_element_type3A = arith.truncf %dot_general3A_10 : vector<4x2048xf32> to vector<4x2048xbf16>
    %bitcast_convert_type3A = tpu.bitcast %convert_element_type3A : vector<4x2048xbf16> -> vector<4x2048xi16>
    %convert_element_type3A_11 = arith.extui %bitcast_convert_type3A : vector<4x2048xi16> to vector<4x2048xi32>
    %slice3A = vector.extract_strided_slice %convert_element_type3A_11 {offsets = [0, 0], sizes = [1, 2048], strides = [1, 1]} : vector<4x2048xi32> to vector<1x2048xi32>
    %squeeze3A = vector.shape_cast %slice3A : vector<1x2048xi32> to vector<2048xi32>
    %slice3A_12 = vector.extract_strided_slice %convert_element_type3A_11 {offsets = [1, 0], sizes = [1, 2048], strides = [1, 1]} : vector<4x2048xi32> to vector<1x2048xi32>
    %squeeze3A_13 = vector.shape_cast %slice3A_12 : vector<1x2048xi32> to vector<2048xi32>
    %shift_left3A = arith.constant 16 : i32
    %shift_left3A_14 = vector.broadcast %shift_left3A : i32 to vector<2048xi32>
    %shift_left3A_15 = arith.shli %squeeze3A_13, %shift_left3A_14 : vector<2048xi32>
    %or3A = arith.ori %squeeze3A, %shift_left3A_15 : vector<2048xi32>
    %slice3A_16 = vector.extract_strided_slice %convert_element_type3A_11 {offsets = [2, 0], sizes = [1, 2048], strides = [1, 1]} : vector<4x2048xi32> to vector<1x2048xi32>
    %squeeze3A_17 = vector.shape_cast %slice3A_16 : vector<1x2048xi32> to vector<2048xi32>
    %slice3A_18 = vector.extract_strided_slice %convert_element_type3A_11 {offsets = [3, 0], sizes = [1, 2048], strides = [1, 1]} : vector<4x2048xi32> to vector<1x2048xi32>
    %squeeze3A_19 = vector.shape_cast %slice3A_18 : vector<1x2048xi32> to vector<2048xi32>
    %shift_left3A_20 = arith.constant 16 : i32
    %shift_left3A_21 = vector.broadcast %shift_left3A_20 : i32 to vector<2048xi32>
    %shift_left3A_22 = arith.shli %squeeze3A_19, %shift_left3A_21 : vector<2048xi32>
    %or3A_23 = arith.ori %squeeze3A_17, %shift_left3A_22 : vector<2048xi32>
    %stack3A = vector.shape_cast %or3A : vector<2048xi32> to vector<1x2048xi32>
    %stack3A_24 = vector.shape_cast %or3A_23 : vector<2048xi32> to vector<1x2048xi32>
    %stack3A_25 = tpu.concatenate %stack3A, %stack3A_24 in 0 : vector<1x2048xi32>, vector<1x2048xi32> -> vector<2x2048xi32>
    %bitcast_convert_type3A_26 = tpu.bitcast %stack3A_25 : vector<2x2048xi32> -> vector<2x2048xi32>
    %swap3A = arith.constant 0 : index
    %swap3A_27 = arith.constant 0 : index
    %swap3A_28 = vector.load %arg4[%swap3A, %swap3A_27] : memref<2x2048xi32, #tpu.memory_space<vmem>>, vector<2x2048xi32>
    tpu.vector_store %arg4[%swap3A, %swap3A_27], %bitcast_convert_type3A_26 {strides = array<i32>} : memref<2x2048xi32, #tpu.memory_space<vmem>>, vector<2x2048xi32>,
    %get3A_29 = arith.constant 0 : index
    %get3A_30 = vector.load %arg2[%get3A_29] : memref<2048xi32, #tpu.memory_space<vmem>>, vector<2048xi32>
    %get3A_31 = arith.constant 0 : index
    %get3A_32 = vector.load %arg3[%get3A_31] : memref<2048xi32, #tpu.memory_space<vmem>>, vector<2048xi32>
    %shift_left3A_33 = arith.constant 16 : i32
    %shift_left3A_34 = vector.broadcast %shift_left3A_33 : i32 to vector<2048xi32>
    %shift_left3A_35 = arith.shli %get3A_32, %shift_left3A_34 : vector<2048xi32>
    %or3A_36 = arith.ori %get3A_30, %shift_left3A_35 : vector<2048xi32>
    %swap3A_37 = arith.constant 0 : index
    %swap3A_38 = vector.load %arg5[%swap3A_37] : memref<2048xi32, #tpu.memory_space<vmem>>, vector<2048xi32>
    tpu.vector_store %arg5[%swap3A_37], %or3A_36 {strides = array<i32>} : memref<2048xi32, #tpu.memory_space<vmem>>, vector<2048xi32>,
    return
  }
}

</mosaic_0001>

<sc_bundles>
// kernel: kernel.4.cloned.1.call-start
scs
__scs_entry_jumppad:
0x0: {  	(pc) =	sbr.rel $0x88, $3  }
0x1: {  	(tag) =	ssettag $0x0;
	lr =	simm.s32 $0x1  }
0x2: {  	[smem:$0x3F9D] =	sst lr;
	_ =	strace $0xD0000000  }
0x3: {  	_ = 	snop  }
0x4: {  	_ = 	snop  }
0x5: {  	_ = 	snop  }
0x6: {  	_ = 	snop  }
0x7: {  	_ = 	snop  }
__scs_overlays_trampoline_lowered:
0x8: {  	[smem:$0x3FAC] =	sst s0  }
0x9: {  	[smem:$0x3FAD] =	sst s1  }
0xa: {  	[smem:$0x3FAE] =	sst s2  }
0xb: {  	[smem:$0x3FAF] =	sst s3  }
0xc: {  	[smem:$0x3FB0] =	sst s4  }
0xd: {  	[smem:$0x3FB1] =	sst s5  }
0xe: {  	[smem:$0x3FB2] =	sst s6  }
0xf: {  	[smem:$0x3FB3] =	sst s7  }
0x10: {  	[smem:$0x3FB4] =	sst s8  }
0x11: {  	[smem:$0x3FB5] =	sst s9;
	s0 =	simm.s32 @!p0 $0x0  }
0x12: {  	s1 =	sld [smem:$0x3F9B];
	s0 =	simm.s32 @p0 $0x1  }
0x13: {  	[smem:$0x3FB6] =	sst s0;
	s0 =	simm.s32 @!p1 $0x0  }
0x14: {  	s2 =	sld [smem:$0x3F9A];
	s0 =	simm.s32 @p1 $0x1  }
0x15: {  	[smem:$0x3FB7] =	sst s0;
	s0 =	simm.s32 @!p2 $0x0  }
0x16: {  	s3 =	sld [smem:$0x3FDB];
	s0 =	simm.s32 @p2 $0x1  }
0x17: {  	s4 =	simm.s32 $0x1BF5;
	[smem:$0x3FB9] =	sst s0  }
0x18: {  	s0 =	sld [smem:$0x3F9C];
	_ =	swait.ge [sflag:s4], $0x0  }
0x19: {  	s7 =	sld [smem:$0x3F9D]  }
0x1a: {  	s8 =	sadd.s32 $0xFFFFE003, lr  }
0x1b: {  	s9 =	sadd.s32 $0xFFFFFEF7, lr;
	s5 =	simm.s32 $0xFFFFFFFF;
	p2 =	slt.u32 s8, $0xFFFFF086  }
0x1c: {  	p1 =	slt.u32 s9, $0xF7A;
	s5 =	simm.s32 @!p2 $0x0  }
0x1d: {  	s5 =	simm.s32 @p1 $0x1;
	p0 =	seq.s32 s7, s2  }
0x1e: {  	s7 =	smul.u32 @!p0 $0xF7A, s2;
	p2 =	seq.s32 @!p0 s5, $0x0  }
0x1f: {  	s9 =	smul.u32 $0xF7A, s1;
	s8 =	simm.s32 @!p0 $0x1BF5;
	p2 =	por !p2, p0  }
0x20: {  	[sflag:s8] =	ssyncset.s32 @!p0 $0xFFFFF086;
	s6 =	sadd.s32 @!p0 s3, s7;
	s7 =	simm.s32 @!p0 $0x108  }
0x21: {  	s3 =	sadd.s32 s3, s9;
	s6 =	sadd.s32 @!p0 $0x88, s6;
	s7 =	simm.s32 @p2 $0x1082  }
0x22: {  	[simem:s7], [sflag:s8] =	dma.local @!p0 [hbm:s6], $0xF7A  }
0x23: {  	s9 =	sor.u32 $0xD0000000, s2;
	s6 =	simm.s32 $0x108;
	_ =	swait.ge @!p0 [sflag:s8], $0x0  }
0x24: {  	s3 =	sadd.s32 $0x88, s3;
	s6 =	simm.s32 @!p1 $0x1082;
	[sflag:s4] =	ssyncset.s32 $0xFFFFF086  }
0x25: {  	[simem:s6], [sflag:s4] =	dma.local [hbm:s3], $0xF7A  }
0x26: {  	[smem:$0x3F9D] =	sst s1;
	(tag) =	ssettag s2;
	_ =	strace s9  }
0x27: {  	s1 =	sld [smem:$0x3FAD]  }
0x28: {  	s2 =	sld [smem:$0x3FAE]  }
0x29: {  	s4 =	sld [smem:$0x3FB0]  }
0x2a: {  	p0 =	seq.s32 s5, $0x0;
	s5 =	sld [smem:$0x3FB1]  }
0x2b: {  	s6 =	sld [smem:$0x3FB2]  }
0x2c: {  	s7 =	sld [smem:$0x3FB3]  }
0x2d: {  	s3 =	simm.s32 $0x108;
	s8 =	sld [smem:$0x3FB4]  }
0x2e: {  	s3 =	simm.s32 @!p0 $0x1082;
	s9 =	sld [smem:$0x3FB5]  }
0x2f: {  	lr =	sadd.s32 s0, s3;
	s0 =	sld [smem:$0x3FAC]  }
0x30: {  	s3 =	sld [smem:$0x3FAF]  }
0x31: {  	[smem:$0x3FB8] =	sst s10  }
0x32: {  	s10 =	sld [smem:$0x3FB6];
	_ =	sdelay $0x3  }
0x33: {  	p0 =	seq.s32 s10, $0x1;
	s10 =	sld [smem:$0x3FB8];
	_ =	sdelay $0x3  }
0x34: {  	[smem:$0x3FB8] =	sst s10  }
0x35: {  	s10 =	sld [smem:$0x3FB7];
	_ =	sdelay $0x3  }
0x36: {  	p1 =	seq.s32 s10, $0x1;
	s10 =	sld [smem:$0x3FB8];
	_ =	sdelay $0x3  }
0x37: {  	[smem:$0x3FB8] =	sst s10  }
0x38: {  	s10 =	sld [smem:$0x3FB9]  }
0x39: {  	_ = 	snop;
	(pc) =	sbr.ind lr, $3  }
0x3a: {  	_ = 	snop  }
0x3b: {  	_ = 	snop  }
0x3c: {  	p2 =	seq.s32 s10, $0x1;
	s10 =	sld [smem:$0x3FB8]  }
0x3d: {  	_ =	shalt  }
0x3e: {  	_ =	shalt  }
0x3f: {  	_ =	shalt  }
0x40: {  	_ =	shalt  }
0x41: {  	_ =	shalt  }
0x42: {  	_ =	shalt  }
0x43: {  	_ =	shalt  }
0x44: {  	_ =	shalt  }
0x45: {  	_ =	shalt  }
0x46: {  	_ =	shalt  }
0x47: {  	_ =	shalt  }
0x48: {  	_ =	shalt  }
0x49: {  	_ =	shalt  }
0x4a: {  	_ =	shalt  }
0x4b: {  	_ =	shalt  }
0x4c: {  	_ =	shalt  }
0x4d: {  	_ =	shalt  }
0x4e: {  	_ =	shalt  }
0x4f: {  	_ =	shalt  }
0x50: {  	_ =	shalt  }
0x51: {  	_ =	shalt  }
0x52: {  	_ =	shalt  }
0x53: {  	_ =	shalt  }
0x54: {  	_ =	shalt  }
0x55: {  	_ =	shalt  }
0x56: {  	_ =	shalt  }
0x57: {  	_ =	shalt  }
0x58: {  	_ =	shalt  }
0x59: {  	_ =	shalt  }
0x5a: {  	_ =	shalt  }
0x5b: {  	_ =	shalt  }
0x5c: {  	_ =	shalt  }
0x5d: {  	_ =	shalt  }
0x5e: {  	_ =	shalt  }
0x5f: {  	_ =	shalt  }
0x60: {  	_ =	shalt  }
0x61: {  	_ =	shalt  }
0x62: {  	_ =	shalt  }
0x63: {  	_ =	shalt  }
0x64: {  	_ =	shalt  }
0x65: {  	_ =	shalt  }
0x66: {  	_ =	shalt  }
0x67: {  	_ =	shalt  }
0x68: {  	_ =	shalt  }
0x69: {  	_ =	shalt  }
0x6a: {  	_ =	shalt  }
0x6b: {  	_ =	shalt  }
0x6c: {  	_ =	shalt  }
0x6d: {  	_ =	shalt  }
0x6e: {  	_ =	shalt  }
0x6f: {  	_ =	shalt  }
0x70: {  	_ =	shalt  }
0x71: {  	_ =	shalt  }
0x72: {  	_ =	shalt  }
0x73: {  	_ =	shalt  }
0x74: {  	_ =	shalt  }
0x75: {  	_ =	shalt  }
0x76: {  	_ =	shalt  }
0x77: {  	_ =	shalt  }
0x78: {  	_ =	shalt  }
0x79: {  	_ =	shalt  }
0x7a: {  	_ =	shalt  }
0x7b: {  	_ =	shalt  }
0x7c: {  	_ =	shalt  }
0x7d: {  	_ =	shalt  }
0x7e: {  	_ =	shalt  }
0x7f: {  	_ =	shalt  }
0x80: {  	_ =	shalt  }
0x81: {  	_ =	shalt  }
0x82: {  	_ =	shalt  }
0x83: {  	_ =	shalt  }
0x84: {  	_ =	shalt  }
0x85: {  	_ =	shalt  }
0x86: {  	_ =	shalt  }
0x87: {  	_ =	shalt  }
.Lfunc_end0:
.L_simem_size_0:
called_computation_lowered:
.L_overlay_start_0:
0x88: {  	s2 =	sld [smem:$0x3FD9]  }
0x89: {  	s3 =	sld [smem:$0x3FFE];
	_ =	sdelay $0x1  }
0x8a: {  	s1 =	srdreg.scid  }
0x8b: {  	s0 =	sand.u32 $0x1, s1  }
0x8c: {  	s17 =	sshll.u32 s0, $0xA;
	s2 =	sadd.s32 s3, s2  }
0x8d: {  	s2 =	sadd.s32 s2, s17  }
0x8e: {  	[smem:$0x3FC4] =	sst s2  }
0x8f: {  	_ = 	snop  }
0x90: {  	s2 =	sld [smem:$0x3FC9]  }
0x91: {  	s18 =	sld [smem:$0x3FD0];
	(tm) =	ssettm $0x1  }
0x92: {  	s4 =	sld [smem:$0x3FFB];
	_ =	sdelay $0x3  }
0x93: {  	_ =	strace s4  }
0x94: {  	s4 =	sld [smem:$0x3FFC];
	_ =	sdelay $0x3  }
0x95: {  	_ =	strace s4  }
0x96: {  	s4 =	sld [smem:$0x3FFD];
	_ =	sdelay $0x3  }
0x97: {  	_ =	strace s4  }
0x98: {  	_ =	strace $0x8FFFFFFF  }
0x99: {  	s19 =	sld [smem:$0x3FDB];
	_ =	sdelay $0x1  }
0x9a: {  	s5 =	simm.s32 $_scs_section_size  }
0x9b: {  	s6 =	simm.s32 $_size__tile_overlayer_lowered;
	s7 =	simm.s32 $_tile_overlayer_lowered  }
0x9c: {  	s22 =	simm.s32 $0x1BFF;
	s21 =	sshll.u32 s7, $0x1;
	s4 =	sadd.s32 s5, s19  }
0x9d: {  	s8 =	simm.s32 $0x0;
	s20 =	sshll.u32 s6, $0x1;
	s6 =	sadd.s32 s21, s4  }
0x9e: {  	[timem:s8], [sflag:s22] =	dma.local [hbm:s6], s20  }
0x9f: {  	_ =	swait.ge [sflag:s22], s20  }
0xa0: {  	s5 =	ssub.s32 $0x0, s20;
	[sflag:s22] =	ssyncset.done $0x0  }
0xa1: {  	[sflag:s22] =	ssyncadd.s32 s5;
	_ =	sdelay $0x1  }
0xa2: {  	s23 =	simm.s32 $0x1B8B  }
0xa3: {  	_ =	swait.ge [sflag:s23], $0x1  }
0xa4: {  	[sflag:s23] =	ssyncset.done $0x0  }
0xa5: {  	s25 =	simm.s32 $0x1B8E;
	s24 =	sld [smem:$0x3FFE];
	[sflag:s23] =	ssyncadd.s32 $0xFFFFFFFF  }
0xa6: {  	s26 =	simm.s32 $execute0_lowered;
	[smem:$0x3FD2] =	sst s25  }
0xa7: {  	s6 =	sshll.u32 s26, $0x1;
	_ =	strace $0x80000046;
	[dreg:$0x1] =	wrdreg $0xFFFFFFFF  }
0xa8: {  	s28 =	simm.s32 $_size_execute0_lowered;
	s4 =	sadd.s32 s4, s6;
	[dreg:$0x0] =	wrdreg $0x0  }
0xa9: {  	s6 =	sshll.u32 s28, $0x1;
	[dreg:$0x2] =	wrdreg s4  }
0xaa: {  	[dreg:$0x3] =	wrdreg s6  }
0xab: {  	[dreg:$0x4] =	wrdreg $0xC0  }
0xac: {  	_ =	task [dreg:s8], $0x5FFFF  }
0xad: {  	[dreg:$0x1] =	wrdreg $0xFFFFFFFF  }
0xae: {  	[dreg:$0x0] =	wrdreg $0x60  }
0xaf: {  	[dreg:$0x2] =	wrdreg s2  }
0xb0: {  	[dreg:$0x3] =	wrdreg s24  }
0xb1: {  	[dreg:$0x4] =	wrdreg s18  }
0xb2: {  	[dreg:$0x5] =	wrdreg $0x9  }
0xb3: {  	_ =	task.clear_ibuf [dreg:s8], $0x6FFFF;
	_ =	strace $0x90000046  }
0xb4: {  	s29 =	simm.s32 $0x9;
	_ =	strace $0x80000048  }
0xb5: {  	_ =	swait.ge [sflag:s29], $0x1  }
0xb6: {  	[sflag:s29] =	ssyncadd.s32 $0xFFFFFFFF  }
0xb7: {  	_ =	strace $0x90000048  }
0xb8: {  	_ =	sfence  }
0xb9: {  	s30 =	sld [smem:$0x0];
	_ =	sdelay $0x2  }
0xba: {  	s31 =	sshll.u32 s1, $0xD;
	s1 =	sshrl.u32 s1, $0x2  }
0xbb: {  	s3 =	sand.u32 $0x4000, s31;
	s1 =	sadd.s32 s1, s30  }
0xbc: {  	s0 =	sor.u32 s3, s0;
	s1 =	sshll.u32 s1, $0x11  }
0xbd: {  	s0 =	sor.u32 s1, s0  }
0xbe: {  	s0 =	sadd.s32 $0x8F2B, s0  }
0xbf: {  	[sflag:s0] =	ssyncadd.remote.s32 $0x1  }
0xc0: {  	_ =	sfence.sel $0xFFFF  }
0xc1: {  	[dreg:$0x0] =	wrdreg $0xFFFFFFFF;
	(pc) =	sbr.abs _section_cstart, $3  }
0xc2: {  	[dreg:$0x1] =	wrdreg $0xFFFFFFFF  }
0xc3: {  	_ =	task.clear_ibuf [dreg:s8], $0x2FFFF;
	_ =	strace $0x9FFFFFFF  }
0xc4: {  	(tm) =	ssettm $0x7FFFFFFF  }
0xc5: {  	_ =	shalt  }
tec
execute0_lowered:
.L_overlay_start_1:
0x0: {  	(tag) =	ssettag $0x1  }
0x1: {  	s0 =	rddreg [dreg:$0x0]  }
0x2: {  	s1 =	rddreg [dreg:$0x1]  }
0x3: {  	s3 =	rddreg [dreg:$0x2];
	s4 =	srdreg.scid;
	s2 =	simm.s32 $0x0  }
0x4: {  	s5 =	stileid.u32;
	s12 =	simm.s32 $0x5;
	s14 =	simm.s32 $0x1800  }
0x5: {  	s15 =	simm.s32 $0x5800;
	s16 =	simm.s32 $0x1;
	s17 =	simm.s32 $0x9800  }
0x6: {  	s18 =	simm.s32 $0x2;
	s19 =	simm.s32 $0x4;
	s20 =	simm.s32 $0x11800  }
0x7: {  	s21 =	simm.s32 $0x3;
	s22 =	simm.s32 $0x0;
	s4 =	sand.u32 $0x1, s4  }
0x8: {  	[smem:$0x7FF] =	sst s2;
	s5 =	sshll.u32 s5, $0x8;
	s7 =	sadd.s32 $0x1200, s1  }
0x9: {  	s1 =	sadd.s32 $0x1400, s1;
	_ =	strace $0x80000047;
	[dreg:$0x4] =	wrdreg s7  }
0xa: {  	s6 =	sshll.u32 s4, $0x7;
	[dreg:$0x5] =	wrdreg s1;
	s26 =	ssub.s32 $0x2, s4  }
.Ltmp0:
0xb: {  	s6 =	sor.u32 s6, s5;
	s29 =	sshrl.u32 s26, $0x1;
	(pc) =	sbr.rel .LBB2_1-.Ltmp0, $4  }
0xc: {  	s28 =	sshll.u32 s6, $0x7;
	s30 =	sshll.u32 s6, $0x8;
	s1 =	ssub.s32 s26, s29  }
0xd: {  	s5 =	sadd.s32 s0, s28;
	s7 =	sadd.s32 s3, s30;
	s31 =	smax.u32 s1, $0x1  }
0xe: {  	s4 =	sadd.s32 $0x800, s5;
	s8 =	sadd.s32 $0x1000, s5;
	[dreg:$0x7] =	wrdreg s31  }
0xf: {  	s9 =	sadd.s32 $0x1800, s5;
	s11 =	sadd.s32 $0x1000, s7;
	[dreg:$0x6] =	wrdreg s4  }
.LBB2_12:
0x10: {  	_ =	swait.ge [sflag:s21], $0x8000  }
0x11: {  	[sflag:s21] =	ssyncset.done $0x0  }
0x12: {  	[sflag:s21] =	ssyncadd.s32 $0xFFFF8000  }
0x13: {  	_ =	swait.ge [sflag:s19], $0x8000  }
0x14: {  	s22 =	sadd.s32 $0x1, s22;
	s0 =	rddreg [dreg:$0x7]  }
0x15: {  	p0 =	sne.s32 s22, s0  }
.Ltmp1:
0x16: {  	_ = 	snop;
	(pc) =	sbr.rel @!p0 .LBB2_13-.Ltmp1, $3  }
0x17: {  	_ =	sdelay $0x1  }
0x18: {  	[sflag:s19] =	ssyncset.done $0x0  }
0x19: {  	[sflag:s19] =	ssyncadd.s32 $0xFFFF8000  }
.LBB2_1:
0x1a: {  	s0 =	rddreg [dreg:$0x5]  }
0x1b: {  	[tilespmem:s2], [sflag:$0x5] =	stream.linear.gather [hbm4b:s0+s2], $0x800, $0x38;
	[tilespmem:$0x19800] =	vst v63  }
0x1c: {  	_ =	swait.ge [sflag:s12], $0x800  }
0x1d: {  	[sflag:s12] =	ssyncset.done $0x0  }
0x1e: {  	s1 =	simm.s32 $0x800;
	s30 =	rddreg [dreg:$0x4];
	[sflag:s12] =	ssyncadd.s32 $0xFFFFF800  }
0x1f: {  	[tilespmem:s1], [sflag:$0x5] =	stream.linear.gather [hbm4b:s30+s2], $0x1000, $0x38;
	[tilespmem:$0x19800] =	vst v63  }
0x20: {  	_ =	swait.ge [sflag:s12], $0x1000  }
0x21: {  	[sflag:s12] =	ssyncset.done $0x0  }
0x22: {  	[sflag:s12] =	ssyncadd.s32 $0xFFFFF000  }
0x23: {  	[tilespmem:s14], [sflag:$0x1] =	stream.linear.gather [hbm4b:s5+s2], $0x4000, $0x38;
	[tilespmem:$0x19800] =	vst v63  }
0x24: {  	s23 =	simm.s32 $0x0;
	s31 =	rddreg [dreg:$0x6]  }
0x25: {  	[tilespmem:s15], [sflag:$0x2] =	stream.linear.gather [hbm4b:s31+s2], $0x4000, $0x38;
	[tilespmem:$0x19800] =	vst v63  }
.LBB2_2:
0x26: {  	_ =	swait.ge [sflag:s16], $0x4000  }
0x27: {  	p0 =	seq.s32 s23, $0x0;
	[sflag:s16] =	ssyncset.done $0x0  }
0x28: {  	s0 =	simm.s32 @!p0 $0x3;
	[sflag:s16] =	ssyncadd.s32 $0xFFFFC000  }
0x29: {  	_ =	swait.ge @!p0 [sflag:s0], $0x8000  }
0x2a: {  	[sflag:s0] =	ssyncset.done @!p0 $0x0  }
0x2b: {  	s30 =	simm.s32 $0x0;
	[sflag:s0] =	ssyncadd.s32 @!p0 $0xFFFF8000  }
0x2c: {  	v0 =	vld [tilespmem:s30+$0x0];
	_ =	sdelay $0x4  }
0x2d: {  	v1 =	vshll.u32 v0, $0x3  }
0x2e: {  	v2 =	vand.u32 $0x7F, v0;
	v1 =	vand.u32 $0x7FC00, v1  }
0x2f: {  	s1 =	simm.s32 $0x0;
	v25 =	vor.u32 v2, v1  }
0x30: {  	s1 =	sand.u32 $0xFFFFFF00, s1;
	s0 =	sand.u32 $0x70, s30  }
0x31: {  	s1 =	sor.u32 s0, s1;
	v1 =	vshrl.u32 v0, $0x10;
	v0 =	vshrl.u32 v0, $0xD  }
0x32: {  	v4 =	vld [tilespmem:s1+$0x800];
	v1 =	vand.u32 $0x7F, v1;
	v0 =	vand.u32 $0x7FC00, v0  }
0x33: {  	v5 =	vld [tilespmem:s1+$0x880];
	v7 =	vor.u32 v1, v0  }
0x34: {  	v1 =	vld.idx.msk [tilespmem:v25+s14+$0x0], $0xffff;
	_ =	sdelay $0x3  }
0x35: {  	v2 =	vand.u32 $0xFFFF0000, v5;
	v6 =	vld.idx.msk [tilespmem:v7+s14+$0x0], $0xffff  }
0x36: {  	v3 =	vand.u32 $0xFFFF0000, v4;
	v8 =	vmul.f32 v2, v1  }
0x37: {  	v0 =	vshll.u32 v5, $0x10;
	v5 =	vmul.f32 v3, v1  }
0x38: {  	s31 =	simm.s32 $0x0;
	v1 =	vshll.u32 v4, $0x10;
	v4 =	vadd.f32 v0, v8;
	v8 =	vor.u32 $0x80, v25  }
0x39: {  	s1 =	sand.u32 $0x3FFFFC00, s31;
	v5 =	vadd.f32 v1, v5  }
0x3a: {  	s25 =	sor.u32 s0, s1;
	v4 =	vmul.f32 v4, v6  }
0x3b: {  	[tilespmem:s25+$0x9800] =	vst v5  }
0x3c: {  	[tilespmem:s25+$0x9800] =	vst.add.f32.msk $0xffff, v4;
	v4 =	vor.u32 $0x80, v7  }
0x3d: {  	v5 =	vld.idx.msk [tilespmem:v8+s14+$0x0], $0xffff;
	_ =	sdelay $0x3  }
0x3e: {  	v4 =	vld.idx.msk [tilespmem:v4+s14+$0x0], $0xffff  }
0x3f: {  	v6 =	vmul.f32 v2, v5  }
0x40: {  	v5 =	vmul.f32 v3, v5  }
0x41: {  	v8 =	vor.u32 $0x100, v25;
	v6 =	vadd.f32 v0, v6  }
0x42: {  	v5 =	vadd.f32 v1, v5  }
0x43: {  	v4 =	vmul.f32 v6, v4  }
0x44: {  	[tilespmem:s25+$0x9880] =	vst v5  }
0x45: {  	[tilespmem:s25+$0x9880] =	vst.add.f32.msk $0xffff, v4;
	v4 =	vor.u32 $0x100, v7  }
0x46: {  	v5 =	vld.idx.msk [tilespmem:v8+s14+$0x0], $0xffff;
	_ =	sdelay $0x3  }
0x47: {  	v4 =	vld.idx.msk [tilespmem:v4+s14+$0x0], $0xffff  }
0x48: {  	v6 =	vmul.f32 v2, v5  }
0x49: {  	v5 =	vmul.f32 v3, v5  }
0x4a: {  	v8 =	vor.u32 $0x180, v25;
	v6 =	vadd.f32 v0, v6  }
0x4b: {  	v5 =	vadd.f32 v1, v5  }
0x4c: {  	s1 =	simm.s32 $0x10;
	v4 =	vmul.f32 v6, v4  }
0x4d: {  	v6 =	vld [tilespmem:s1+$0x0];
	[tilespmem:s25+$0x9900] =	vst v5  }
0x4e: {  	v5 =	vor.u32 $0x180, v7;
	[tilespmem:s25+$0x9900] =	vst.add.f32.msk $0xffff, v4  }
0x4f: {  	v4 =	vld.idx.msk [tilespmem:v8+s14+$0x0], $0xffff;
	_ =	sdelay $0x2  }
0x50: {  	v8 =	vshll.u32 v6, $0x3  }
0x51: {  	v9 =	vand.u32 $0x7F, v6;
	v5 =	vld.idx.msk [tilespmem:v5+s14+$0x0], $0xffff;
	v8 =	vand.u32 $0x7FC00, v8  }
0x52: {  	s3 =	simm.s32 $0x20;
	v8 =	vor.u32 v9, v8;
	v9 =	vmul.f32 v2, v4  }
0x53: {  	s0 =	sand.u32 $0x70, s1;
	v11 =	vor.u32 $0x200, v25;
	s1 =	sand.u32 $0xFFFFFF00, s3;
	v4 =	vmul.f32 v3, v4  }
0x54: {  	s1 =	sor.u32 s0, s1;
	v10 =	vshrl.u32 v6, $0x10;
	v6 =	vshrl.u32 v6, $0xD;
	v9 =	vadd.f32 v0, v9  }
0x55: {  	v12 =	vld [tilespmem:s1+$0x800];
	v10 =	vand.u32 $0x7F, v10;
	v6 =	vand.u32 $0x7FC00, v6;
	v4 =	vadd.f32 v1, v4  }
0x56: {  	v13 =	vld [tilespmem:s1+$0x880];
	v10 =	vor.u32 v10, v6;
	v5 =	vmul.f32 v9, v5  }
0x57: {  	v14 =	vld.idx.msk [tilespmem:v8+s14+$0x0], $0xffff;
	[tilespmem:s25+$0x9980] =	vst v4  }
0x58: {  	v15 =	vor.u32 $0x200, v7;
	[tilespmem:s25+$0x9980] =	vst.add.f32.msk $0xffff, v5  }
0x59: {  	v11 =	vld.idx.msk [tilespmem:v11+s14+$0x0], $0xffff;
	_ =	sdelay $0x1  }
0x5a: {  	v16 =	vld.idx.msk [tilespmem:v10+s14+$0x0], $0xffff;
	v9 =	vand.u32 $0xFFFF0000, v13  }
0x5b: {  	v5 =	vand.u32 $0xFFFF0000, v12;
	v17 =	vmul.f32 v9, v14  }
0x5c: {  	v6 =	vshll.u32 v13, $0x10;
	v4 =	vshll.u32 v12, $0x10;
	v12 =	vld.idx.msk [tilespmem:v15+s14+$0x0], $0xffff;
	v13 =	vmul.f32 v5, v14  }
0x5d: {  	s4 =	simm.s32 $0x80;
	v15 =	vor.u32 $0x80, v8;
	v14 =	vadd.f32 v6, v17;
	v17 =	vmul.f32 v2, v11  }
0x5e: {  	s1 =	sand.u32 $0x3FFFFC00, s4;
	v13 =	vadd.f32 v4, v13;
	v11 =	vmul.f32 v3, v11  }
0x5f: {  	s26 =	sor.u32 s0, s1;
	v14 =	vmul.f32 v14, v16;
	v16 =	vadd.f32 v0, v17;
	v17 =	vor.u32 $0x280, v25  }
0x60: {  	[tilespmem:s26+$0x9800] =	vst v13;
	v11 =	vadd.f32 v1, v11  }
0x61: {  	v13 =	vor.u32 $0x80, v10;
	[tilespmem:s26+$0x9800] =	vst.add.f32.msk $0xffff, v14;
	v12 =	vmul.f32 v16, v12  }
0x62: {  	v14 =	vld.idx.msk [tilespmem:v15+s14+$0x0], $0xffff;
	[tilespmem:s25+$0x9A00] =	vst v11  }
0x63: {  	v11 =	vor.u32 $0x280, v7;
	[tilespmem:s25+$0x9A00] =	vst.add.f32.msk $0xffff, v12  }
0x64: {  	v12 =	vld.idx.msk [tilespmem:v17+s14+$0x0], $0xffff;
	_ =	sdelay $0x1  }
0x65: {  	v13 =	vld.idx.msk [tilespmem:v13+s14+$0x0], $0xffff  }
0x66: {  	v15 =	vmul.f32 v9, v14  }
0x67: {  	v14 =	vmul.f32 v5, v14;
	v11 =	vld.idx.msk [tilespmem:v11+s14+$0x0], $0xffff  }
0x68: {  	v16 =	vor.u32 $0x100, v8;
	v15 =	vadd.f32 v6, v15;
	v17 =	vmul.f32 v2, v12  }
0x69: {  	v14 =	vadd.f32 v4, v14;
	v12 =	vmul.f32 v3, v12  }
0x6a: {  	v13 =	vmul.f32 v15, v13;
	v15 =	vadd.f32 v0, v17;
	v17 =	vor.u32 $0x300, v25  }
0x6b: {  	[tilespmem:s26+$0x9880] =	vst v14;
	v12 =	vadd.f32 v1, v12  }
0x6c: {  	[tilespmem:s26+$0x9880] =	vst.add.f32.msk $0xffff, v13;
	v13 =	vor.u32 $0x100, v10;
	v11 =	vmul.f32 v15, v11  }
0x6d: {  	v14 =	vld.idx.msk [tilespmem:v16+s14+$0x0], $0xffff;
	[tilespmem:s25+$0x9A80] =	vst v12  }
0x6e: {  	v12 =	vor.u32 $0x300, v7;
	[tilespmem:s25+$0x9A80] =	vst.add.f32.msk $0xffff, v11  }
0x6f: {  	v11 =	vld.idx.msk [tilespmem:v17+s14+$0x0], $0xffff;
	_ =	sdelay $0x1  }
0x70: {  	v13 =	vld.idx.msk [tilespmem:v13+s14+$0x0], $0xffff  }
0x71: {  	v15 =	vmul.f32 v9, v14  }
0x72: {  	v12 =	vld.idx.msk [tilespmem:v12+s14+$0x0], $0xffff;
	v14 =	vmul.f32 v5, v14  }
0x73: {  	v16 =	vor.u32 $0x180, v8;
	v15 =	vadd.f32 v6, v15;
	v17 =	vmul.f32 v2, v11  }
0x74: {  	s6 =	simm.s32 $0x20;
	v14 =	vadd.f32 v4, v14;
	v11 =	vmul.f32 v3, v11  }
0x75: {  	v18 =	vld [tilespmem:s6+$0x0];
	v13 =	vmul.f32 v15, v13;
	v15 =	vadd.f32 v0, v17;
	v17 =	vor.u32 $0x380, v25  }
0x76: {  	[tilespmem:s26+$0x9900] =	vst v14;
	v11 =	vadd.f32 v1, v11  }
0x77: {  	v14 =	vor.u32 $0x180, v10;
	[tilespmem:s26+$0x9900] =	vst.add.f32.msk $0xffff, v13;
	v12 =	vmul.f32 v15, v12  }
0x78: {  	v13 =	vld.idx.msk [tilespmem:v16+s14+$0x0], $0xffff;
	[tilespmem:s25+$0x9B00] =	vst v11  }
0x79: {  	v11 =	vor.u32 $0x380, v7;
	[tilespmem:s25+$0x9B00] =	vst.add.f32.msk $0xffff, v12  }
0x7a: {  	v15 =	vshll.u32 v18, $0x3;
	v16 =	vshrl.u32 v18, $0xD;
	v17 =	vld.idx.msk [tilespmem:v17+s14+$0x0], $0xffff  }
0x7b: {  	v15 =	vand.u32 $0x7FC00, v15;
	v12 =	vshrl.u32 v18, $0x10;
	v18 =	vand.u32 $0x7F, v18  }
0x7c: {  	s10 =	simm.s32 $0x40;
	v19 =	vand.u32 $0x7FC00, v16;
	v14 =	vld.idx.msk [tilespmem:v14+s14+$0x0], $0xffff;
	v12 =	vand.u32 $0x7F, v12;
	v16 =	vor.u32 v18, v15  }
0x7d: {  	s0 =	sand.u32 $0x70, s6;
	s1 =	sand.u32 $0xFFFFFF00, s10;
	v15 =	vor.u32 v12, v19;
	v12 =	vmul.f32 v9, v13  }
0x7e: {  	s1 =	sor.u32 s0, s1;
	v11 =	vld.idx.msk [tilespmem:v11+s14+$0x0], $0xffff;
	v13 =	vmul.f32 v5, v13  }
0x7f: {  	v21 =	vld [tilespmem:s1+$0x880];
	v19 =	vor.u32 $0x200, v8;
	v12 =	vadd.f32 v6, v12;
	v20 =	vmul.f32 v2, v17  }
0x80: {  	v18 =	vld [tilespmem:s1+$0x800];
	v13 =	vadd.f32 v4, v13;
	v17 =	vmul.f32 v3, v17  }
0x81: {  	v22 =	vld.idx.msk [tilespmem:v16+s14+$0x0], $0xffff;
	v12 =	vmul.f32 v12, v14;
	v14 =	vadd.f32 v0, v20;
	v20 =	vadd.s32 $0x2000, v25  }
0x82: {  	v23 =	vld.idx.msk [tilespmem:v15+s14+$0x0], $0xffff;
	[tilespmem:s26+$0x9980] =	vst v13;
	v13 =	vadd.f32 v1, v17  }
0x83: {  	v17 =	vor.u32 $0x200, v10;
	[tilespmem:s26+$0x9980] =	vst.add.f32.msk $0xffff, v12;
	v11 =	vmul.f32 v14, v11  }
0x84: {  	v19 =	vld.idx.msk [tilespmem:v19+s14+$0x0], $0xffff;
	[tilespmem:s25+$0x9B80] =	vst v13  }
0x85: {  	v24 =	vadd.s32 $0x2000, v7;
	v13 =	vand.u32 $0xFFFF0000, v21;
	[tilespmem:s25+$0x9B80] =	vst.add.f32.msk $0xffff, v11  }
0x86: {  	v14 =	vand.u32 $0xFFFF0000, v18;
	v26 =	vmul.f32 v13, v22;
	v20 =	vld.idx.msk [tilespmem:v20+s14+$0x0], $0xffff  }
0x87: {  	v11 =	vshll.u32 v21, $0x10;
	v21 =	vmul.f32 v14, v22  }
0x88: {  	s13 =	simm.s32 $0x100;
	v12 =	vshll.u32 v18, $0x10;
	v22 =	vor.u32 $0x80, v16;
	v18 =	vadd.f32 v11, v26;
	v17 =	vld.idx.msk [tilespmem:v17+s14+$0x0], $0xffff  }
0x89: {  	s1 =	sand.u32 $0x3FFFFC00, s13;
	v26 =	vor.u32 $0x80, v15;
	v21 =	vadd.f32 v12, v21;
	v27 =	vmul.f32 v9, v19  }
0x8a: {  	s28 =	sor.u32 s0, s1;
	v18 =	vmul.f32 v18, v23;
	v19 =	vmul.f32 v5, v19;
	v23 =	vld.idx.msk [tilespmem:v24+s14+$0x0], $0xffff  }
0x8b: {  	v24 =	vor.u32 $0x280, v8;
	[tilespmem:s28+$0x9800] =	vst v21;
	v21 =	vadd.f32 v6, v27;
	v27 =	vmul.f32 v2, v20  }
0x8c: {  	[tilespmem:s28+$0x9800] =	vst.add.f32.msk $0xffff, v18;
	v18 =	vadd.f32 v4, v19;
	v19 =	vmul.f32 v3, v20  }
0x8d: {  	v20 =	vld.idx.msk [tilespmem:v22+s14+$0x0], $0xffff;
	v22 =	vadd.s32 $0x2080, v25;
	v17 =	vmul.f32 v21, v17;
	v21 =	vadd.f32 v0, v27  }
0x8e: {  	v26 =	vld.idx.msk [tilespmem:v26+s14+$0x0], $0xffff;
	[tilespmem:s26+$0x9A00] =	vst v18;
	v18 =	vadd.f32 v1, v19  }
0x8f: {  	v19 =	vor.u32 $0x280, v10;
	[tilespmem:s26+$0x9A00] =	vst.add.f32.msk $0xffff, v17;
	v17 =	vmul.f32 v21, v23  }
0x90: {  	v21 =	vld.idx.msk [tilespmem:v24+s14+$0x0], $0xffff;
	[tilespmem:s25+$0xD800] =	vst v18  }
0x91: {  	[tilespmem:s25+$0xD800] =	vst.add.f32.msk $0xffff, v17;
	v17 =	vadd.s32 $0x2080, v7  }
0x92: {  	v18 =	vmul.f32 v13, v20;
	v22 =	vld.idx.msk [tilespmem:v22+s14+$0x0], $0xffff  }
0x93: {  	v20 =	vmul.f32 v14, v20  }
0x94: {  	s24 =	simm.s32 $0x30;
	s30 =	simm.s32 $0x60;
	v24 =	vor.u32 $0x100, v16;
	v19 =	vld.idx.msk [tilespmem:v19+s14+$0x0], $0xffff;
	v18 =	vadd.f32 v11, v18  }
0x95: {  	s0 =	sand.u32 $0x70, s24;
	s1 =	sand.u32 $0xFFFFFF00, s30;
	v27 =	vor.u32 $0x100, v15;
	v23 =	vld [tilespmem:s24+$0x0];
	v20 =	vadd.f32 v12, v20;
	v28 =	vmul.f32 v9, v21  }
0x96: {  	s1 =	sor.u32 s0, s1;
	v18 =	vmul.f32 v18, v26;
	v21 =	vmul.f32 v5, v21;
	v17 =	vld.idx.msk [tilespmem:v17+s14+$0x0], $0xffff  }
0x97: {  	v26 =	vld [tilespmem:s1+$0x800];
	[tilespmem:s28+$0x9880] =	vst v20;
	v20 =	vadd.f32 v6, v28;
	v28 =	vor.u32 $0x300, v8;
	v29 =	vmul.f32 v2, v22  }
0x98: {  	v31 =	vor.u32 $0x300, v10;
	[tilespmem:s28+$0x9880] =	vst.add.f32.msk $0xffff, v18;
	v18 =	vadd.f32 v4, v21;
	v21 =	vmul.f32 v3, v22  }
0x99: {  	v24 =	vld.idx.msk [tilespmem:v24+s14+$0x0], $0xffff;
	v19 =	vmul.f32 v20, v19;
	v20 =	vadd.f32 v0, v29;
	v29 =	vadd.s32 $0x2100, v25  }
0x9a: {  	v30 =	vshrl.u32 v23, $0x10;
	v22 =	vshrl.u32 v23, $0xD;
	v27 =	vld.idx.msk [tilespmem:v27+s14+$0x0], $0xffff;
	[tilespmem:s26+$0x9A80] =	vst v18;
	v18 =	vadd.f32 v1, v21  }
0x9b: {  	v30 =	vand.u32 $0x7F, v30;
	v21 =	vand.u32 $0x7FC00, v22;
	[tilespmem:s26+$0x9A80] =	vst.add.f32.msk $0xffff, v19;
	v19 =	vmul.f32 v20, v17  }
0x9c: {  	v17 =	vor.u32 v30, v21;
	v20 =	vshll.u32 v23, $0x3;
	v21 =	vld.idx.msk [tilespmem:v28+s14+$0x0], $0xffff;
	[tilespmem:s25+$0xD880] =	vst v18  }
0x9d: {  	v18 =	vand.u32 $0x7F, v23;
	v20 =	vand.u32 $0x7FC00, v20;
	[tilespmem:s25+$0xD880] =	vst.add.f32.msk $0xffff, v19;
	v19 =	vadd.s32 $0x2100, v7  }
0x9e: {  	v22 =	vor.u32 v18, v20;
	v18 =	vmul.f32 v13, v24;
	v20 =	vld.idx.msk [tilespmem:v29+s14+$0x0], $0xffff  }
0x9f: {  	v23 =	vld [tilespmem:s1+$0x880];
	v24 =	vmul.f32 v14, v24  }
0xa0: {  	v28 =	vld.idx.msk [tilespmem:v31+s14+$0x0], $0xffff;
	v29 =	vor.u32 $0x180, v16;
	v18 =	vadd.f32 v11, v18  }
0xa1: {  	v31 =	vor.u32 $0x180, v15;
	v24 =	vadd.f32 v12, v24;
	v30 =	vld.idx.msk [tilespmem:v17+s14+$0x0], $0xffff;
	v32 =	vmul.f32 v9, v21  }
0xa2: {  	v21 =	vmul.f32 v5, v21;
	v18 =	vmul.f32 v18, v27;
	v19 =	vld.idx.msk [tilespmem:v19+s14+$0x0], $0xffff  }
0xa3: {  	v48 =	vor.u32 $0x380, v8;
	[tilespmem:s28+$0x9900] =	vst v24;
	v27 =	vld.idx.msk [tilespmem:v22+s14+$0x0], $0xffff;
	v24 =	vadd.f32 v6, v32;
	v33 =	vmul.f32 v2, v20  }
0xa4: {  	[tilespmem:s28+$0x9900] =	vst.add.f32.msk $0xffff, v18;
	v18 =	vadd.f32 v4, v21;
	v20 =	vmul.f32 v3, v20  }
0xa5: {  	v21 =	vmul.f32 v24, v28;
	v24 =	vld.idx.msk [tilespmem:v29+s14+$0x0], $0xffff;
	v29 =	vadd.s32 $0x2180, v25;
	v28 =	vadd.f32 v0, v33  }
0xa6: {  	v31 =	vld.idx.msk [tilespmem:v31+s14+$0x0], $0xffff;
	[tilespmem:s26+$0x9B00] =	vst v18;
	v20 =	vadd.f32 v1, v20  }
0xa7: {  	v49 =	vor.u32 $0x380, v10;
	v18 =	vand.u32 $0xFFFF0000, v23;
	[tilespmem:s26+$0x9B00] =	vst.add.f32.msk $0xffff, v21;
	v21 =	vmul.f32 v28, v19  }
0xa8: {  	v50 =	vadd.s32 $0x2180, v7;
	v28 =	vld.idx.msk [tilespmem:v48+s14+$0x0], $0xffff;
	[tilespmem:s25+$0xD900] =	vst v20;
	v19 =	vand.u32 $0xFFFF0000, v26;
	v34 =	vmul.f32 v18, v27  }
0xa9: {  	v20 =	vshll.u32 v23, $0x10;
	v23 =	vmul.f32 v19, v27;
	[tilespmem:s25+$0xD900] =	vst.add.f32.msk $0xffff, v21  }
0xaa: {  	s31 =	simm.s32 $0x180;
	v21 =	vshll.u32 v26, $0x10;
	v26 =	vadd.f32 v20, v34;
	v27 =	vld.idx.msk [tilespmem:v29+s14+$0x0], $0xffff;
	v29 =	vmul.f32 v13, v24  }
0xab: {  	s1 =	sand.u32 $0x3FFFFC00, s31;
	v23 =	vadd.f32 v21, v23;
	v24 =	vmul.f32 v14, v24  }
0xac: {  	s29 =	sor.u32 s0, s1;
	v33 =	vld.idx.msk [tilespmem:v49+s14+$0x0], $0xffff;
	v26 =	vmul.f32 v26, v30;
	v30 =	vor.u32 $0x200, v15;
	v29 =	vadd.f32 v11, v29  }
0xad: {  	v32 =	vld.idx.msk [tilespmem:v50+s14+$0x0], $0xffff;
	[tilespmem:s29+$0x9800] =	vst v23;
	v23 =	vadd.f32 v12, v24;
	v24 =	vor.u32 $0x200, v16;
	v51 =	vmul.f32 v9, v28  }
0xae: {  	s0 =	simm.s32 $0x40;
	v28 =	vmul.f32 v5, v28;
	[tilespmem:s29+$0x9800] =	vst.add.f32.msk $0xffff, v26;
	v26 =	vmul.f32 v29, v31  }
0xaf: {  	v29 =	vld [tilespmem:s0+$0x0];
	[tilespmem:s28+$0x9980] =	vst v23;
	v23 =	vadd.f32 v6, v51;
	v31 =	vadd.s32 $0x2000, v8;
	v52 =	vmul.f32 v2, v27  }
0xb0: {  	v27 =	vmul.f32 v3, v27;
	[tilespmem:s28+$0x9980] =	vst.add.f32.msk $0xffff, v26;
	v26 =	vadd.f32 v4, v28  }
0xb1: {  	v28 =	vadd.s32 $0x2200, v25;
	v23 =	vmul.f32 v23, v33;
	v30 =	vld.idx.msk [tilespmem:v30+s14+$0x0], $0xffff;
	v53 =	vadd.f32 v0, v52  }
0xb2: {  	v24 =	vld.idx.msk [tilespmem:v24+s14+$0x0], $0xffff;
	[tilespmem:s26+$0x9B80] =	vst v26;
	v26 =	vadd.f32 v1, v27;
	v27 =	vor.u32 $0x80, v22  }
0xb3: {  	v56 =	vor.u32 $0x80, v17;
	[tilespmem:s26+$0x9B80] =	vst.add.f32.msk $0xffff, v23;
	v23 =	vmul.f32 v53, v32  }
0xb4: {  	v54 =	vadd.s32 $0x2000, v10;
	v31 =	vld.idx.msk [tilespmem:v31+s14+$0x0], $0xffff;
	[tilespmem:s25+$0xD980] =	vst v26  }
0xb5: {  	[tilespmem:s25+$0xD980] =	vst.add.f32.msk $0xffff, v23  }
0xb6: {  	v23 =	vadd.s32 $0x2200, v7;
	v26 =	vld.idx.msk [tilespmem:v28+s14+$0x0], $0xffff  }
0xb7: {  	s3 =	simm.s32 $0x80;
	v55 =	vld.idx.msk [tilespmem:v27+s14+$0x0], $0xffff;
	v27 =	vmul.f32 v13, v24  }
0xb8: {  	s3 =	sand.u32 $0xFFFFFF00, s3;
	s1 =	sand.u32 $0x70, s0;
	v34 =	vld.idx.msk [tilespmem:v56+s14+$0x0], $0xffff;
	v24 =	vmul.f32 v14, v24  }
0xb9: {  	v36 =	vor.u32 $0x280, v16;
	s3 =	sor.u32 s1, s3;
	v32 =	vld.idx.msk [tilespmem:v54+s14+$0x0], $0xffff;
	v35 =	vadd.f32 v11, v27  }
0xba: {  	v37 =	vor.u32 $0x280, v15;
	v28 =	vld [tilespmem:s3+$0x800];
	v24 =	vadd.f32 v12, v24;
	v38 =	vmul.f32 v9, v31  }
0xbb: {  	v63 =	vadd.s32 $0x2280, v7;
	v31 =	vmul.f32 v5, v31;
	v23 =	vld.idx.msk [tilespmem:v23+s14+$0x0], $0xffff;
	v30 =	vmul.f32 v35, v30  }
0xbc: {  	v57 =	vadd.s32 $0x2080, v8;
	v27 =	vld [tilespmem:s3+$0x880];
	[tilespmem:s28+$0x9A00] =	vst v24;
	v24 =	vadd.f32 v6, v38;
	v58 =	vmul.f32 v2, v26  }
0xbd: {  	v26 =	vmul.f32 v3, v26;
	v40 =	vmul.f32 v18, v55;
	[tilespmem:s28+$0x9A00] =	vst.add.f32.msk $0xffff, v30;
	v30 =	vadd.f32 v4, v31  }
0xbe: {  	v31 =	vadd.s32 $0x2280, v25;
	v24 =	vmul.f32 v24, v32;
	v59 =	vadd.f32 v0, v58;
	v36 =	vld.idx.msk [tilespmem:v36+s14+$0x0], $0xffff  }
0xbf: {  	v62 =	vor.u32 $0x100, v22;
	v33 =	vmul.f32 v19, v55;
	v26 =	vadd.f32 v1, v26;
	v37 =	vld.idx.msk [tilespmem:v37+s14+$0x0], $0xffff;
	[tilespmem:s26+$0xD800] =	vst v30  }
0xc0: {  	v39 =	vshrl.u32 v29, $0x10;
	v30 =	vadd.f32 v20, v40;
	v23 =	vmul.f32 v59, v23;
	[tilespmem:s26+$0xD800] =	vst.add.f32.msk $0xffff, v24  }
0xc1: {  	v60 =	vshrl.u32 v29, $0xD;
	v33 =	vadd.f32 v21, v33;
	[tilespmem:s25+$0xDA00] =	vst v26;
	v24 =	vadd.s32 $0x2080, v10;
	v35 =	vld.idx.msk [tilespmem:v57+s14+$0x0], $0xffff  }
0xc2: {  	v61 =	vand.u32 $0x7F, v39;
	v26 =	vand.u32 $0x7FC00, v60;
	v30 =	vmul.f32 v30, v34;
	[tilespmem:s25+$0xDA00] =	vst.add.f32.msk $0xffff, v23  }
0xc3: {  	[tilespmem:s29+$0x9880] =	vst v33;
	v23 =	vor.u32 v61, v26;
	v26 =	vld.idx.msk [tilespmem:v31+s14+$0x0], $0xffff  }
0xc4: {  	[tilespmem:s29+$0x9880] =	vst.add.f32.msk $0xffff, v30;
	v30 =	vor.u32 $0x100, v17;
	v31 =	vmul.f32 v13, v36  }
0xc5: {  	v34 =	vld.idx.msk [tilespmem:v63+s14+$0x0], $0xffff;
	v44 =	vmul.f32 v14, v36  }
0xc6: {  	v47 =	vor.u32 $0x300, v16;
	v48 =	vor.u32 $0x300, v15;
	v24 =	vld.idx.msk [tilespmem:v24+s14+$0x0], $0xffff;
	v31 =	vadd.f32 v11, v31  }
0xc7: {  	v50 =	vadd.s32 $0x2100, v8;
	v46 =	vld.idx.msk [tilespmem:v62+s14+$0x0], $0xffff;
	v32 =	vadd.f32 v12, v44;
	v41 =	vmul.f32 v9, v35  }
0xc8: {  	v45 =	vand.u32 $0x7F, v29;
	v36 =	vld.idx.msk [tilespmem:v23+s14+$0x0], $0xffff;
	v35 =	vmul.f32 v5, v35;
	v31 =	vmul.f32 v31, v37  }
0xc9: {  	v29 =	vshll.u32 v29, $0x3;
	[tilespmem:s28+$0x9A80] =	vst v32;
	v51 =	vmul.f32 v2, v26;
	v30 =	vld.idx.msk [tilespmem:v30+s14+$0x0], $0xffff;
	v49 =	vadd.f32 v6, v41  }
0xca: {  	v29 =	vand.u32 $0x7FC00, v29;
	v26 =	vmul.f32 v3, v26;
	[tilespmem:s28+$0x9A80] =	vst.add.f32.msk $0xffff, v31;
	v31 =	vadd.f32 v4, v35  }
0xcb: {  	v55 =	vadd.s32 $0x2100, v10;
	v53 =	vadd.f32 v0, v51;
	v52 =	vld.idx.msk [tilespmem:v47+s14+$0x0], $0xffff;
	v32 =	vmul.f32 v49, v24  }
0xcc: {  	v54 =	vadd.s32 $0x2300, v25;
	v26 =	vadd.f32 v1, v26;
	v24 =	vor.u32 v45, v29;
	v29 =	vld.idx.msk [tilespmem:v48+s14+$0x0], $0xffff;
	[tilespmem:s26+$0xD880] =	vst v31  }
0xcd: {  	v31 =	vmul.f32 v18, v46;
	v56 =	vmul.f32 v53, v34;
	[tilespmem:s26+$0xD880] =	vst.add.f32.msk $0xffff, v32  }
0xce: {  	v57 =	vmul.f32 v19, v46;
	[tilespmem:s25+$0xDA80] =	vst v26;
	v37 =	vld.idx.msk [tilespmem:v50+s14+$0x0], $0xffff  }
0xcf: {  	v26 =	vadd.f32 v20, v31;
	[tilespmem:s25+$0xDA80] =	vst.add.f32.msk $0xffff, v56;
	v31 =	vadd.s32 $0x2300, v7  }
0xd0: {  	v59 =	vor.u32 $0x180, v17;
	v58 =	vadd.f32 v21, v57;
	v32 =	vld.idx.msk [tilespmem:v55+s14+$0x0], $0xffff  }
0xd1: {  	v41 =	vld.idx.msk [tilespmem:v54+s14+$0x0], $0xffff;
	v26 =	vmul.f32 v26, v30;
	v30 =	vor.u32 $0x180, v22;
	v60 =	vmul.f32 v13, v52  }
0xd2: {  	[tilespmem:s29+$0x9900] =	vst v58;
	v40 =	vld.idx.msk [tilespmem:v24+s14+$0x0], $0xffff;
	v61 =	vmul.f32 v14, v52  }
0xd3: {  	v62 =	vor.u32 $0x380, v15;
	[tilespmem:s29+$0x9900] =	vst.add.f32.msk $0xffff, v26;
	v26 =	vadd.f32 v11, v60  }
0xd4: {  	v42 =	vor.u32 $0x380, v16;
	v33 =	vadd.f32 v12, v61;
	v43 =	vmul.f32 v9, v37;
	v31 =	vld.idx.msk [tilespmem:v31+s14+$0x0], $0xffff  }
0xd5: {  	v38 =	vld.idx.msk [tilespmem:v59+s14+$0x0], $0xffff;
	v26 =	vmul.f32 v26, v29;
	v29 =	vmul.f32 v5, v37  }
0xd6: {  	v34 =	vadd.s32 $0x2180, v8;
	[tilespmem:s28+$0x9B00] =	vst v33;
	v63 =	vmul.f32 v2, v41;
	v39 =	vld.idx.msk [tilespmem:v30+s14+$0x0], $0xffff;
	v30 =	vadd.f32 v6, v43  }
0xd7: {  	v41 =	vmul.f32 v3, v41;
	[tilespmem:s28+$0x9B00] =	vst.add.f32.msk $0xffff, v26;
	v26 =	vadd.f32 v4, v29  }
0xd8: {  	v33 =	vadd.f32 v0, v63;
	v29 =	vadd.s32 $0x2380, v25;
	v35 =	vld.idx.msk [tilespmem:v62+s14+$0x0], $0xffff;
	v43 =	vmul.f32 v30, v32  }
0xd9: {  	s4 =	simm.s32 $0x40;
	v25 =	vand.u32 $0xFFFF0000, v27;
	v37 =	vld.idx.msk [tilespmem:v42+s14+$0x0], $0xffff;
	v32 =	vadd.s32 $0x2180, v10;
	v30 =	vadd.f32 v1, v41;
	[tilespmem:s26+$0xD900] =	vst v26  }
0xda: {  	s6 =	simm.s32 $0x200;
	s24 =	sshll.u32 s23, $0xC;
	s3 =	simm.s32 $0x5;
	v41 =	vmul.f32 v25, v40;
	v26 =	vand.u32 $0xFFFF0000, v28;
	v31 =	vmul.f32 v33, v31;
	[tilespmem:s26+$0xD900] =	vst.add.f32.msk $0xffff, v43  }
.LBB2_3:
0xdb: {  	p1 =	sne.s32 s3, $0x7F;
	v27 =	vshll.u32 v27, $0x10;
	v43 =	vmul.f32 v26, v40;
	v34 =	vld.idx.msk [tilespmem:v34+s14+$0x0], $0xffff;
	[tilespmem:s25+$0xDB00] =	vst v30;
	v30 =	vadd.s32 $0x2380, v7;
	v7 =	vmovc v10  }
0xdc: {  	v28 =	vshll.u32 v28, $0x10;
	v10 =	vmovc v15;
	v40 =	vadd.f32 v27, v41;
	v41 =	vmul.f32 v18, v39;
	[tilespmem:s25+$0xDB00] =	vst.add.f32.msk $0xffff, v31  }
0xdd: {  	s6 =	sand.u32 $0x3FFFFC00, s6;
	s0 =	sadd.s32 $0x10, s0;
	v15 =	vmovc v17;
	v17 =	vmov v23;
	v39 =	vmul.f32 v19, v39;
	v31 =	vadd.f32 v28, v43;
	v42 =	vld.idx.msk [tilespmem:v29+s14+$0x0], $0xffff  }
0xde: {  	v33 =	vmovc v24;
	s10 =	sor.u32 s1, s6;
	v29 =	vld [tilespmem:s0+$0x0];
	v23 =	vmul.f32 v40, v36;
	v36 =	vadd.f32 v20, v41;
	v40 =	vor.u32 $0x200, v15  }
0xdf: {  	v24 =	vadd.f32 v21, v39;
	v39 =	vmul.f32 v13, v37;
	[tilespmem:s10+$0x9800] =	vst v31;
	v31 =	vor.u32 $0x200, v22;
	v32 =	vld.idx.msk [tilespmem:v32+s14+$0x0], $0xffff  }
0xe0: {  	[tilespmem:s10+$0x9800] =	vst.add.f32.msk $0xffff, v23;
	v23 =	vmul.f32 v36, v38;
	v36 =	vmul.f32 v14, v37  }
0xe1: {  	v37 =	vadd.s32 $0x2000, v16;
	v38 =	vmul.f32 v9, v34;
	[tilespmem:s29+$0x9980] =	vst v24;
	v24 =	vadd.f32 v11, v39;
	v30 =	vld.idx.msk [tilespmem:v30+s14+$0x0], $0xffff  }
0xe2: {  	v34 =	vmul.f32 v5, v34;
	[tilespmem:s29+$0x9980] =	vst.add.f32.msk $0xffff, v23;
	v23 =	vadd.f32 v12, v36;
	v36 =	vadd.s32 $0x2200, v8  }
0xe3: {  	v39 =	vld.idx.msk [tilespmem:v40+s14+$0x0], $0xffff;
	v24 =	vmul.f32 v24, v35;
	v35 =	vadd.f32 v6, v38;
	v38 =	vmul.f32 v2, v42  }
0xe4: {  	v3 =	vmul.f32 v3, v42;
	v2 =	vmov v9;
	v31 =	vld.idx.msk [tilespmem:v31+s14+$0x0], $0xffff;
	[tilespmem:s28+$0x9B80] =	vst v23;
	v23 =	vadd.f32 v4, v34  }
0xe5: {  	v34 =	vor.u32 $0x80, v33;
	[tilespmem:s28+$0x9B80] =	vst.add.f32.msk $0xffff, v24;
	v40 =	vmul.f32 v35, v32;
	v24 =	vadd.f32 v0, v38;
	v0 =	vmovc v6  }
0xe6: {  	v35 =	vadd.s32 $0x2000, v10;
	v6 =	vmovc v11;
	v11 =	vmov v20;
	v32 =	vld.idx.msk [tilespmem:v37+s14+$0x0], $0xffff;
	[tilespmem:s26+$0xD980] =	vst v23;
	v37 =	vadd.f32 v1, v3  }
0xe7: {  	v20 =	vmovc v27;
	v1 =	vmovc v4;
	v4 =	vmov v12;
	v12 =	vmov v21;
	[tilespmem:s26+$0xD980] =	vst.add.f32.msk $0xffff, v40;
	v23 =	vmul.f32 v24, v30  }
0xe8: {  	s6 =	sshll.u32 s3, $0x7;
	v9 =	vmovc v13;
	v13 =	vmovc v18;
	v18 =	vmov v25;
	v27 =	vadd.s32 $0x2200, v7;
	v21 =	vmov v28;
	v24 =	vld.idx.msk [tilespmem:v36+s14+$0x0], $0xffff;
	[tilespmem:s25+$0xDB80] =	vst v37  }
0xe9: {  	s4 =	sadd.s32 $0x10, s4;
	s13 =	sshra.s32 s6, $0x2;
	v3 =	vmovc v5;
	v5 =	vmov v14;
	v14 =	vmov v19;
	v19 =	vmov v26;
	[tilespmem:s25+$0xDB80] =	vst.add.f32.msk $0xffff, v23;
	s25 =	smov.u32 s26  }
0xea: {  	s1 =	sand.u32 $0x70, s4;
	s13 =	sand.u32 $0xFFFFFF00, s13;
	v25 =	vor.u32 $0x80, v17;
	v26 =	vmul.f32 v13, v31;
	s26 =	smov.u32 s28;
	v23 =	vld.idx.msk [tilespmem:v34+s14+$0x0], $0xffff  }
0xeb: {  	s13 =	sor.u32 s1, s13;
	v30 =	vmul.f32 v14, v31;
	s28 =	smov.u32 s29;
	s29 =	smov.u32 s10;
	v31 =	vld.idx.msk [tilespmem:v35+s14+$0x0], $0xffff  }
0xec: {  	v34 =	vor.u32 $0x280, v22;
	v26 =	vadd.f32 v11, v26;
	v28 =	vld [tilespmem:s13+$0x800]  }
0xed: {  	v30 =	vadd.f32 v12, v30;
	v35 =	vor.u32 $0x280, v15;
	v36 =	vmul.f32 v9, v32;
	v37 =	vld.idx.msk [tilespmem:v27+s14+$0x0], $0xffff  }
0xee: {  	v38 =	vshrl.u32 v29, $0x10;
	v32 =	vmul.f32 v5, v32;
	v26 =	vmul.f32 v26, v39;
	v27 =	vld [tilespmem:s13+$0x880]  }
0xef: {  	v39 =	vmul.f32 v2, v24;
	v25 =	vld.idx.msk [tilespmem:v25+s14+$0x0], $0xffff;
	[tilespmem:s28+$0x9A00] =	vst v30;
	v30 =	vadd.f32 v6, v36;
	v36 =	vadd.s32 $0x2080, v16  }
0xf0: {  	v24 =	vmul.f32 v3, v24;
	[tilespmem:s28+$0x9A00] =	vst.add.f32.msk $0xffff, v26;
	v26 =	vadd.f32 v4, v32;
	v32 =	vadd.s32 $0x2280, v8  }
0xf1: {  	v40 =	vmul.f32 v18, v23;
	v34 =	vld.idx.msk [tilespmem:v34+s14+$0x0], $0xffff;
	v30 =	vmul.f32 v30, v31;
	v31 =	vadd.f32 v0, v39  }
0xf2: {  	v23 =	vmul.f32 v19, v23;
	v24 =	vadd.f32 v1, v24;
	v39 =	vshrl.u32 v29, $0xD;
	v35 =	vld.idx.msk [tilespmem:v35+s14+$0x0], $0xffff;
	[tilespmem:s26+$0xD800] =	vst v26  }
0xf3: {  	v26 =	vadd.f32 v20, v40;
	[tilespmem:s26+$0xD800] =	vst.add.f32.msk $0xffff, v30;
	v30 =	vadd.s32 $0x2080, v10;
	v31 =	vmul.f32 v31, v37  }
0xf4: {  	v40 =	vor.u32 $0x100, v33;
	v37 =	vand.u32 $0x7F, v38;
	v38 =	vadd.f32 v21, v23;
	v41 =	vld.idx.msk [tilespmem:v36+s14+$0x0], $0xffff;
	[tilespmem:s25+$0xDA00] =	vst v24  }
0xf5: {  	v23 =	vand.u32 $0x7FC00, v39;
	v24 =	vmul.f32 v26, v25;
	v25 =	vadd.s32 $0x2280, v7;
	[tilespmem:s25+$0xDA00] =	vst.add.f32.msk $0xffff, v31  }
0xf6: {  	v23 =	vor.u32 v37, v23;
	[tilespmem:s29+$0x9880] =	vst v38;
	v26 =	vld.idx.msk [tilespmem:v32+s14+$0x0], $0xffff  }
0xf7: {  	v31 =	vmul.f32 v13, v34;
	[tilespmem:s29+$0x9880] =	vst.add.f32.msk $0xffff, v24;
	v24 =	vor.u32 $0x100, v17  }
0xf8: {  	v32 =	vmul.f32 v14, v34;
	v30 =	vld.idx.msk [tilespmem:v30+s14+$0x0], $0xffff  }
0xf9: {  	v34 =	vand.u32 $0x7F, v29;
	v38 =	vor.u32 $0x300, v22;
	v31 =	vadd.f32 v11, v31;
	v37 =	vld.idx.msk [tilespmem:v40+s14+$0x0], $0xffff  }
0xfa: {  	v39 =	vor.u32 $0x300, v15;
	v32 =	vadd.f32 v12, v32;
	v40 =	vmul.f32 v9, v41;
	v25 =	vld.idx.msk [tilespmem:v25+s14+$0x0], $0xffff  }
0xfb: {  	v29 =	vshll.u32 v29, $0x3;
	v31 =	vmul.f32 v31, v35;
	v35 =	vmul.f32 v5, v41;
	v36 =	vld.idx.msk [tilespmem:v23+s14+$0x0], $0xffff  }
0xfc: {  	v41 =	vld.idx.msk [tilespmem:v24+s14+$0x0], $0xffff;
	[tilespmem:s28+$0x9A80] =	vst v32;
	v24 =	vadd.f32 v6, v40;
	v32 =	vadd.s32 $0x2100, v16;
	v40 =	vmul.f32 v2, v26  }
0xfd: {  	v29 =	vand.u32 $0x7FC00, v29;
	v26 =	vmul.f32 v3, v26;
	[tilespmem:s28+$0x9A80] =	vst.add.f32.msk $0xffff, v31;
	v31 =	vadd.f32 v4, v35  }
0xfe: {  	v35 =	vld.idx.msk [tilespmem:v38+s14+$0x0], $0xffff;
	v30 =	vmul.f32 v24, v30;
	v38 =	vadd.f32 v0, v40;
	v40 =	vadd.s32 $0x2300, v8  }
0xff: {  	v24 =	vor.u32 v34, v29;
	v26 =	vadd.f32 v1, v26;
	v29 =	vld.idx.msk [tilespmem:v39+s14+$0x0], $0xffff;
	[tilespmem:s26+$0xD880] =	vst v31  }
0x100: {  	v31 =	vmul.f32 v18, v37;
	[tilespmem:s26+$0xD880] =	vst.add.f32.msk $0xffff, v30;
	v30 =	vadd.s32 $0x2100, v10;
	v25 =	vmul.f32 v38, v25  }
0x101: {  	v34 =	vmul.f32 v19, v37;
	v32 =	vld.idx.msk [tilespmem:v32+s14+$0x0], $0xffff;
	[tilespmem:s25+$0xDA80] =	vst v26  }
0x102: {  	v26 =	vadd.f32 v20, v31;
	[tilespmem:s25+$0xDA80] =	vst.add.f32.msk $0xffff, v25;
	v25 =	vadd.s32 $0x2300, v7  }
0x103: {  	v31 =	vadd.f32 v21, v34;
	v34 =	vor.u32 $0x180, v17;
	v37 =	vld.idx.msk [tilespmem:v40+s14+$0x0], $0xffff  }
0x104: {  	v39 =	vor.u32 $0x180, v33;
	v26 =	vmul.f32 v26, v41;
	v38 =	vmul.f32 v13, v35;
	v40 =	vld.idx.msk [tilespmem:v24+s14+$0x0], $0xffff  }
0x105: {  	[tilespmem:s29+$0x9900] =	vst v31;
	v31 =	vmul.f32 v14, v35;
	v30 =	vld.idx.msk [tilespmem:v30+s14+$0x0], $0xffff  }
0x106: {  	v35 =	vor.u32 $0x380, v15;
	[tilespmem:s29+$0x9900] =	vst.add.f32.msk $0xffff, v26;
	v26 =	vadd.f32 v11, v38  }
0x107: {  	v41 =	vor.u32 $0x380, v22;
	v42 =	vmul.f32 v9, v32;
	v31 =	vadd.f32 v12, v31;
	v43 =	vld.idx.msk [tilespmem:v25+s14+$0x0], $0xffff  }
0x108: {  	v38 =	vld.idx.msk [tilespmem:v34+s14+$0x0], $0xffff;
	v25 =	vmul.f32 v26, v29;
	v26 =	vmul.f32 v5, v32  }
.Ltmp2:
0x109: {  	v29 =	vadd.f32 v6, v42;
	v34 =	vadd.s32 $0x2180, v16;
	v39 =	vld.idx.msk [tilespmem:v39+s14+$0x0], $0xffff;
	[tilespmem:s28+$0x9B00] =	vst v31;
	v31 =	vmul.f32 v2, v37;
	(pc) =	sbr.rel @p1 .LBB2_3-.Ltmp2, $4  }
0x10a: {  	v42 =	vmul.f32 v3, v37;
	[tilespmem:s28+$0x9B00] =	vst.add.f32.msk $0xffff, v25;
	v26 =	vadd.f32 v4, v26  }
0x10b: {  	v44 =	vmul.f32 v29, v30;
	v29 =	vadd.s32 $0x2380, v8;
	v8 =	vmovc v16;
	v35 =	vld.idx.msk [tilespmem:v35+s14+$0x0], $0xffff;
	v31 =	vadd.f32 v0, v31  }
0x10c: {  	v32 =	vadd.s32 $0x2180, v10;
	v25 =	vand.u32 $0xFFFF0000, v27;
	v30 =	vadd.f32 v1, v42;
	v16 =	vmovc v22;
	v37 =	vld.idx.msk [tilespmem:v41+s14+$0x0], $0xffff;
	[tilespmem:s26+$0xD900] =	vst v26  }
0x10d: {  	s3 =	sadd.s32 $0x1, s3;
	v22 =	vmovc v33;
	v26 =	vand.u32 $0xFFFF0000, v28;
	v41 =	vmul.f32 v25, v40;
	[tilespmem:s26+$0xD900] =	vst.add.f32.msk $0xffff, v44;
	v31 =	vmul.f32 v31, v43  }
0x10e: {  	v27 =	vshll.u32 v27, $0x10;
	v33 =	vmul.f32 v26, v40  }
0x10f: {  	v28 =	vshll.u32 v28, $0x10;
	v58 =	vor.u32 $0x80, v24;
	v57 =	vadd.f32 v27, v41  }
0x110: {  	s0 =	sand.u32 $0x3FFFFC00, s6;
	v33 =	vadd.f32 v28, v33  }
0x111: {  	s0 =	sor.u32 s1, s0;
	v36 =	vmul.f32 v57, v36  }
0x112: {  	[tilespmem:s0+$0x9800] =	vst v33  }
0x113: {  	v59 =	vor.u32 $0x80, v23;
	[tilespmem:s0+$0x9800] =	vst.add.f32.msk $0xffff, v36  }
0x114: {  	v36 =	vld.idx.msk [tilespmem:v58+s14+$0x0], $0xffff;
	_ =	sdelay $0x3  }
0x115: {  	v33 =	vld.idx.msk [tilespmem:v59+s14+$0x0], $0xffff  }
0x116: {  	v60 =	vmul.f32 v25, v36  }
0x117: {  	v36 =	vmul.f32 v26, v36  }
0x118: {  	v61 =	vor.u32 $0x100, v24;
	v40 =	vadd.f32 v27, v60  }
0x119: {  	v36 =	vadd.f32 v28, v36  }
0x11a: {  	v33 =	vmul.f32 v40, v33  }
0x11b: {  	[tilespmem:s0+$0x9880] =	vst v36  }
0x11c: {  	v62 =	vor.u32 $0x100, v23;
	[tilespmem:s0+$0x9880] =	vst.add.f32.msk $0xffff, v33  }
0x11d: {  	v36 =	vld.idx.msk [tilespmem:v61+s14+$0x0], $0xffff;
	_ =	sdelay $0x3  }
0x11e: {  	v33 =	vld.idx.msk [tilespmem:v62+s14+$0x0], $0xffff  }
0x11f: {  	v63 =	vmul.f32 v25, v36  }
0x120: {  	v36 =	vmul.f32 v26, v36  }
0x121: {  	v44 =	vor.u32 $0x180, v24;
	v40 =	vadd.f32 v27, v63  }
0x122: {  	v36 =	vadd.f32 v28, v36  }
0x123: {  	v33 =	vmul.f32 v40, v33  }
0x124: {  	[tilespmem:s0+$0x9900] =	vst v36  }
0x125: {  	v45 =	vor.u32 $0x180, v23;
	[tilespmem:s0+$0x9900] =	vst.add.f32.msk $0xffff, v33  }
0x126: {  	v33 =	vld.idx.msk [tilespmem:v44+s14+$0x0], $0xffff;
	_ =	sdelay $0x1  }
0x127: {  	v46 =	vmul.f32 v18, v39  }
0x128: {  	v47 =	vmul.f32 v19, v39  }
0x129: {  	v48 =	vor.u32 $0x200, v22;
	v40 =	vadd.f32 v20, v46;
	v36 =	vld.idx.msk [tilespmem:v45+s14+$0x0], $0xffff  }
0x12a: {  	v39 =	vadd.f32 v21, v47;
	v42 =	vmul.f32 v25, v33  }
0x12b: {  	v38 =	vmul.f32 v40, v38;
	v33 =	vmul.f32 v26, v33  }
0x12c: {  	v50 =	vor.u32 $0x200, v24;
	[tilespmem:s29+$0x9980] =	vst v39;
	v49 =	vadd.f32 v27, v42  }
0x12d: {  	v51 =	vor.u32 $0x200, v17;
	[tilespmem:s29+$0x9980] =	vst.add.f32.msk $0xffff, v38;
	v33 =	vadd.f32 v28, v33  }
0x12e: {  	v38 =	vld.idx.msk [tilespmem:v48+s14+$0x0], $0xffff;
	v36 =	vmul.f32 v49, v36  }
0x12f: {  	[tilespmem:s0+$0x9980] =	vst v33  }
0x130: {  	v52 =	vor.u32 $0x200, v23;
	[tilespmem:s0+$0x9980] =	vst.add.f32.msk $0xffff, v36  }
0x131: {  	v36 =	vld.idx.msk [tilespmem:v50+s14+$0x0], $0xffff  }
0x132: {  	v53 =	vld.idx.msk [tilespmem:v51+s14+$0x0], $0xffff  }
0x133: {  	v54 =	vmul.f32 v18, v38  }
0x134: {  	v38 =	vmul.f32 v19, v38  }
0x135: {  	v55 =	vor.u32 $0x280, v22;
	v40 =	vadd.f32 v20, v54;
	v33 =	vld.idx.msk [tilespmem:v52+s14+$0x0], $0xffff  }
0x136: {  	v38 =	vadd.f32 v21, v38;
	v56 =	vmul.f32 v25, v36  }
0x137: {  	v39 =	vmul.f32 v40, v53;
	v36 =	vmul.f32 v26, v36  }
0x138: {  	v58 =	vor.u32 $0x280, v24;
	[tilespmem:s29+$0x9A00] =	vst v38;
	v57 =	vadd.f32 v27, v56  }
0x139: {  	v59 =	vor.u32 $0x280, v17;
	[tilespmem:s29+$0x9A00] =	vst.add.f32.msk $0xffff, v39;
	v36 =	vadd.f32 v28, v36  }
0x13a: {  	v39 =	vld.idx.msk [tilespmem:v55+s14+$0x0], $0xffff;
	v33 =	vmul.f32 v57, v33  }
0x13b: {  	[tilespmem:s0+$0x9A00] =	vst v36  }
0x13c: {  	v60 =	vor.u32 $0x280, v23;
	[tilespmem:s0+$0x9A00] =	vst.add.f32.msk $0xffff, v33  }
0x13d: {  	v33 =	vld.idx.msk [tilespmem:v58+s14+$0x0], $0xffff  }
0x13e: {  	v61 =	vld.idx.msk [tilespmem:v59+s14+$0x0], $0xffff  }
0x13f: {  	v62 =	vmul.f32 v18, v39  }
0x140: {  	v39 =	vmul.f32 v19, v39  }
0x141: {  	v63 =	vor.u32 $0x300, v22;
	v40 =	vadd.f32 v20, v62;
	v36 =	vld.idx.msk [tilespmem:v60+s14+$0x0], $0xffff  }
0x142: {  	v39 =	vadd.f32 v21, v39;
	v45 =	vmul.f32 v25, v33  }
0x143: {  	v38 =	vmul.f32 v40, v61;
	v33 =	vmul.f32 v26, v33  }
0x144: {  	v47 =	vor.u32 $0x300, v24;
	[tilespmem:s29+$0x9A80] =	vst v39;
	v46 =	vadd.f32 v27, v45  }
0x145: {  	v48 =	vor.u32 $0x300, v17;
	[tilespmem:s29+$0x9A80] =	vst.add.f32.msk $0xffff, v38;
	v33 =	vadd.f32 v28, v33  }
0x146: {  	v38 =	vld.idx.msk [tilespmem:v63+s14+$0x0], $0xffff;
	v36 =	vmul.f32 v46, v36  }
0x147: {  	[tilespmem:s0+$0x9A80] =	vst v33  }
0x148: {  	v49 =	vor.u32 $0x300, v23;
	[tilespmem:s0+$0x9A80] =	vst.add.f32.msk $0xffff, v36  }
0x149: {  	v36 =	vld.idx.msk [tilespmem:v47+s14+$0x0], $0xffff  }
0x14a: {  	v50 =	vld.idx.msk [tilespmem:v48+s14+$0x0], $0xffff  }
0x14b: {  	v51 =	vmul.f32 v18, v38  }
0x14c: {  	v38 =	vmul.f32 v19, v38  }
0x14d: {  	v52 =	vor.u32 $0x380, v22;
	v40 =	vadd.f32 v20, v51;
	v33 =	vld.idx.msk [tilespmem:v49+s14+$0x0], $0xffff  }
0x14e: {  	v38 =	vadd.f32 v21, v38;
	v53 =	vmul.f32 v25, v36  }
0x14f: {  	v39 =	vmul.f32 v40, v50;
	v36 =	vmul.f32 v26, v36  }
0x150: {  	v55 =	vor.u32 $0x380, v24;
	[tilespmem:s29+$0x9B00] =	vst v38;
	v54 =	vadd.f32 v27, v53  }
0x151: {  	v56 =	vor.u32 $0x380, v17;
	[tilespmem:s29+$0x9B00] =	vst.add.f32.msk $0xffff, v39;
	v36 =	vadd.f32 v28, v36  }
0x152: {  	v39 =	vld.idx.msk [tilespmem:v52+s14+$0x0], $0xffff;
	v33 =	vmul.f32 v54, v33  }
0x153: {  	[tilespmem:s0+$0x9B00] =	vst v36  }
0x154: {  	v58 =	vor.u32 $0x380, v23;
	[tilespmem:s0+$0x9B00] =	vst.add.f32.msk $0xffff, v33  }
0x155: {  	v57 =	vmul.f32 v13, v37;
	v60 =	vld.idx.msk [tilespmem:v55+s14+$0x0], $0xffff  }
0x156: {  	v59 =	vmul.f32 v14, v37;
	v62 =	vld.idx.msk [tilespmem:v56+s14+$0x0], $0xffff  }
0x157: {  	v61 =	vadd.s32 $0x2000, v16;
	v63 =	vmul.f32 v18, v39;
	v36 =	vadd.f32 v11, v57  }
0x158: {  	v45 =	vmul.f32 v19, v39;
	v33 =	vadd.f32 v12, v59  }
0x159: {  	v47 =	vadd.s32 $0x2000, v22;
	v46 =	vadd.f32 v20, v63;
	v35 =	vmul.f32 v36, v35;
	v38 =	vld.idx.msk [tilespmem:v58+s14+$0x0], $0xffff  }
0x15a: {  	v48 =	vadd.s32 $0x2000, v15;
	v36 =	vadd.f32 v21, v45;
	[tilespmem:s28+$0x9B80] =	vst v33;
	v49 =	vmul.f32 v25, v60  }
0x15b: {  	v33 =	vmul.f32 v46, v62;
	[tilespmem:s28+$0x9B80] =	vst.add.f32.msk $0xffff, v35;
	v37 =	vmul.f32 v26, v60  }
0x15c: {  	v51 =	vadd.s32 $0x2000, v24;
	[tilespmem:s29+$0x9B80] =	vst v36;
	v40 =	vld.idx.msk [tilespmem:v61+s14+$0x0], $0xffff;
	v50 =	vadd.f32 v27, v49  }
0x15d: {  	v52 =	vadd.s32 $0x2000, v17;
	[tilespmem:s29+$0x9B80] =	vst.add.f32.msk $0xffff, v33;
	v37 =	vadd.f32 v28, v37  }
0x15e: {  	v39 =	vld.idx.msk [tilespmem:v47+s14+$0x0], $0xffff;
	v36 =	vmul.f32 v50, v38  }
0x15f: {  	v35 =	vld.idx.msk [tilespmem:v48+s14+$0x0], $0xffff;
	[tilespmem:s0+$0x9B80] =	vst v37  }
0x160: {  	v54 =	vadd.s32 $0x2000, v23;
	[tilespmem:s0+$0x9B80] =	vst.add.f32.msk $0xffff, v36  }
0x161: {  	v53 =	vmul.f32 v13, v40;
	v56 =	vld.idx.msk [tilespmem:v51+s14+$0x0], $0xffff  }
0x162: {  	v33 =	vld.idx.msk [tilespmem:v52+s14+$0x0], $0xffff;
	v55 =	vmul.f32 v14, v40  }
0x163: {  	v57 =	vadd.s32 $0x2080, v16;
	v58 =	vmul.f32 v18, v39;
	v37 =	vadd.f32 v11, v53  }
0x164: {  	v59 =	vmul.f32 v19, v39;
	v38 =	vadd.f32 v12, v55  }
0x165: {  	v61 =	vadd.s32 $0x2080, v22;
	v60 =	vadd.f32 v20, v58;
	v35 =	vmul.f32 v37, v35;
	v36 =	vld.idx.msk [tilespmem:v54+s14+$0x0], $0xffff  }
0x166: {  	v62 =	vadd.s32 $0x2080, v15;
	[tilespmem:s28+$0xD800] =	vst v38;
	v37 =	vadd.f32 v21, v59;
	v63 =	vmul.f32 v25, v56  }
0x167: {  	v33 =	vmul.f32 v60, v33;
	[tilespmem:s28+$0xD800] =	vst.add.f32.msk $0xffff, v35;
	v45 =	vmul.f32 v26, v56  }
0x168: {  	v47 =	vadd.s32 $0x2080, v24;
	[tilespmem:s29+$0xD800] =	vst v37;
	v41 =	vld.idx.msk [tilespmem:v57+s14+$0x0], $0xffff;
	v46 =	vadd.f32 v27, v63  }
0x169: {  	v48 =	vadd.s32 $0x2080, v17;
	[tilespmem:s29+$0xD800] =	vst.add.f32.msk $0xffff, v33;
	v38 =	vadd.f32 v28, v45  }
0x16a: {  	v39 =	vld.idx.msk [tilespmem:v61+s14+$0x0], $0xffff;
	v36 =	vmul.f32 v46, v36  }
0x16b: {  	v35 =	vld.idx.msk [tilespmem:v62+s14+$0x0], $0xffff;
	[tilespmem:s0+$0xD800] =	vst v38  }
0x16c: {  	v50 =	vadd.s32 $0x2080, v23;
	[tilespmem:s0+$0xD800] =	vst.add.f32.msk $0xffff, v36  }
0x16d: {  	v49 =	vmul.f32 v13, v41;
	v40 =	vld.idx.msk [tilespmem:v47+s14+$0x0], $0xffff  }
0x16e: {  	v33 =	vld.idx.msk [tilespmem:v48+s14+$0x0], $0xffff;
	v51 =	vmul.f32 v14, v41  }
0x16f: {  	v52 =	vadd.s32 $0x2100, v16;
	v53 =	vmul.f32 v18, v39;
	v37 =	vadd.f32 v11, v49  }
0x170: {  	v34 =	vld.idx.msk [tilespmem:v34+s14+$0x0], $0xffff;
	v54 =	vmul.f32 v19, v39;
	v38 =	vadd.f32 v12, v51  }
0x171: {  	v56 =	vadd.s32 $0x2100, v22;
	v55 =	vadd.f32 v20, v53;
	v35 =	vmul.f32 v37, v35;
	v36 =	vld.idx.msk [tilespmem:v50+s14+$0x0], $0xffff  }
0x172: {  	v32 =	vld.idx.msk [tilespmem:v32+s14+$0x0], $0xffff;
	v57 =	vadd.s32 $0x2100, v15;
	[tilespmem:s28+$0xD880] =	vst v38;
	v37 =	vadd.f32 v21, v54;
	v58 =	vmul.f32 v25, v40  }
0x173: {  	v33 =	vmul.f32 v55, v33;
	[tilespmem:s28+$0xD880] =	vst.add.f32.msk $0xffff, v35;
	v59 =	vmul.f32 v26, v40  }
0x174: {  	v61 =	vadd.s32 $0x2100, v24;
	[tilespmem:s29+$0xD880] =	vst v37;
	v41 =	vld.idx.msk [tilespmem:v52+s14+$0x0], $0xffff;
	v60 =	vadd.f32 v27, v58  }
0x175: {  	v62 =	vmul.f32 v9, v34;
	v63 =	vadd.s32 $0x2100, v17;
	[tilespmem:s29+$0xD880] =	vst.add.f32.msk $0xffff, v33;
	v38 =	vadd.f32 v28, v59  }
0x176: {  	v34 =	vmul.f32 v5, v34;
	v39 =	vld.idx.msk [tilespmem:v56+s14+$0x0], $0xffff;
	v36 =	vmul.f32 v60, v36  }
0x177: {  	v42 =	vadd.f32 v6, v62;
	v45 =	vadd.s32 $0x2200, v8;
	v35 =	vld.idx.msk [tilespmem:v57+s14+$0x0], $0xffff;
	[tilespmem:s0+$0xD880] =	vst v38  }
0x178: {  	v34 =	vadd.f32 v4, v34;
	v47 =	vadd.s32 $0x2100, v23;
	[tilespmem:s0+$0xD880] =	vst.add.f32.msk $0xffff, v36  }
0x179: {  	v32 =	vmul.f32 v42, v32;
	v50 =	vadd.s32 $0x2200, v10;
	v46 =	vmul.f32 v13, v41;
	v40 =	vld.idx.msk [tilespmem:v61+s14+$0x0], $0xffff  }
0x17a: {  	[tilespmem:s26+$0xD980] =	vst v34;
	v33 =	vld.idx.msk [tilespmem:v63+s14+$0x0], $0xffff;
	v41 =	vmul.f32 v14, v41  }
0x17b: {  	[tilespmem:s26+$0xD980] =	vst.add.f32.msk $0xffff, v32;
	v49 =	vadd.s32 $0x2180, v16;
	v51 =	vmul.f32 v18, v39;
	v48 =	vadd.f32 v11, v46  }
0x17c: {  	v37 =	vld.idx.msk [tilespmem:v45+s14+$0x0], $0xffff;
	v52 =	vmul.f32 v19, v39;
	v41 =	vadd.f32 v12, v41  }
0x17d: {  	v54 =	vadd.s32 $0x2180, v22;
	v53 =	vadd.f32 v20, v51;
	v34 =	vmul.f32 v48, v35;
	v36 =	vld.idx.msk [tilespmem:v47+s14+$0x0], $0xffff  }
0x17e: {  	v55 =	vadd.s32 $0x2180, v15;
	v32 =	vld.idx.msk [tilespmem:v50+s14+$0x0], $0xffff;
	v56 =	vadd.f32 v21, v52;
	[tilespmem:s28+$0xD900] =	vst v41;
	v57 =	vmul.f32 v25, v40  }
0x17f: {  	v33 =	vmul.f32 v53, v33;
	[tilespmem:s28+$0xD900] =	vst.add.f32.msk $0xffff, v34;
	v58 =	vmul.f32 v26, v40  }
0x180: {  	v60 =	vadd.s32 $0x2180, v24;
	[tilespmem:s29+$0xD900] =	vst v56;
	v38 =	vld.idx.msk [tilespmem:v49+s14+$0x0], $0xffff;
	v59 =	vadd.f32 v27, v57  }
0x181: {  	v62 =	vadd.s32 $0x2180, v17;
	v61 =	vmul.f32 v9, v37;
	[tilespmem:s29+$0xD900] =	vst.add.f32.msk $0xffff, v33;
	v39 =	vadd.f32 v28, v58  }
0x182: {  	v37 =	vmul.f32 v5, v37;
	v41 =	vld.idx.msk [tilespmem:v54+s14+$0x0], $0xffff;
	v34 =	vmul.f32 v59, v36  }
0x183: {  	v63 =	vadd.s32 $0x2280, v8;
	v42 =	vld.idx.msk [tilespmem:v55+s14+$0x0], $0xffff;
	v40 =	vadd.f32 v6, v61;
	[tilespmem:s0+$0xD900] =	vst v39  }
0x184: {  	v45 =	vadd.s32 $0x2180, v23;
	v37 =	vadd.f32 v4, v37;
	[tilespmem:s0+$0xD900] =	vst.add.f32.msk $0xffff, v34  }
0x185: {  	v46 =	vadd.s32 $0x2280, v10;
	v32 =	vmul.f32 v40, v32;
	v44 =	vmul.f32 v13, v38;
	v35 =	vld.idx.msk [tilespmem:v60+s14+$0x0], $0xffff  }
0x186: {  	[tilespmem:s26+$0xDA00] =	vst v37;
	v33 =	vld.idx.msk [tilespmem:v62+s14+$0x0], $0xffff;
	v38 =	vmul.f32 v14, v38  }
0x187: {  	v47 =	vadd.s32 $0x2200, v16;
	[tilespmem:s26+$0xDA00] =	vst.add.f32.msk $0xffff, v32;
	v48 =	vmul.f32 v18, v41;
	v39 =	vadd.f32 v11, v44  }
0x188: {  	v41 =	vmul.f32 v19, v41;
	v38 =	vadd.f32 v12, v38;
	v36 =	vld.idx.msk [tilespmem:v63+s14+$0x0], $0xffff  }
0x189: {  	v49 =	vadd.s32 $0x2200, v15;
	v40 =	vadd.f32 v20, v48;
	v39 =	vmul.f32 v39, v42;
	v34 =	vld.idx.msk [tilespmem:v45+s14+$0x0], $0xffff  }
0x18a: {  	v50 =	vadd.s32 $0x2200, v22;
	v37 =	vld.idx.msk [tilespmem:v46+s14+$0x0], $0xffff;
	v41 =	vadd.f32 v21, v41;
	[tilespmem:s28+$0xD980] =	vst v38;
	v51 =	vmul.f32 v25, v35  }
0x18b: {  	v33 =	vmul.f32 v40, v33;
	[tilespmem:s28+$0xD980] =	vst.add.f32.msk $0xffff, v39;
	v35 =	vmul.f32 v26, v35  }
0x18c: {  	v52 =	vadd.s32 $0x2200, v24;
	[tilespmem:s29+$0xD980] =	vst v41;
	v32 =	vld.idx.msk [tilespmem:v47+s14+$0x0], $0xffff;
	v53 =	vadd.f32 v27, v51  }
0x18d: {  	[tilespmem:s29+$0xD980] =	vst.add.f32.msk $0xffff, v33;
	v54 =	vadd.f32 v28, v35  }
0x18e: {  	v56 =	vadd.s32 $0x2200, v17;
	v38 =	vld.idx.msk [tilespmem:v49+s14+$0x0], $0xffff;
	v34 =	vmul.f32 v53, v34  }
0x18f: {  	v39 =	vld.idx.msk [tilespmem:v50+s14+$0x0], $0xffff;
	[tilespmem:s0+$0xD980] =	vst v54  }
0x190: {  	v58 =	vadd.s32 $0x2200, v23;
	[tilespmem:s0+$0xD980] =	vst.add.f32.msk $0xffff, v34  }
0x191: {  	[tilespmem:s25+$0xDB00] =	vst v30;
	v60 =	vmul.f32 v13, v32;
	v61 =	vld.idx.msk [tilespmem:v52+s14+$0x0], $0xffff  }
0x192: {  	[tilespmem:s25+$0xDB00] =	vst.add.f32.msk $0xffff, v31;
	v63 =	vadd.s32 $0x2280, v16;
	v55 =	vmul.f32 v9, v36;
	v32 =	vmul.f32 v14, v32  }
0x193: {  	v44 =	vadd.s32 $0x2280, v15;
	v36 =	vmul.f32 v5, v36;
	v42 =	vld.idx.msk [tilespmem:v56+s14+$0x0], $0xffff;
	v40 =	vadd.f32 v11, v60  }
0x194: {  	v29 =	vld.idx.msk [tilespmem:v29+s14+$0x0], $0xffff;
	v57 =	vadd.f32 v6, v55;
	v45 =	vmul.f32 v18, v39;
	v43 =	vadd.f32 v12, v32  }
0x195: {  	v47 =	vadd.s32 $0x2280, v22;
	v46 =	vmul.f32 v19, v39;
	v33 =	vmul.f32 v40, v38;
	v34 =	vld.idx.msk [tilespmem:v58+s14+$0x0], $0xffff  }
0x196: {  	v62 =	vmul.f32 v57, v37;
	v37 =	vadd.f32 v20, v45;
	[tilespmem:s28+$0xDA00] =	vst v43;
	v48 =	vmul.f32 v25, v61  }
0x197: {  	v59 =	vadd.f32 v4, v36;
	v49 =	vadd.f32 v21, v46;
	[tilespmem:s28+$0xDA00] =	vst.add.f32.msk $0xffff, v33;
	v36 =	vmul.f32 v26, v61  }
0x198: {  	v50 =	vadd.s32 $0x2280, v24;
	v35 =	vmul.f32 v37, v42;
	v30 =	vld.idx.msk [tilespmem:v63+s14+$0x0], $0xffff;
	v51 =	vadd.f32 v27, v48  }
0x199: {  	[tilespmem:s29+$0xDA00] =	vst v49;
	v32 =	vld.idx.msk [tilespmem:v44+s14+$0x0], $0xffff;
	v53 =	vadd.f32 v28, v36  }
0x19a: {  	v54 =	vadd.s32 $0x2280, v17;
	[tilespmem:s29+$0xDA00] =	vst.add.f32.msk $0xffff, v35;
	v34 =	vmul.f32 v51, v34  }
0x19b: {  	v52 =	vadd.s32 $0x2300, v8;
	v31 =	vld.idx.msk [tilespmem:v47+s14+$0x0], $0xffff;
	[tilespmem:s0+$0xDA00] =	vst v53  }
0x19c: {  	v55 =	vadd.s32 $0x2280, v23;
	[tilespmem:s0+$0xDA00] =	vst.add.f32.msk $0xffff, v34  }
0x19d: {  	v56 =	vadd.s32 $0x2300, v10;
	[tilespmem:s26+$0xDA80] =	vst v59;
	v57 =	vmul.f32 v13, v30;
	v37 =	vld.idx.msk [tilespmem:v50+s14+$0x0], $0xffff  }
0x19e: {  	[tilespmem:s26+$0xDA80] =	vst.add.f32.msk $0xffff, v62;
	v30 =	vmul.f32 v14, v30  }
0x19f: {  	v59 =	vadd.s32 $0x2300, v16;
	v35 =	vld.idx.msk [tilespmem:v54+s14+$0x0], $0xffff;
	v36 =	vadd.f32 v11, v57  }
0x1a0: {  	v60 =	vadd.s32 $0x2300, v15;
	v58 =	vld.idx.msk [tilespmem:v52+s14+$0x0], $0xffff;
	v61 =	vmul.f32 v18, v31;
	v30 =	vadd.f32 v12, v30  }
0x1a1: {  	v31 =	vmul.f32 v19, v31;
	v32 =	vmul.f32 v36, v32;
	v33 =	vld.idx.msk [tilespmem:v55+s14+$0x0], $0xffff  }
0x1a2: {  	v63 =	vadd.s32 $0x2300, v22;
	v34 =	vld.idx.msk [tilespmem:v56+s14+$0x0], $0xffff;
	v62 =	vadd.f32 v20, v61;
	[tilespmem:s28+$0xDA80] =	vst v30;
	v44 =	vmul.f32 v25, v37  }
0x1a3: {  	v31 =	vadd.f32 v21, v31;
	[tilespmem:s28+$0xDA80] =	vst.add.f32.msk $0xffff, v32;
	v37 =	vmul.f32 v26, v37  }
0x1a4: {  	v47 =	vadd.s32 $0x2300, v24;
	v30 =	vmul.f32 v62, v35;
	v39 =	vld.idx.msk [tilespmem:v59+s14+$0x0], $0xffff;
	v46 =	vadd.f32 v27, v44  }
0x1a5: {  	v45 =	vmul.f32 v9, v58;
	v50 =	vadd.s32 $0x2300, v17;
	[tilespmem:s29+$0xDA80] =	vst v31;
	v49 =	vld.idx.msk [tilespmem:v60+s14+$0x0], $0xffff;
	v37 =	vadd.f32 v28, v37  }
0x1a6: {  	v48 =	vmul.f32 v5, v58;
	[tilespmem:s29+$0xDA80] =	vst.add.f32.msk $0xffff, v30;
	v33 =	vmul.f32 v46, v33  }
0x1a7: {  	v51 =	vadd.s32 $0x2380, v8;
	v32 =	vadd.f32 v6, v45;
	v52 =	vld.idx.msk [tilespmem:v63+s14+$0x0], $0xffff;
	[tilespmem:s0+$0xDA80] =	vst v37  }
0x1a8: {  	v53 =	vadd.s32 $0x2300, v23;
	v31 =	vadd.f32 v4, v48;
	[tilespmem:s0+$0xDA80] =	vst.add.f32.msk $0xffff, v33  }
0x1a9: {  	v7 =	vadd.s32 $0x2380, v7;
	v32 =	vmul.f32 v32, v34;
	v56 =	vld.idx.msk [tilespmem:v47+s14+$0x0], $0xffff  }
0x1aa: {  	v54 =	vadd.s32 $0x2380, v10;
	[tilespmem:s26+$0xDB00] =	vst v31;
	v30 =	vld.idx.msk [tilespmem:v50+s14+$0x0], $0xffff;
	v55 =	vmul.f32 v13, v39  }
0x1ab: {  	v2 =	vmul.f32 v2, v29;
	[tilespmem:s26+$0xDB00] =	vst.add.f32.msk $0xffff, v32;
	v57 =	vmul.f32 v14, v39  }
0x1ac: {  	v58 =	vadd.s32 $0x2380, v16;
	v8 =	vld.idx.msk [tilespmem:v51+s14+$0x0], $0xffff;
	v36 =	vmul.f32 v18, v52;
	v31 =	vadd.f32 v11, v55  }
0x1ad: {  	v61 =	vadd.s32 $0x2380, v22;
	v35 =	vmul.f32 v19, v52;
	v32 =	vadd.f32 v12, v57;
	v33 =	vld.idx.msk [tilespmem:v53+s14+$0x0], $0xffff  }
0x1ae: {  	v7 =	vld.idx.msk [tilespmem:v7+s14+$0x0], $0xffff;
	v60 =	vadd.f32 v20, v36;
	v31 =	vmul.f32 v31, v49;
	v62 =	vmul.f32 v25, v56  }
0x1af: {  	v10 =	vld.idx.msk [tilespmem:v54+s14+$0x0], $0xffff;
	v63 =	vadd.f32 v21, v35;
	[tilespmem:s28+$0xDB00] =	vst v32;
	v34 =	vmul.f32 v26, v56  }
0x1b0: {  	v37 =	vadd.s32 $0x2380, v24;
	v30 =	vmul.f32 v60, v30;
	[tilespmem:s28+$0xDB00] =	vst.add.f32.msk $0xffff, v31;
	v36 =	vadd.f32 v27, v62  }
0x1b1: {  	v3 =	vmul.f32 v3, v29;
	v59 =	vadd.s32 $0x2380, v15;
	[tilespmem:s29+$0xDB00] =	vst v63;
	v16 =	vld.idx.msk [tilespmem:v58+s14+$0x0], $0xffff;
	v38 =	vadd.f32 v28, v34  }
0x1b2: {  	v39 =	vadd.s32 $0x2380, v17;
	v41 =	vmul.f32 v9, v8;
	[tilespmem:s29+$0xDB00] =	vst.add.f32.msk $0xffff, v30;
	v40 =	vmul.f32 v36, v33  }
0x1b3: {  	v0 =	vadd.f32 v0, v2;
	v22 =	vld.idx.msk [tilespmem:v61+s14+$0x0], $0xffff;
	[tilespmem:s0+$0xDB00] =	vst v38  }
0x1b4: {  	v1 =	vadd.f32 v1, v3;
	v42 =	vadd.s32 $0x2380, v23;
	v2 =	vadd.f32 v6, v41;
	[tilespmem:s0+$0xDB00] =	vst.add.f32.msk $0xffff, v40  }
0x1b5: {  	v43 =	vmul.f32 v5, v8;
	v44 =	vld.idx.msk [tilespmem:v37+s14+$0x0], $0xffff  }
0x1b6: {  	v0 =	vmul.f32 v0, v7;
	[tilespmem:s25+$0xDB80] =	vst v1;
	v15 =	vld.idx.msk [tilespmem:v59+s14+$0x0], $0xffff;
	v49 =	vmul.f32 v2, v10  }
0x1b7: {  	v46 =	vadd.f32 v4, v43;
	v48 =	vld.idx.msk [tilespmem:v39+s14+$0x0], $0xffff;
	v45 =	vmul.f32 v13, v16;
	v47 =	vmul.f32 v14, v16  }
0x1b8: {  	[tilespmem:s25+$0xDB80] =	vst.add.f32.msk $0xffff, v0;
	v51 =	vmul.f32 v18, v22;
	v53 =	vmul.f32 v19, v22  }
0x1b9: {  	[tilespmem:s26+$0xDB80] =	vst v46;
	v50 =	vadd.f32 v11, v45;
	v52 =	vadd.f32 v12, v47;
	v54 =	vld.idx.msk [tilespmem:v42+s14+$0x0], $0xffff  }
0x1ba: {  	[tilespmem:s26+$0xDB80] =	vst.add.f32.msk $0xffff, v49;
	v56 =	vadd.f32 v20, v51;
	v58 =	vadd.f32 v21, v53;
	v57 =	vmul.f32 v25, v44  }
0x1bb: {  	v55 =	vmul.f32 v50, v15;
	[tilespmem:s28+$0xDB80] =	vst v52;
	v59 =	vmul.f32 v26, v44  }
0x1bc: {  	p1 =	sne.s32 s23, $0x3;
	v60 =	vmul.f32 v56, v48;
	[tilespmem:s29+$0xDB80] =	vst v58;
	v61 =	vadd.f32 v27, v57  }
.Ltmp3:
0x1bd: {  	[tilespmem:s28+$0xDB80] =	vst.add.f32.msk $0xffff, v55;
	v62 =	vadd.f32 v28, v59;
	(pc) =	sbr.rel @p1 .LBB2_6-.Ltmp3, $4  }
0x1be: {  	[tilespmem:s29+$0xDB80] =	vst.add.f32.msk $0xffff, v60;
	v63 =	vmul.f32 v61, v54  }
0x1bf: {  	s25 =	sshll.u32 s23, $0xD;
	[tilespmem:s0+$0xDB80] =	vst v62  }
0x1c0: {  	s31 =	sadd.s32 s25, s7;
	[tilespmem:s0+$0xDB80] =	vst.add.f32.msk $0xffff, v63  }
0x1c1: {  	[hbm4b:s31+s2] =	stream.linear.scatter [tilespmem:s17], [sflag:$0x3], $0x8000, $0x38;
	[tilespmem:$0x19800] =	vst v63  }
.Ltmp4:
0x1c2: {  	(pc) =	sbr.rel .LBB2_7-.Ltmp4, $4  }
0x1c3: {  	_ = 	snop  }
0x1c4: {  	_ =	swait.ge [sflag:s18], $0x4000  }
0x1c5: {  	[sflag:s18] =	ssyncset.done $0x0  }
0x1c6: {  	[sflag:s18] =	ssyncadd.s32 $0xFFFFC000  }
.LBB2_6:
.Ltmp5:
0x1c7: {  	s0 =	sadd.s32 s24, s8;
	(pc) =	sbr.rel @p0 .LBB2_8-.Ltmp5, $4  }
0x1c8: {  	[tilespmem:s14], [sflag:$0x1] =	stream.linear.gather [hbm4b:s0+s2], $0x4000, $0x38;
	[tilespmem:$0x19800] =	vst v63  }
0x1c9: {  	_ =	swait.ge [sflag:s18], $0x4000  }
0x1ca: {  	[sflag:s18] =	ssyncset.done $0x0  }
0x1cb: {  	[sflag:s18] =	ssyncadd.s32 $0xFFFFC000  }
.LBB2_7:
0x1cc: {  	_ =	swait.ge [sflag:s19], $0x8000  }
0x1cd: {  	[sflag:s19] =	ssyncset.done $0x0  }
0x1ce: {  	[sflag:s19] =	ssyncadd.s32 $0xFFFF8000  }
.LBB2_8:
0x1cf: {  	s0 =	simm.s32 $0x0  }
0x1d0: {  	v0 =	vld [tilespmem:s0+$0x0];
	_ =	sdelay $0x4  }
0x1d1: {  	v1 =	vshll.u32 v0, $0x3  }
0x1d2: {  	v2 =	vand.u32 $0x7F, v0;
	v1 =	vand.u32 $0x7FC00, v1  }
0x1d3: {  	s1 =	simm.s32 $0x0;
	v25 =	vor.u32 v2, v1  }
0x1d4: {  	s0 =	sand.u32 $0x70, s0;
	s1 =	sand.u32 $0xFFFFFF00, s1  }
0x1d5: {  	s1 =	sor.u32 s0, s1;
	v1 =	vshrl.u32 v0, $0x10;
	v0 =	vshrl.u32 v0, $0xD  }
0x1d6: {  	v4 =	vld [tilespmem:s1+$0x800];
	v1 =	vand.u32 $0x7F, v1;
	v0 =	vand.u32 $0x7FC00, v0  }
0x1d7: {  	v5 =	vld [tilespmem:s1+$0x880];
	v7 =	vor.u32 v1, v0  }
0x1d8: {  	v1 =	vld.idx.msk [tilespmem:v25+s15+$0x0], $0xffff;
	_ =	sdelay $0x3  }
0x1d9: {  	v2 =	vand.u32 $0xFFFF0000, v5;
	v6 =	vld.idx.msk [tilespmem:v7+s15+$0x0], $0xffff  }
0x1da: {  	v3 =	vand.u32 $0xFFFF0000, v4;
	v8 =	vmul.f32 v2, v1  }
0x1db: {  	v0 =	vshll.u32 v5, $0x10;
	v5 =	vmul.f32 v3, v1  }
0x1dc: {  	s26 =	simm.s32 $0x0;
	v1 =	vshll.u32 v4, $0x10;
	v4 =	vadd.f32 v0, v8;
	v8 =	vor.u32 $0x80, v25  }
0x1dd: {  	s1 =	sand.u32 $0x3FFFFC00, s26;
	v5 =	vadd.f32 v1, v5  }
0x1de: {  	s26 =	sor.u32 s0, s1;
	v4 =	vmul.f32 v4, v6  }
0x1df: {  	[tilespmem:s26+$0x11800] =	vst v5  }
0x1e0: {  	[tilespmem:s26+$0x11800] =	vst.add.f32.msk $0xffff, v4;
	v4 =	vor.u32 $0x80, v7  }
0x1e1: {  	v5 =	vld.idx.msk [tilespmem:v8+s15+$0x0], $0xffff;
	_ =	sdelay $0x3  }
0x1e2: {  	v4 =	vld.idx.msk [tilespmem:v4+s15+$0x0], $0xffff  }
0x1e3: {  	v6 =	vmul.f32 v2, v5  }
0x1e4: {  	v5 =	vmul.f32 v3, v5  }
0x1e5: {  	v8 =	vor.u32 $0x100, v25;
	v6 =	vadd.f32 v0, v6  }
0x1e6: {  	v5 =	vadd.f32 v1, v5  }
0x1e7: {  	s0 =	sadd.s32 $0x11800, s26;
	v4 =	vmul.f32 v6, v4  }
0x1e8: {  	s3 =	sor.u32 $0x80, s0;
	[tilespmem:s0+$0x80] =	vst v5  }
0x1e9: {  	[tilespmem:s3+$0x0] =	vst.add.f32.msk $0xffff, v4;
	v4 =	vor.u32 $0x100, v7  }
0x1ea: {  	v5 =	vld.idx.msk [tilespmem:v8+s15+$0x0], $0xffff;
	_ =	sdelay $0x3  }
0x1eb: {  	v4 =	vld.idx.msk [tilespmem:v4+s15+$0x0], $0xffff  }
0x1ec: {  	v6 =	vmul.f32 v2, v5  }
0x1ed: {  	v5 =	vmul.f32 v3, v5  }
0x1ee: {  	v8 =	vor.u32 $0x180, v25;
	v6 =	vadd.f32 v0, v6  }
0x1ef: {  	v5 =	vadd.f32 v1, v5  }
0x1f0: {  	s4 =	simm.s32 $0x10;
	v4 =	vmul.f32 v6, v4  }
0x1f1: {  	s3 =	sor.u32 $0x100, s0;
	v6 =	vld [tilespmem:s4+$0x0];
	[tilespmem:s0+$0x100] =	vst v5  }
0x1f2: {  	v5 =	vor.u32 $0x180, v7;
	[tilespmem:s3+$0x0] =	vst.add.f32.msk $0xffff, v4  }
0x1f3: {  	v4 =	vld.idx.msk [tilespmem:v8+s15+$0x0], $0xffff;
	_ =	sdelay $0x2  }
0x1f4: {  	v8 =	vshll.u32 v6, $0x3  }
0x1f5: {  	v9 =	vand.u32 $0x7F, v6;
	v5 =	vld.idx.msk [tilespmem:v5+s15+$0x0], $0xffff;
	v8 =	vand.u32 $0x7FC00, v8  }
0x1f6: {  	s6 =	simm.s32 $0x20;
	v8 =	vor.u32 v9, v8;
	v9 =	vmul.f32 v2, v4  }
0x1f7: {  	s1 =	sand.u32 $0x70, s4;
	v11 =	vor.u32 $0x200, v25;
	s3 =	sand.u32 $0xFFFFFF00, s6;
	v4 =	vmul.f32 v3, v4  }
0x1f8: {  	s3 =	sor.u32 s1, s3;
	v10 =	vshrl.u32 v6, $0x10;
	v6 =	vshrl.u32 v6, $0xD;
	v9 =	vadd.f32 v0, v9  }
0x1f9: {  	v12 =	vld [tilespmem:s3+$0x800];
	v10 =	vand.u32 $0x7F, v10;
	v6 =	vand.u32 $0x7FC00, v6;
	v4 =	vadd.f32 v1, v4  }
0x1fa: {  	v13 =	vld [tilespmem:s3+$0x880];
	v10 =	vor.u32 v10, v6;
	v5 =	vmul.f32 v9, v5  }
0x1fb: {  	s10 =	sor.u32 $0x180, s0;
	v14 =	vld.idx.msk [tilespmem:v8+s15+$0x0], $0xffff;
	[tilespmem:s0+$0x180] =	vst v4  }
0x1fc: {  	v15 =	vor.u32 $0x200, v7;
	[tilespmem:s10+$0x0] =	vst.add.f32.msk $0xffff, v5  }
0x1fd: {  	v11 =	vld.idx.msk [tilespmem:v11+s15+$0x0], $0xffff;
	_ =	sdelay $0x1  }
0x1fe: {  	v16 =	vld.idx.msk [tilespmem:v10+s15+$0x0], $0xffff;
	v9 =	vand.u32 $0xFFFF0000, v13  }
0x1ff: {  	v5 =	vand.u32 $0xFFFF0000, v12;
	v17 =	vmul.f32 v9, v14  }
0x200: {  	v6 =	vshll.u32 v13, $0x10;
	v4 =	vshll.u32 v12, $0x10;
	v12 =	vld.idx.msk [tilespmem:v15+s15+$0x0], $0xffff;
	v13 =	vmul.f32 v5, v14  }
0x201: {  	s13 =	simm.s32 $0x80;
	v15 =	vor.u32 $0x80, v8;
	v14 =	vadd.f32 v6, v17;
	v17 =	vmul.f32 v2, v11  }
0x202: {  	s3 =	sand.u32 $0x3FFFFC00, s13;
	v13 =	vadd.f32 v4, v13;
	v11 =	vmul.f32 v3, v11  }
0x203: {  	s28 =	sor.u32 s1, s3;
	v14 =	vmul.f32 v14, v16;
	v16 =	vadd.f32 v0, v17;
	v17 =	vor.u32 $0x280, v25  }
0x204: {  	[tilespmem:s28+$0x11800] =	vst v13;
	v11 =	vadd.f32 v1, v11  }
0x205: {  	v13 =	vor.u32 $0x80, v10;
	[tilespmem:s28+$0x11800] =	vst.add.f32.msk $0xffff, v14;
	v12 =	vmul.f32 v16, v12  }
0x206: {  	s4 =	sor.u32 $0x200, s0;
	v14 =	vld.idx.msk [tilespmem:v15+s15+$0x0], $0xffff;
	[tilespmem:s0+$0x200] =	vst v11  }
0x207: {  	v11 =	vor.u32 $0x280, v7;
	[tilespmem:s4+$0x0] =	vst.add.f32.msk $0xffff, v12  }
0x208: {  	v12 =	vld.idx.msk [tilespmem:v17+s15+$0x0], $0xffff;
	_ =	sdelay $0x1  }
0x209: {  	v13 =	vld.idx.msk [tilespmem:v13+s15+$0x0], $0xffff  }
0x20a: {  	v15 =	vmul.f32 v9, v14  }
0x20b: {  	v14 =	vmul.f32 v5, v14;
	v11 =	vld.idx.msk [tilespmem:v11+s15+$0x0], $0xffff  }
0x20c: {  	v16 =	vor.u32 $0x100, v8;
	v15 =	vadd.f32 v6, v15;
	v17 =	vmul.f32 v2, v12  }
0x20d: {  	v14 =	vadd.f32 v4, v14;
	v12 =	vmul.f32 v3, v12  }
0x20e: {  	s1 =	sadd.s32 $0x11800, s28;
	v13 =	vmul.f32 v15, v13;
	v15 =	vadd.f32 v0, v17;
	v17 =	vor.u32 $0x300, v25  }
0x20f: {  	s6 =	sor.u32 $0x80, s1;
	[tilespmem:s1+$0x80] =	vst v14;
	v12 =	vadd.f32 v1, v12  }
0x210: {  	[tilespmem:s6+$0x0] =	vst.add.f32.msk $0xffff, v13;
	v13 =	vor.u32 $0x100, v10;
	v11 =	vmul.f32 v15, v11  }
0x211: {  	s10 =	sor.u32 $0x280, s0;
	v14 =	vld.idx.msk [tilespmem:v16+s15+$0x0], $0xffff;
	[tilespmem:s0+$0x280] =	vst v12  }
0x212: {  	v12 =	vor.u32 $0x300, v7;
	[tilespmem:s10+$0x0] =	vst.add.f32.msk $0xffff, v11  }
0x213: {  	v11 =	vld.idx.msk [tilespmem:v17+s15+$0x0], $0xffff;
	_ =	sdelay $0x1  }
0x214: {  	v13 =	vld.idx.msk [tilespmem:v13+s15+$0x0], $0xffff  }
0x215: {  	v15 =	vmul.f32 v9, v14  }
0x216: {  	v12 =	vld.idx.msk [tilespmem:v12+s15+$0x0], $0xffff;
	v14 =	vmul.f32 v5, v14  }
0x217: {  	v16 =	vor.u32 $0x180, v8;
	v15 =	vadd.f32 v6, v15;
	v17 =	vmul.f32 v2, v11  }
0x218: {  	s13 =	simm.s32 $0x20;
	v14 =	vadd.f32 v4, v14;
	v11 =	vmul.f32 v3, v11  }
0x219: {  	v18 =	vld [tilespmem:s13+$0x0];
	v13 =	vmul.f32 v15, v13;
	v15 =	vadd.f32 v0, v17;
	v17 =	vor.u32 $0x380, v25  }
0x21a: {  	s4 =	sor.u32 $0x100, s1;
	[tilespmem:s1+$0x100] =	vst v14;
	v11 =	vadd.f32 v1, v11  }
0x21b: {  	v14 =	vor.u32 $0x180, v10;
	[tilespmem:s4+$0x0] =	vst.add.f32.msk $0xffff, v13;
	v12 =	vmul.f32 v15, v12  }
0x21c: {  	s6 =	sor.u32 $0x300, s0;
	v13 =	vld.idx.msk [tilespmem:v16+s15+$0x0], $0xffff;
	[tilespmem:s0+$0x300] =	vst v11  }
0x21d: {  	v11 =	vor.u32 $0x380, v7;
	[tilespmem:s6+$0x0] =	vst.add.f32.msk $0xffff, v12  }
0x21e: {  	v15 =	vshll.u32 v18, $0x3;
	v16 =	vshrl.u32 v18, $0xD;
	v17 =	vld.idx.msk [tilespmem:v17+s15+$0x0], $0xffff  }
0x21f: {  	v15 =	vand.u32 $0x7FC00, v15;
	v12 =	vshrl.u32 v18, $0x10;
	v18 =	vand.u32 $0x7F, v18  }
0x220: {  	s10 =	simm.s32 $0x40;
	v19 =	vand.u32 $0x7FC00, v16;
	v14 =	vld.idx.msk [tilespmem:v14+s15+$0x0], $0xffff;
	v12 =	vand.u32 $0x7F, v12;
	v16 =	vor.u32 v18, v15  }
0x221: {  	s3 =	sand.u32 $0x70, s13;
	s4 =	sand.u32 $0xFFFFFF00, s10;
	v15 =	vor.u32 v12, v19;
	v12 =	vmul.f32 v9, v13  }
0x222: {  	s4 =	sor.u32 s3, s4;
	v11 =	vld.idx.msk [tilespmem:v11+s15+$0x0], $0xffff;
	v13 =	vmul.f32 v5, v13  }
0x223: {  	v21 =	vld [tilespmem:s4+$0x880];
	v19 =	vor.u32 $0x200, v8;
	v12 =	vadd.f32 v6, v12;
	v20 =	vmul.f32 v2, v17  }
0x224: {  	v18 =	vld [tilespmem:s4+$0x800];
	v13 =	vadd.f32 v4, v13;
	v17 =	vmul.f32 v3, v17  }
0x225: {  	v22 =	vld.idx.msk [tilespmem:v16+s15+$0x0], $0xffff;
	v12 =	vmul.f32 v12, v14;
	v14 =	vadd.f32 v0, v20;
	v20 =	vadd.s32 $0x2000, v25  }
0x226: {  	s13 =	sor.u32 $0x180, s1;
	v23 =	vld.idx.msk [tilespmem:v15+s15+$0x0], $0xffff;
	[tilespmem:s1+$0x180] =	vst v13;
	v13 =	vadd.f32 v1, v17  }
0x227: {  	v17 =	vor.u32 $0x200, v10;
	[tilespmem:s13+$0x0] =	vst.add.f32.msk $0xffff, v12;
	v11 =	vmul.f32 v14, v11  }
0x228: {  	s6 =	sor.u32 $0x380, s0;
	v19 =	vld.idx.msk [tilespmem:v19+s15+$0x0], $0xffff;
	[tilespmem:s0+$0x380] =	vst v13  }
0x229: {  	v24 =	vadd.s32 $0x2000, v7;
	v13 =	vand.u32 $0xFFFF0000, v21;
	[tilespmem:s6+$0x0] =	vst.add.f32.msk $0xffff, v11  }
0x22a: {  	v14 =	vand.u32 $0xFFFF0000, v18;
	v26 =	vmul.f32 v13, v22;
	v20 =	vld.idx.msk [tilespmem:v20+s15+$0x0], $0xffff  }
0x22b: {  	v11 =	vshll.u32 v21, $0x10;
	v21 =	vmul.f32 v14, v22  }
0x22c: {  	s10 =	simm.s32 $0x100;
	v12 =	vshll.u32 v18, $0x10;
	v22 =	vor.u32 $0x80, v16;
	v18 =	vadd.f32 v11, v26;
	v17 =	vld.idx.msk [tilespmem:v17+s15+$0x0], $0xffff  }
0x22d: {  	s0 =	sand.u32 $0x3FFFFC00, s10;
	v26 =	vor.u32 $0x80, v15;
	v21 =	vadd.f32 v12, v21;
	v27 =	vmul.f32 v9, v19  }
0x22e: {  	s29 =	sor.u32 s3, s0;
	v18 =	vmul.f32 v18, v23;
	v19 =	vmul.f32 v5, v19;
	v23 =	vld.idx.msk [tilespmem:v24+s15+$0x0], $0xffff  }
0x22f: {  	v24 =	vor.u32 $0x280, v8;
	[tilespmem:s29+$0x11800] =	vst v21;
	v21 =	vadd.f32 v6, v27;
	v27 =	vmul.f32 v2, v20  }
0x230: {  	[tilespmem:s29+$0x11800] =	vst.add.f32.msk $0xffff, v18;
	v18 =	vadd.f32 v4, v19;
	v19 =	vmul.f32 v3, v20  }
0x231: {  	v20 =	vld.idx.msk [tilespmem:v22+s15+$0x0], $0xffff;
	v22 =	vadd.s32 $0x2080, v25;
	v17 =	vmul.f32 v21, v17;
	v21 =	vadd.f32 v0, v27  }
0x232: {  	s13 =	sor.u32 $0x200, s1;
	v26 =	vld.idx.msk [tilespmem:v26+s15+$0x0], $0xffff;
	[tilespmem:s1+$0x200] =	vst v18;
	v18 =	vadd.f32 v1, v19  }
0x233: {  	v19 =	vor.u32 $0x280, v10;
	[tilespmem:s13+$0x0] =	vst.add.f32.msk $0xffff, v17;
	v17 =	vmul.f32 v21, v23  }
0x234: {  	v21 =	vld.idx.msk [tilespmem:v24+s15+$0x0], $0xffff;
	[tilespmem:s26+$0x15800] =	vst v18  }
0x235: {  	[tilespmem:s26+$0x15800] =	vst.add.f32.msk $0xffff, v17;
	v17 =	vadd.s32 $0x2080, v7  }
0x236: {  	v18 =	vmul.f32 v13, v20;
	v22 =	vld.idx.msk [tilespmem:v22+s15+$0x0], $0xffff  }
0x237: {  	v20 =	vmul.f32 v14, v20  }
0x238: {  	s4 =	simm.s32 $0x60;
	s3 =	simm.s32 $0x30;
	v24 =	vor.u32 $0x100, v16;
	v19 =	vld.idx.msk [tilespmem:v19+s15+$0x0], $0xffff;
	v18 =	vadd.f32 v11, v18  }
0x239: {  	s0 =	sand.u32 $0x70, s3;
	v27 =	vor.u32 $0x100, v15;
	v23 =	vld [tilespmem:s3+$0x0];
	s3 =	sand.u32 $0xFFFFFF00, s4;
	v20 =	vadd.f32 v12, v20;
	v28 =	vmul.f32 v9, v21  }
0x23a: {  	s31 =	sadd.s32 $0x11800, s29;
	s3 =	sor.u32 s0, s3;
	v18 =	vmul.f32 v18, v26;
	v21 =	vmul.f32 v5, v21;
	v17 =	vld.idx.msk [tilespmem:v17+s15+$0x0], $0xffff  }
0x23b: {  	s6 =	sor.u32 $0x80, s31;
	v26 =	vld [tilespmem:s3+$0x800];
	[tilespmem:s31+$0x80] =	vst v20;
	v20 =	vadd.f32 v6, v28;
	v28 =	vor.u32 $0x300, v8;
	v29 =	vmul.f32 v2, v22  }
0x23c: {  	v31 =	vor.u32 $0x300, v10;
	[tilespmem:s6+$0x0] =	vst.add.f32.msk $0xffff, v18;
	v18 =	vadd.f32 v4, v21;
	v21 =	vmul.f32 v3, v22  }
0x23d: {  	v24 =	vld.idx.msk [tilespmem:v24+s15+$0x0], $0xffff;
	v19 =	vmul.f32 v20, v19;
	v20 =	vadd.f32 v0, v29;
	v29 =	vadd.s32 $0x2100, v25  }
0x23e: {  	s10 =	sor.u32 $0x280, s1;
	v30 =	vshrl.u32 v23, $0x10;
	v22 =	vshrl.u32 v23, $0xD;
	v27 =	vld.idx.msk [tilespmem:v27+s15+$0x0], $0xffff;
	[tilespmem:s1+$0x280] =	vst v18;
	v18 =	vadd.f32 v1, v21  }
0x23f: {  	v30 =	vand.u32 $0x7F, v30;
	v21 =	vand.u32 $0x7FC00, v22;
	[tilespmem:s10+$0x0] =	vst.add.f32.msk $0xffff, v19;
	v19 =	vmul.f32 v20, v17  }
0x240: {  	v17 =	vor.u32 v30, v21;
	v20 =	vshll.u32 v23, $0x3;
	v21 =	vld.idx.msk [tilespmem:v28+s15+$0x0], $0xffff;
	[tilespmem:s26+$0x15880] =	vst v18  }
0x241: {  	v18 =	vand.u32 $0x7F, v23;
	v20 =	vand.u32 $0x7FC00, v20;
	[tilespmem:s26+$0x15880] =	vst.add.f32.msk $0xffff, v19;
	v19 =	vadd.s32 $0x2100, v7  }
0x242: {  	v22 =	vor.u32 v18, v20;
	v18 =	vmul.f32 v13, v24;
	v20 =	vld.idx.msk [tilespmem:v29+s15+$0x0], $0xffff  }
0x243: {  	v23 =	vld [tilespmem:s3+$0x880];
	v24 =	vmul.f32 v14, v24  }
0x244: {  	v28 =	vld.idx.msk [tilespmem:v31+s15+$0x0], $0xffff;
	v29 =	vor.u32 $0x180, v16;
	v18 =	vadd.f32 v11, v18  }
0x245: {  	v31 =	vor.u32 $0x180, v15;
	v24 =	vadd.f32 v12, v24;
	v30 =	vld.idx.msk [tilespmem:v17+s15+$0x0], $0xffff;
	v32 =	vmul.f32 v9, v21  }
0x246: {  	v21 =	vmul.f32 v5, v21;
	v18 =	vmul.f32 v18, v27;
	v19 =	vld.idx.msk [tilespmem:v19+s15+$0x0], $0xffff  }
0x247: {  	v48 =	vor.u32 $0x380, v8;
	s13 =	sor.u32 $0x100, s31;
	[tilespmem:s31+$0x100] =	vst v24;
	v27 =	vld.idx.msk [tilespmem:v22+s15+$0x0], $0xffff;
	v24 =	vadd.f32 v6, v32;
	v33 =	vmul.f32 v2, v20  }
0x248: {  	[tilespmem:s13+$0x0] =	vst.add.f32.msk $0xffff, v18;
	v18 =	vadd.f32 v4, v21;
	v20 =	vmul.f32 v3, v20  }
0x249: {  	v21 =	vmul.f32 v24, v28;
	v24 =	vld.idx.msk [tilespmem:v29+s15+$0x0], $0xffff;
	v29 =	vadd.s32 $0x2180, v25;
	v28 =	vadd.f32 v0, v33  }
0x24a: {  	s4 =	sor.u32 $0x300, s1;
	v31 =	vld.idx.msk [tilespmem:v31+s15+$0x0], $0xffff;
	[tilespmem:s1+$0x300] =	vst v18;
	v20 =	vadd.f32 v1, v20  }
0x24b: {  	v49 =	vor.u32 $0x380, v10;
	v18 =	vand.u32 $0xFFFF0000, v23;
	[tilespmem:s4+$0x0] =	vst.add.f32.msk $0xffff, v21;
	v21 =	vmul.f32 v28, v19  }
0x24c: {  	v50 =	vadd.s32 $0x2180, v7;
	v28 =	vld.idx.msk [tilespmem:v48+s15+$0x0], $0xffff;
	[tilespmem:s26+$0x15900] =	vst v20;
	v19 =	vand.u32 $0xFFFF0000, v26;
	v34 =	vmul.f32 v18, v27  }
0x24d: {  	v20 =	vshll.u32 v23, $0x10;
	v23 =	vmul.f32 v19, v27;
	[tilespmem:s26+$0x15900] =	vst.add.f32.msk $0xffff, v21  }
0x24e: {  	s6 =	simm.s32 $0x180;
	v21 =	vshll.u32 v26, $0x10;
	v26 =	vadd.f32 v20, v34;
	v27 =	vld.idx.msk [tilespmem:v29+s15+$0x0], $0xffff;
	v29 =	vmul.f32 v13, v24  }
0x24f: {  	s3 =	sand.u32 $0x3FFFFC00, s6;
	v23 =	vadd.f32 v21, v23;
	v24 =	vmul.f32 v14, v24  }
0x250: {  	s30 =	sor.u32 s0, s3;
	v33 =	vld.idx.msk [tilespmem:v49+s15+$0x0], $0xffff;
	v26 =	vmul.f32 v26, v30;
	v30 =	vor.u32 $0x200, v15;
	v29 =	vadd.f32 v11, v29  }
0x251: {  	v32 =	vld.idx.msk [tilespmem:v50+s15+$0x0], $0xffff;
	[tilespmem:s30+$0x11800] =	vst v23;
	v23 =	vadd.f32 v12, v24;
	v24 =	vor.u32 $0x200, v16;
	v51 =	vmul.f32 v9, v28  }
0x252: {  	s0 =	simm.s32 $0x40;
	v28 =	vmul.f32 v5, v28;
	[tilespmem:s30+$0x11800] =	vst.add.f32.msk $0xffff, v26;
	v26 =	vmul.f32 v29, v31  }
0x253: {  	s10 =	sor.u32 $0x180, s31;
	v29 =	vld [tilespmem:s0+$0x0];
	[tilespmem:s31+$0x180] =	vst v23;
	v23 =	vadd.f32 v6, v51;
	v31 =	vadd.s32 $0x2000, v8;
	v52 =	vmul.f32 v2, v27  }
0x254: {  	v27 =	vmul.f32 v3, v27;
	[tilespmem:s10+$0x0] =	vst.add.f32.msk $0xffff, v26;
	v26 =	vadd.f32 v4, v28  }
0x255: {  	v28 =	vadd.s32 $0x2200, v25;
	v23 =	vmul.f32 v23, v33;
	v30 =	vld.idx.msk [tilespmem:v30+s15+$0x0], $0xffff;
	v53 =	vadd.f32 v0, v52  }
0x256: {  	s13 =	sor.u32 $0x380, s1;
	v24 =	vld.idx.msk [tilespmem:v24+s15+$0x0], $0xffff;
	[tilespmem:s1+$0x380] =	vst v26;
	v26 =	vadd.f32 v1, v27;
	v27 =	vor.u32 $0x80, v22  }
0x257: {  	v56 =	vor.u32 $0x80, v17;
	[tilespmem:s13+$0x0] =	vst.add.f32.msk $0xffff, v23;
	v23 =	vmul.f32 v53, v32  }
0x258: {  	v54 =	vadd.s32 $0x2000, v10;
	v31 =	vld.idx.msk [tilespmem:v31+s15+$0x0], $0xffff;
	[tilespmem:s26+$0x15980] =	vst v26  }
0x259: {  	[tilespmem:s26+$0x15980] =	vst.add.f32.msk $0xffff, v23  }
0x25a: {  	v23 =	vadd.s32 $0x2200, v7;
	v26 =	vld.idx.msk [tilespmem:v28+s15+$0x0], $0xffff  }
0x25b: {  	s4 =	simm.s32 $0x80;
	v55 =	vld.idx.msk [tilespmem:v27+s15+$0x0], $0xffff;
	v27 =	vmul.f32 v13, v24  }
0x25c: {  	v34 =	vld.idx.msk [tilespmem:v56+s15+$0x0], $0xffff;
	s1 =	sand.u32 $0xFFFFFF00, s4;
	s13 =	sand.u32 $0x70, s0;
	v24 =	vmul.f32 v14, v24  }
0x25d: {  	v36 =	vor.u32 $0x280, v16;
	s1 =	sor.u32 s13, s1;
	v32 =	vld.idx.msk [tilespmem:v54+s15+$0x0], $0xffff;
	v35 =	vadd.f32 v11, v27  }
0x25e: {  	v37 =	vor.u32 $0x280, v15;
	v28 =	vld [tilespmem:s1+$0x800];
	v24 =	vadd.f32 v12, v24;
	v38 =	vmul.f32 v9, v31  }
0x25f: {  	v63 =	vadd.s32 $0x2280, v7;
	v31 =	vmul.f32 v5, v31;
	v23 =	vld.idx.msk [tilespmem:v23+s15+$0x0], $0xffff;
	v30 =	vmul.f32 v35, v30  }
0x260: {  	v57 =	vadd.s32 $0x2080, v8;
	s6 =	sor.u32 $0x200, s31;
	v27 =	vld [tilespmem:s1+$0x880];
	[tilespmem:s31+$0x200] =	vst v24;
	v24 =	vadd.f32 v6, v38;
	v58 =	vmul.f32 v2, v26  }
0x261: {  	v26 =	vmul.f32 v3, v26;
	v40 =	vmul.f32 v18, v55;
	[tilespmem:s6+$0x0] =	vst.add.f32.msk $0xffff, v30;
	v30 =	vadd.f32 v4, v31  }
0x262: {  	v31 =	vadd.s32 $0x2280, v25;
	v24 =	vmul.f32 v24, v32;
	v59 =	vadd.f32 v0, v58;
	v36 =	vld.idx.msk [tilespmem:v36+s15+$0x0], $0xffff  }
0x263: {  	v62 =	vor.u32 $0x100, v22;
	v33 =	vmul.f32 v19, v55;
	v26 =	vadd.f32 v1, v26;
	v37 =	vld.idx.msk [tilespmem:v37+s15+$0x0], $0xffff;
	[tilespmem:s28+$0x15800] =	vst v30  }
0x264: {  	v39 =	vshrl.u32 v29, $0x10;
	v30 =	vadd.f32 v20, v40;
	v23 =	vmul.f32 v59, v23;
	[tilespmem:s28+$0x15800] =	vst.add.f32.msk $0xffff, v24  }
0x265: {  	v60 =	vshrl.u32 v29, $0xD;
	v33 =	vadd.f32 v21, v33;
	[tilespmem:s26+$0x15A00] =	vst v26;
	v24 =	vadd.s32 $0x2080, v10;
	v35 =	vld.idx.msk [tilespmem:v57+s15+$0x0], $0xffff  }
0x266: {  	v61 =	vand.u32 $0x7F, v39;
	s1 =	sadd.s32 $0x11800, s30;
	v26 =	vand.u32 $0x7FC00, v60;
	v30 =	vmul.f32 v30, v34;
	[tilespmem:s26+$0x15A00] =	vst.add.f32.msk $0xffff, v23  }
0x267: {  	s10 =	sor.u32 $0x80, s1;
	[tilespmem:s1+$0x80] =	vst v33;
	v23 =	vor.u32 v61, v26;
	v26 =	vld.idx.msk [tilespmem:v31+s15+$0x0], $0xffff  }
0x268: {  	[tilespmem:s10+$0x0] =	vst.add.f32.msk $0xffff, v30;
	v30 =	vor.u32 $0x100, v17;
	v31 =	vmul.f32 v13, v36  }
0x269: {  	v34 =	vld.idx.msk [tilespmem:v63+s15+$0x0], $0xffff;
	v44 =	vmul.f32 v14, v36  }
0x26a: {  	v47 =	vor.u32 $0x300, v16;
	v48 =	vor.u32 $0x300, v15;
	v24 =	vld.idx.msk [tilespmem:v24+s15+$0x0], $0xffff;
	v31 =	vadd.f32 v11, v31  }
0x26b: {  	v50 =	vadd.s32 $0x2100, v8;
	v46 =	vld.idx.msk [tilespmem:v62+s15+$0x0], $0xffff;
	v32 =	vadd.f32 v12, v44;
	v41 =	vmul.f32 v9, v35  }
0x26c: {  	v45 =	vand.u32 $0x7F, v29;
	v36 =	vld.idx.msk [tilespmem:v23+s15+$0x0], $0xffff;
	v35 =	vmul.f32 v5, v35;
	v31 =	vmul.f32 v31, v37  }
0x26d: {  	s4 =	sor.u32 $0x280, s31;
	v29 =	vshll.u32 v29, $0x3;
	[tilespmem:s31+$0x280] =	vst v32;
	v51 =	vmul.f32 v2, v26;
	v30 =	vld.idx.msk [tilespmem:v30+s15+$0x0], $0xffff;
	v49 =	vadd.f32 v6, v41  }
0x26e: {  	v29 =	vand.u32 $0x7FC00, v29;
	v26 =	vmul.f32 v3, v26;
	[tilespmem:s4+$0x0] =	vst.add.f32.msk $0xffff, v31;
	v31 =	vadd.f32 v4, v35  }
0x26f: {  	v55 =	vadd.s32 $0x2100, v10;
	v53 =	vadd.f32 v0, v51;
	v52 =	vld.idx.msk [tilespmem:v47+s15+$0x0], $0xffff;
	v32 =	vmul.f32 v49, v24  }
0x270: {  	v54 =	vadd.s32 $0x2300, v25;
	v26 =	vadd.f32 v1, v26;
	v24 =	vor.u32 v45, v29;
	v29 =	vld.idx.msk [tilespmem:v48+s15+$0x0], $0xffff;
	[tilespmem:s28+$0x15880] =	vst v31  }
0x271: {  	v31 =	vmul.f32 v18, v46;
	v56 =	vmul.f32 v53, v34;
	[tilespmem:s28+$0x15880] =	vst.add.f32.msk $0xffff, v32  }
0x272: {  	v57 =	vmul.f32 v19, v46;
	[tilespmem:s26+$0x15A80] =	vst v26;
	v37 =	vld.idx.msk [tilespmem:v50+s15+$0x0], $0xffff  }
0x273: {  	v26 =	vadd.f32 v20, v31;
	[tilespmem:s26+$0x15A80] =	vst.add.f32.msk $0xffff, v56;
	v31 =	vadd.s32 $0x2300, v7  }
0x274: {  	v59 =	vor.u32 $0x180, v17;
	v58 =	vadd.f32 v21, v57;
	v32 =	vld.idx.msk [tilespmem:v55+s15+$0x0], $0xffff  }
0x275: {  	v41 =	vld.idx.msk [tilespmem:v54+s15+$0x0], $0xffff;
	v26 =	vmul.f32 v26, v30;
	v30 =	vor.u32 $0x180, v22;
	v60 =	vmul.f32 v13, v52  }
0x276: {  	s6 =	sor.u32 $0x100, s1;
	[tilespmem:s1+$0x100] =	vst v58;
	v40 =	vld.idx.msk [tilespmem:v24+s15+$0x0], $0xffff;
	v61 =	vmul.f32 v14, v52  }
0x277: {  	v62 =	vor.u32 $0x380, v15;
	[tilespmem:s6+$0x0] =	vst.add.f32.msk $0xffff, v26;
	v26 =	vadd.f32 v11, v60  }
0x278: {  	v42 =	vor.u32 $0x380, v16;
	v33 =	vadd.f32 v12, v61;
	v43 =	vmul.f32 v9, v37;
	v31 =	vld.idx.msk [tilespmem:v31+s15+$0x0], $0xffff  }
0x279: {  	v38 =	vld.idx.msk [tilespmem:v59+s15+$0x0], $0xffff;
	v26 =	vmul.f32 v26, v29;
	v29 =	vmul.f32 v5, v37  }
0x27a: {  	s10 =	sor.u32 $0x300, s31;
	[tilespmem:s31+$0x300] =	vst v33;
	v63 =	vmul.f32 v2, v41;
	v33 =	vadd.s32 $0x2180, v8;
	v39 =	vld.idx.msk [tilespmem:v30+s15+$0x0], $0xffff;
	v30 =	vadd.f32 v6, v43  }
0x27b: {  	v41 =	vmul.f32 v3, v41;
	[tilespmem:s10+$0x0] =	vst.add.f32.msk $0xffff, v26;
	v26 =	vadd.f32 v4, v29  }
0x27c: {  	v34 =	vadd.f32 v0, v63;
	v29 =	vadd.s32 $0x2380, v25;
	v35 =	vld.idx.msk [tilespmem:v62+s15+$0x0], $0xffff;
	v43 =	vmul.f32 v30, v32  }
0x27d: {  	v25 =	vand.u32 $0xFFFF0000, v27;
	v37 =	vld.idx.msk [tilespmem:v42+s15+$0x0], $0xffff;
	v32 =	vadd.s32 $0x2180, v10;
	v30 =	vadd.f32 v1, v41;
	[tilespmem:s28+$0x15900] =	vst v26  }
0x27e: {  	s3 =	simm.s32 $0x5;
	s4 =	simm.s32 $0x40;
	s6 =	simm.s32 $0x200;
	v41 =	vmul.f32 v25, v40;
	v26 =	vand.u32 $0xFFFF0000, v28;
	v31 =	vmul.f32 v34, v31;
	[tilespmem:s28+$0x15900] =	vst.add.f32.msk $0xffff, v43  }
.LBB2_9:
0x27f: {  	p0 =	sne.s32 s3, $0x7F;
	v27 =	vshll.u32 v27, $0x10;
	v43 =	vmul.f32 v26, v40;
	v33 =	vld.idx.msk [tilespmem:v33+s15+$0x0], $0xffff;
	[tilespmem:s26+$0x15B00] =	vst v30;
	v30 =	vadd.s32 $0x2380, v7;
	v7 =	vmovc v10  }
0x280: {  	v28 =	vshll.u32 v28, $0x10;
	v10 =	vmovc v15;
	v40 =	vadd.f32 v27, v41;
	v41 =	vmul.f32 v18, v39;
	[tilespmem:s26+$0x15B00] =	vst.add.f32.msk $0xffff, v31  }
0x281: {  	s6 =	sand.u32 $0x3FFFFC00, s6;
	s0 =	sadd.s32 $0x10, s0;
	v15 =	vmovc v17;
	v17 =	vmov v23;
	v39 =	vmul.f32 v19, v39;
	v31 =	vadd.f32 v28, v43;
	v42 =	vld.idx.msk [tilespmem:v29+s15+$0x0], $0xffff  }
0x282: {  	v34 =	vmovc v24;
	s10 =	sor.u32 s13, s6;
	v29 =	vld [tilespmem:s0+$0x0];
	v23 =	vmul.f32 v40, v36;
	v36 =	vadd.f32 v20, v41;
	v40 =	vor.u32 $0x200, v15  }
0x283: {  	v24 =	vadd.f32 v21, v39;
	v39 =	vmul.f32 v13, v37;
	[tilespmem:s10+$0x11800] =	vst v31;
	v31 =	vor.u32 $0x200, v22;
	v32 =	vld.idx.msk [tilespmem:v32+s15+$0x0], $0xffff  }
0x284: {  	[tilespmem:s10+$0x11800] =	vst.add.f32.msk $0xffff, v23;
	v23 =	vmul.f32 v36, v38;
	v36 =	vmul.f32 v14, v37  }
0x285: {  	s6 =	sor.u32 $0x180, s1;
	v37 =	vadd.s32 $0x2000, v16;
	v38 =	vmul.f32 v9, v33;
	[tilespmem:s1+$0x180] =	vst v24;
	v24 =	vadd.f32 v11, v39;
	v30 =	vld.idx.msk [tilespmem:v30+s15+$0x0], $0xffff  }
0x286: {  	v33 =	vmul.f32 v5, v33;
	[tilespmem:s6+$0x0] =	vst.add.f32.msk $0xffff, v23;
	v23 =	vadd.f32 v12, v36;
	v36 =	vadd.s32 $0x2200, v8  }
0x287: {  	v39 =	vld.idx.msk [tilespmem:v40+s15+$0x0], $0xffff;
	v24 =	vmul.f32 v24, v35;
	v35 =	vadd.f32 v6, v38;
	v38 =	vmul.f32 v2, v42  }
0x288: {  	s6 =	sor.u32 $0x380, s31;
	v3 =	vmul.f32 v3, v42;
	v2 =	vmov v9;
	v31 =	vld.idx.msk [tilespmem:v31+s15+$0x0], $0xffff;
	[tilespmem:s31+$0x380] =	vst v23;
	v23 =	vadd.f32 v4, v33;
	s31 =	smov.u32 s1  }
0x289: {  	v33 =	vor.u32 $0x80, v34;
	[tilespmem:s6+$0x0] =	vst.add.f32.msk $0xffff, v24;
	v40 =	vmul.f32 v35, v32;
	v24 =	vadd.f32 v0, v38;
	v0 =	vmovc v6  }
0x28a: {  	v35 =	vadd.s32 $0x2000, v10;
	v6 =	vmovc v11;
	v11 =	vmov v20;
	v32 =	vld.idx.msk [tilespmem:v37+s15+$0x0], $0xffff;
	[tilespmem:s28+$0x15980] =	vst v23;
	v37 =	vadd.f32 v1, v3  }
0x28b: {  	v20 =	vmovc v27;
	v1 =	vmovc v4;
	v4 =	vmov v12;
	v12 =	vmov v21;
	[tilespmem:s28+$0x15980] =	vst.add.f32.msk $0xffff, v40;
	v23 =	vmul.f32 v24, v30  }
0x28c: {  	v9 =	vmovc v13;
	v13 =	vmovc v18;
	v18 =	vmov v25;
	s6 =	sshll.u32 s3, $0x7;
	v27 =	vadd.s32 $0x2200, v7;
	v21 =	vmov v28;
	v24 =	vld.idx.msk [tilespmem:v36+s15+$0x0], $0xffff;
	[tilespmem:s26+$0x15B80] =	vst v37  }
0x28d: {  	s4 =	sadd.s32 $0x10, s4;
	s1 =	sshra.s32 s6, $0x2;
	v3 =	vmovc v5;
	v5 =	vmov v14;
	v14 =	vmov v19;
	v19 =	vmov v26;
	[tilespmem:s26+$0x15B80] =	vst.add.f32.msk $0xffff, v23;
	s26 =	smov.u32 s28  }
0x28e: {  	s13 =	sand.u32 $0x70, s4;
	v25 =	vor.u32 $0x80, v17;
	s1 =	sand.u32 $0xFFFFFF00, s1;
	v26 =	vmul.f32 v13, v31;
	s28 =	smov.u32 s29;
	v23 =	vld.idx.msk [tilespmem:v33+s15+$0x0], $0xffff  }
0x28f: {  	s1 =	sor.u32 s13, s1;
	v30 =	vmul.f32 v14, v31;
	s29 =	smov.u32 s30;
	s30 =	smov.u32 s10;
	v31 =	vld.idx.msk [tilespmem:v35+s15+$0x0], $0xffff  }
0x290: {  	v33 =	vor.u32 $0x280, v22;
	v26 =	vadd.f32 v11, v26;
	v28 =	vld [tilespmem:s1+$0x800]  }
0x291: {  	v30 =	vadd.f32 v12, v30;
	v35 =	vor.u32 $0x280, v15;
	v36 =	vmul.f32 v9, v32;
	v37 =	vld.idx.msk [tilespmem:v27+s15+$0x0], $0xffff  }
0x292: {  	v38 =	vshrl.u32 v29, $0x10;
	v32 =	vmul.f32 v5, v32;
	v26 =	vmul.f32 v26, v39;
	v27 =	vld [tilespmem:s1+$0x880]  }
0x293: {  	v39 =	vmul.f32 v2, v24;
	s1 =	sor.u32 $0x200, s31;
	v25 =	vld.idx.msk [tilespmem:v25+s15+$0x0], $0xffff;
	[tilespmem:s31+$0x200] =	vst v30;
	v30 =	vadd.f32 v6, v36;
	v36 =	vadd.s32 $0x2080, v16  }
0x294: {  	v24 =	vmul.f32 v3, v24;
	[tilespmem:s1+$0x0] =	vst.add.f32.msk $0xffff, v26;
	v26 =	vadd.f32 v4, v32;
	v32 =	vadd.s32 $0x2280, v8  }
0x295: {  	v40 =	vmul.f32 v18, v23;
	v33 =	vld.idx.msk [tilespmem:v33+s15+$0x0], $0xffff;
	v30 =	vmul.f32 v30, v31;
	v31 =	vadd.f32 v0, v39  }
0x296: {  	v23 =	vmul.f32 v19, v23;
	v24 =	vadd.f32 v1, v24;
	v39 =	vshrl.u32 v29, $0xD;
	v35 =	vld.idx.msk [tilespmem:v35+s15+$0x0], $0xffff;
	[tilespmem:s28+$0x15800] =	vst v26  }
0x297: {  	v26 =	vadd.f32 v20, v40;
	[tilespmem:s28+$0x15800] =	vst.add.f32.msk $0xffff, v30;
	v30 =	vadd.s32 $0x2080, v10;
	v31 =	vmul.f32 v31, v37  }
0x298: {  	v40 =	vor.u32 $0x100, v34;
	v37 =	vand.u32 $0x7F, v38;
	v38 =	vadd.f32 v21, v23;
	v41 =	vld.idx.msk [tilespmem:v36+s15+$0x0], $0xffff;
	[tilespmem:s26+$0x15A00] =	vst v24  }
0x299: {  	s1 =	sadd.s32 $0x11800, s30;
	v23 =	vand.u32 $0x7FC00, v39;
	v24 =	vmul.f32 v26, v25;
	v25 =	vadd.s32 $0x2280, v7;
	[tilespmem:s26+$0x15A00] =	vst.add.f32.msk $0xffff, v31  }
0x29a: {  	s10 =	sor.u32 $0x80, s1;
	v23 =	vor.u32 v37, v23;
	[tilespmem:s1+$0x80] =	vst v38;
	v26 =	vld.idx.msk [tilespmem:v32+s15+$0x0], $0xffff  }
0x29b: {  	v31 =	vmul.f32 v13, v33;
	[tilespmem:s10+$0x0] =	vst.add.f32.msk $0xffff, v24;
	v24 =	vor.u32 $0x100, v17  }
0x29c: {  	v32 =	vmul.f32 v14, v33;
	v30 =	vld.idx.msk [tilespmem:v30+s15+$0x0], $0xffff  }
0x29d: {  	v33 =	vand.u32 $0x7F, v29;
	v38 =	vor.u32 $0x300, v22;
	v31 =	vadd.f32 v11, v31;
	v37 =	vld.idx.msk [tilespmem:v40+s15+$0x0], $0xffff  }
0x29e: {  	v39 =	vor.u32 $0x300, v15;
	v32 =	vadd.f32 v12, v32;
	v40 =	vmul.f32 v9, v41;
	v25 =	vld.idx.msk [tilespmem:v25+s15+$0x0], $0xffff  }
0x29f: {  	v29 =	vshll.u32 v29, $0x3;
	v31 =	vmul.f32 v31, v35;
	v35 =	vmul.f32 v5, v41;
	v36 =	vld.idx.msk [tilespmem:v23+s15+$0x0], $0xffff  }
0x2a0: {  	s10 =	sor.u32 $0x280, s31;
	v41 =	vld.idx.msk [tilespmem:v24+s15+$0x0], $0xffff;
	[tilespmem:s31+$0x280] =	vst v32;
	v24 =	vadd.f32 v6, v40;
	v32 =	vadd.s32 $0x2100, v16;
	v40 =	vmul.f32 v2, v26  }
0x2a1: {  	v29 =	vand.u32 $0x7FC00, v29;
	v26 =	vmul.f32 v3, v26;
	[tilespmem:s10+$0x0] =	vst.add.f32.msk $0xffff, v31;
	v31 =	vadd.f32 v4, v35  }
0x2a2: {  	v35 =	vld.idx.msk [tilespmem:v38+s15+$0x0], $0xffff;
	v30 =	vmul.f32 v24, v30;
	v38 =	vadd.f32 v0, v40;
	v40 =	vadd.s32 $0x2300, v8  }
0x2a3: {  	v24 =	vor.u32 v33, v29;
	v26 =	vadd.f32 v1, v26;
	v29 =	vld.idx.msk [tilespmem:v39+s15+$0x0], $0xffff;
	[tilespmem:s28+$0x15880] =	vst v31  }
0x2a4: {  	v31 =	vmul.f32 v18, v37;
	[tilespmem:s28+$0x15880] =	vst.add.f32.msk $0xffff, v30;
	v30 =	vadd.s32 $0x2100, v10;
	v25 =	vmul.f32 v38, v25  }
0x2a5: {  	v33 =	vmul.f32 v19, v37;
	v32 =	vld.idx.msk [tilespmem:v32+s15+$0x0], $0xffff;
	[tilespmem:s26+$0x15A80] =	vst v26  }
0x2a6: {  	v26 =	vadd.f32 v20, v31;
	[tilespmem:s26+$0x15A80] =	vst.add.f32.msk $0xffff, v25;
	v25 =	vadd.s32 $0x2300, v7  }
0x2a7: {  	v31 =	vadd.f32 v21, v33;
	v33 =	vor.u32 $0x180, v17;
	v37 =	vld.idx.msk [tilespmem:v40+s15+$0x0], $0xffff  }
0x2a8: {  	v39 =	vor.u32 $0x180, v34;
	v26 =	vmul.f32 v26, v41;
	v38 =	vmul.f32 v13, v35;
	v40 =	vld.idx.msk [tilespmem:v24+s15+$0x0], $0xffff  }
0x2a9: {  	s10 =	sor.u32 $0x100, s1;
	[tilespmem:s1+$0x100] =	vst v31;
	v31 =	vmul.f32 v14, v35;
	v30 =	vld.idx.msk [tilespmem:v30+s15+$0x0], $0xffff  }
0x2aa: {  	v35 =	vor.u32 $0x380, v15;
	[tilespmem:s10+$0x0] =	vst.add.f32.msk $0xffff, v26;
	v26 =	vadd.f32 v11, v38  }
0x2ab: {  	v41 =	vor.u32 $0x380, v22;
	v42 =	vmul.f32 v9, v32;
	v31 =	vadd.f32 v12, v31;
	v43 =	vld.idx.msk [tilespmem:v25+s15+$0x0], $0xffff  }
0x2ac: {  	v38 =	vld.idx.msk [tilespmem:v33+s15+$0x0], $0xffff;
	v25 =	vmul.f32 v26, v29;
	v26 =	vmul.f32 v5, v32  }
.Ltmp6:
0x2ad: {  	s10 =	sor.u32 $0x300, s31;
	v29 =	vadd.f32 v6, v42;
	v33 =	vadd.s32 $0x2180, v16;
	v39 =	vld.idx.msk [tilespmem:v39+s15+$0x0], $0xffff;
	[tilespmem:s31+$0x300] =	vst v31;
	v31 =	vmul.f32 v2, v37;
	(pc) =	sbr.rel @p0 .LBB2_9-.Ltmp6, $4  }
0x2ae: {  	v42 =	vmul.f32 v3, v37;
	[tilespmem:s10+$0x0] =	vst.add.f32.msk $0xffff, v25;
	v26 =	vadd.f32 v4, v26  }
0x2af: {  	v44 =	vmul.f32 v29, v30;
	v29 =	vadd.s32 $0x2380, v8;
	v8 =	vmovc v16;
	v35 =	vld.idx.msk [tilespmem:v35+s15+$0x0], $0xffff;
	v31 =	vadd.f32 v0, v31  }
0x2b0: {  	v32 =	vadd.s32 $0x2180, v10;
	v25 =	vand.u32 $0xFFFF0000, v27;
	v30 =	vadd.f32 v1, v42;
	v16 =	vmovc v22;
	v37 =	vld.idx.msk [tilespmem:v41+s15+$0x0], $0xffff;
	[tilespmem:s28+$0x15900] =	vst v26  }
0x2b1: {  	s3 =	sadd.s32 $0x1, s3;
	v22 =	vmovc v34;
	v26 =	vand.u32 $0xFFFF0000, v28;
	v41 =	vmul.f32 v25, v40;
	[tilespmem:s28+$0x15900] =	vst.add.f32.msk $0xffff, v44;
	v31 =	vmul.f32 v31, v43  }
0x2b2: {  	v27 =	vshll.u32 v27, $0x10;
	v34 =	vmul.f32 v26, v40  }
0x2b3: {  	v28 =	vshll.u32 v28, $0x10;
	v58 =	vor.u32 $0x80, v24;
	v57 =	vadd.f32 v27, v41  }
0x2b4: {  	s0 =	sand.u32 $0x3FFFFC00, s6;
	v34 =	vadd.f32 v28, v34  }
0x2b5: {  	s0 =	sor.u32 s13, s0;
	v36 =	vmul.f32 v57, v36  }
0x2b6: {  	[tilespmem:s0+$0x11800] =	vst v34  }
0x2b7: {  	v59 =	vor.u32 $0x80, v23;
	[tilespmem:s0+$0x11800] =	vst.add.f32.msk $0xffff, v36  }
0x2b8: {  	v36 =	vld.idx.msk [tilespmem:v58+s15+$0x0], $0xffff;
	_ =	sdelay $0x3  }
0x2b9: {  	v34 =	vld.idx.msk [tilespmem:v59+s15+$0x0], $0xffff  }
0x2ba: {  	v60 =	vmul.f32 v25, v36  }
0x2bb: {  	v36 =	vmul.f32 v26, v36  }
0x2bc: {  	v61 =	vor.u32 $0x100, v24;
	v40 =	vadd.f32 v27, v60  }
0x2bd: {  	v36 =	vadd.f32 v28, v36  }
0x2be: {  	s3 =	sadd.s32 $0x11800, s0;
	v34 =	vmul.f32 v40, v34  }
0x2bf: {  	s4 =	sor.u32 $0x80, s3;
	[tilespmem:s3+$0x80] =	vst v36  }
0x2c0: {  	v62 =	vor.u32 $0x100, v23;
	[tilespmem:s4+$0x0] =	vst.add.f32.msk $0xffff, v34  }
0x2c1: {  	v36 =	vld.idx.msk [tilespmem:v61+s15+$0x0], $0xffff;
	_ =	sdelay $0x3  }
0x2c2: {  	v34 =	vld.idx.msk [tilespmem:v62+s15+$0x0], $0xffff  }
0x2c3: {  	v63 =	vmul.f32 v25, v36  }
0x2c4: {  	v36 =	vmul.f32 v26, v36  }
0x2c5: {  	v44 =	vor.u32 $0x180, v24;
	v40 =	vadd.f32 v27, v63  }
0x2c6: {  	v36 =	vadd.f32 v28, v36  }
0x2c7: {  	v34 =	vmul.f32 v40, v34  }
0x2c8: {  	s6 =	sor.u32 $0x100, s3;
	[tilespmem:s3+$0x100] =	vst v36  }
0x2c9: {  	v45 =	vor.u32 $0x180, v23;
	[tilespmem:s6+$0x0] =	vst.add.f32.msk $0xffff, v34  }
0x2ca: {  	v34 =	vld.idx.msk [tilespmem:v44+s15+$0x0], $0xffff;
	_ =	sdelay $0x1  }
0x2cb: {  	v46 =	vmul.f32 v18, v39  }
0x2cc: {  	v47 =	vmul.f32 v19, v39  }
0x2cd: {  	v48 =	vor.u32 $0x200, v22;
	v40 =	vadd.f32 v20, v46;
	v36 =	vld.idx.msk [tilespmem:v45+s15+$0x0], $0xffff  }
0x2ce: {  	v39 =	vadd.f32 v21, v47;
	v42 =	vmul.f32 v25, v34  }
0x2cf: {  	v38 =	vmul.f32 v40, v38;
	v34 =	vmul.f32 v26, v34  }
0x2d0: {  	s10 =	sor.u32 $0x180, s1;
	v50 =	vor.u32 $0x200, v24;
	[tilespmem:s1+$0x180] =	vst v39;
	v49 =	vadd.f32 v27, v42  }
0x2d1: {  	v51 =	vor.u32 $0x200, v17;
	[tilespmem:s10+$0x0] =	vst.add.f32.msk $0xffff, v38;
	v34 =	vadd.f32 v28, v34  }
0x2d2: {  	v38 =	vld.idx.msk [tilespmem:v48+s15+$0x0], $0xffff;
	v36 =	vmul.f32 v49, v36  }
0x2d3: {  	s13 =	sor.u32 $0x180, s3;
	[tilespmem:s3+$0x180] =	vst v34  }
0x2d4: {  	v52 =	vor.u32 $0x200, v23;
	[tilespmem:s13+$0x0] =	vst.add.f32.msk $0xffff, v36  }
0x2d5: {  	v36 =	vld.idx.msk [tilespmem:v50+s15+$0x0], $0xffff  }
0x2d6: {  	v53 =	vld.idx.msk [tilespmem:v51+s15+$0x0], $0xffff  }
0x2d7: {  	v54 =	vmul.f32 v18, v38  }
0x2d8: {  	v38 =	vmul.f32 v19, v38  }
0x2d9: {  	v55 =	vor.u32 $0x280, v22;
	v40 =	vadd.f32 v20, v54;
	v34 =	vld.idx.msk [tilespmem:v52+s15+$0x0], $0xffff  }
0x2da: {  	v38 =	vadd.f32 v21, v38;
	v56 =	vmul.f32 v25, v36  }
0x2db: {  	v39 =	vmul.f32 v40, v53;
	v36 =	vmul.f32 v26, v36  }
0x2dc: {  	v58 =	vor.u32 $0x280, v24;
	s6 =	sor.u32 $0x200, s1;
	[tilespmem:s1+$0x200] =	vst v38;
	v57 =	vadd.f32 v27, v56  }
0x2dd: {  	v59 =	vor.u32 $0x280, v17;
	[tilespmem:s6+$0x0] =	vst.add.f32.msk $0xffff, v39;
	v36 =	vadd.f32 v28, v36  }
0x2de: {  	v39 =	vld.idx.msk [tilespmem:v55+s15+$0x0], $0xffff;
	v34 =	vmul.f32 v57, v34  }
0x2df: {  	s10 =	sor.u32 $0x200, s3;
	[tilespmem:s3+$0x200] =	vst v36  }
0x2e0: {  	v60 =	vor.u32 $0x280, v23;
	[tilespmem:s10+$0x0] =	vst.add.f32.msk $0xffff, v34  }
0x2e1: {  	v34 =	vld.idx.msk [tilespmem:v58+s15+$0x0], $0xffff  }
0x2e2: {  	v61 =	vld.idx.msk [tilespmem:v59+s15+$0x0], $0xffff  }
0x2e3: {  	v62 =	vmul.f32 v18, v39  }
0x2e4: {  	v39 =	vmul.f32 v19, v39  }
0x2e5: {  	v63 =	vor.u32 $0x300, v22;
	v40 =	vadd.f32 v20, v62;
	v36 =	vld.idx.msk [tilespmem:v60+s15+$0x0], $0xffff  }
0x2e6: {  	v39 =	vadd.f32 v21, v39;
	v45 =	vmul.f32 v25, v34  }
0x2e7: {  	v38 =	vmul.f32 v40, v61;
	v34 =	vmul.f32 v26, v34  }
0x2e8: {  	v47 =	vor.u32 $0x300, v24;
	s13 =	sor.u32 $0x280, s1;
	[tilespmem:s1+$0x280] =	vst v39;
	v46 =	vadd.f32 v27, v45  }
0x2e9: {  	v48 =	vor.u32 $0x300, v17;
	[tilespmem:s13+$0x0] =	vst.add.f32.msk $0xffff, v38;
	v34 =	vadd.f32 v28, v34  }
0x2ea: {  	v38 =	vld.idx.msk [tilespmem:v63+s15+$0x0], $0xffff;
	v36 =	vmul.f32 v46, v36  }
0x2eb: {  	s6 =	sor.u32 $0x280, s3;
	[tilespmem:s3+$0x280] =	vst v34  }
0x2ec: {  	v49 =	vor.u32 $0x300, v23;
	[tilespmem:s6+$0x0] =	vst.add.f32.msk $0xffff, v36  }
0x2ed: {  	v36 =	vld.idx.msk [tilespmem:v47+s15+$0x0], $0xffff  }
0x2ee: {  	v50 =	vld.idx.msk [tilespmem:v48+s15+$0x0], $0xffff  }
0x2ef: {  	v51 =	vmul.f32 v18, v38  }
0x2f0: {  	v38 =	vmul.f32 v19, v38  }
0x2f1: {  	v52 =	vor.u32 $0x380, v22;
	v40 =	vadd.f32 v20, v51;
	v34 =	vld.idx.msk [tilespmem:v49+s15+$0x0], $0xffff  }
0x2f2: {  	v38 =	vadd.f32 v21, v38;
	v53 =	vmul.f32 v25, v36  }
0x2f3: {  	v39 =	vmul.f32 v40, v50;
	v36 =	vmul.f32 v26, v36  }
0x2f4: {  	v55 =	vor.u32 $0x380, v24;
	s10 =	sor.u32 $0x300, s1;
	[tilespmem:s1+$0x300] =	vst v38;
	v54 =	vadd.f32 v27, v53  }
0x2f5: {  	v56 =	vor.u32 $0x380, v17;
	[tilespmem:s10+$0x0] =	vst.add.f32.msk $0xffff, v39;
	v36 =	vadd.f32 v28, v36  }
0x2f6: {  	v39 =	vld.idx.msk [tilespmem:v52+s15+$0x0], $0xffff;
	v34 =	vmul.f32 v54, v34  }
0x2f7: {  	s13 =	sor.u32 $0x300, s3;
	[tilespmem:s3+$0x300] =	vst v36  }
0x2f8: {  	v58 =	vor.u32 $0x380, v23;
	[tilespmem:s13+$0x0] =	vst.add.f32.msk $0xffff, v34  }
0x2f9: {  	v57 =	vmul.f32 v13, v37;
	v60 =	vld.idx.msk [tilespmem:v55+s15+$0x0], $0xffff  }
0x2fa: {  	v59 =	vmul.f32 v14, v37;
	v62 =	vld.idx.msk [tilespmem:v56+s15+$0x0], $0xffff  }
0x2fb: {  	v61 =	vadd.s32 $0x2000, v16;
	v63 =	vmul.f32 v18, v39;
	v34 =	vadd.f32 v11, v57  }
0x2fc: {  	v37 =	vadd.f32 v12, v59;
	v45 =	vmul.f32 v19, v39  }
0x2fd: {  	v47 =	vadd.s32 $0x2000, v22;
	v46 =	vadd.f32 v20, v63;
	v36 =	vld.idx.msk [tilespmem:v58+s15+$0x0], $0xffff;
	v34 =	vmul.f32 v34, v35  }
0x2fe: {  	[tilespmem:s31+$0x380] =	vst v37;
	v48 =	vadd.s32 $0x2000, v15;
	s6 =	sor.u32 $0x380, s31;
	v35 =	vadd.f32 v21, v45;
	v49 =	vmul.f32 v25, v60  }
0x2ff: {  	v37 =	vmul.f32 v46, v62;
	[tilespmem:s6+$0x0] =	vst.add.f32.msk $0xffff, v34;
	v38 =	vmul.f32 v26, v60  }
0x300: {  	v51 =	vadd.s32 $0x2000, v24;
	s10 =	sor.u32 $0x380, s1;
	[tilespmem:s1+$0x380] =	vst v35;
	v40 =	vld.idx.msk [tilespmem:v61+s15+$0x0], $0xffff;
	v50 =	vadd.f32 v27, v49  }
0x301: {  	v52 =	vadd.s32 $0x2000, v17;
	[tilespmem:s10+$0x0] =	vst.add.f32.msk $0xffff, v37;
	v38 =	vadd.f32 v28, v38  }
0x302: {  	v39 =	vld.idx.msk [tilespmem:v47+s15+$0x0], $0xffff;
	v35 =	vmul.f32 v50, v36  }
0x303: {  	s13 =	sor.u32 $0x380, s3;
	v34 =	vld.idx.msk [tilespmem:v48+s15+$0x0], $0xffff;
	[tilespmem:s3+$0x380] =	vst v38  }
0x304: {  	v54 =	vadd.s32 $0x2000, v23;
	[tilespmem:s13+$0x0] =	vst.add.f32.msk $0xffff, v35  }
0x305: {  	v53 =	vmul.f32 v13, v40;
	v56 =	vld.idx.msk [tilespmem:v51+s15+$0x0], $0xffff  }
0x306: {  	v37 =	vld.idx.msk [tilespmem:v52+s15+$0x0], $0xffff;
	v55 =	vmul.f32 v14, v40  }
0x307: {  	v57 =	vadd.s32 $0x2080, v16;
	v58 =	vmul.f32 v18, v39;
	v36 =	vadd.f32 v11, v53  }
0x308: {  	v59 =	vmul.f32 v19, v39;
	v38 =	vadd.f32 v12, v55  }
0x309: {  	v61 =	vadd.s32 $0x2080, v22;
	v60 =	vadd.f32 v20, v58;
	v35 =	vld.idx.msk [tilespmem:v54+s15+$0x0], $0xffff;
	v34 =	vmul.f32 v36, v34  }
0x30a: {  	v62 =	vadd.s32 $0x2080, v15;
	[tilespmem:s29+$0x15800] =	vst v38;
	v36 =	vadd.f32 v21, v59;
	v63 =	vmul.f32 v25, v56  }
0x30b: {  	v37 =	vmul.f32 v60, v37;
	[tilespmem:s29+$0x15800] =	vst.add.f32.msk $0xffff, v34;
	v45 =	vmul.f32 v26, v56  }
0x30c: {  	v47 =	vadd.s32 $0x2080, v24;
	[tilespmem:s30+$0x15800] =	vst v36;
	v41 =	vld.idx.msk [tilespmem:v57+s15+$0x0], $0xffff;
	v46 =	vadd.f32 v27, v63  }
0x30d: {  	v48 =	vadd.s32 $0x2080, v17;
	[tilespmem:s30+$0x15800] =	vst.add.f32.msk $0xffff, v37;
	v38 =	vadd.f32 v28, v45  }
0x30e: {  	v39 =	vld.idx.msk [tilespmem:v61+s15+$0x0], $0xffff;
	v35 =	vmul.f32 v46, v35  }
0x30f: {  	v34 =	vld.idx.msk [tilespmem:v62+s15+$0x0], $0xffff;
	[tilespmem:s0+$0x15800] =	vst v38  }
0x310: {  	v50 =	vadd.s32 $0x2080, v23;
	[tilespmem:s0+$0x15800] =	vst.add.f32.msk $0xffff, v35  }
0x311: {  	v49 =	vmul.f32 v13, v41;
	v40 =	vld.idx.msk [tilespmem:v47+s15+$0x0], $0xffff  }
0x312: {  	v37 =	vld.idx.msk [tilespmem:v48+s15+$0x0], $0xffff;
	v51 =	vmul.f32 v14, v41  }
0x313: {  	v52 =	vadd.s32 $0x2100, v16;
	v53 =	vmul.f32 v18, v39;
	v36 =	vadd.f32 v11, v49  }
0x314: {  	v33 =	vld.idx.msk [tilespmem:v33+s15+$0x0], $0xffff;
	v54 =	vmul.f32 v19, v39;
	v38 =	vadd.f32 v12, v51  }
0x315: {  	v56 =	vadd.s32 $0x2100, v22;
	v55 =	vadd.f32 v20, v53;
	v35 =	vld.idx.msk [tilespmem:v50+s15+$0x0], $0xffff;
	v34 =	vmul.f32 v36, v34  }
0x316: {  	v32 =	vld.idx.msk [tilespmem:v32+s15+$0x0], $0xffff;
	v57 =	vadd.s32 $0x2100, v15;
	[tilespmem:s29+$0x15880] =	vst v38;
	v36 =	vadd.f32 v21, v54;
	v58 =	vmul.f32 v25, v40  }
0x317: {  	v37 =	vmul.f32 v55, v37;
	[tilespmem:s29+$0x15880] =	vst.add.f32.msk $0xffff, v34;
	v59 =	vmul.f32 v26, v40  }
0x318: {  	v61 =	vadd.s32 $0x2100, v24;
	[tilespmem:s30+$0x15880] =	vst v36;
	v41 =	vld.idx.msk [tilespmem:v52+s15+$0x0], $0xffff;
	v60 =	vadd.f32 v27, v58  }
0x319: {  	v62 =	vmul.f32 v9, v33;
	v63 =	vadd.s32 $0x2100, v17;
	[tilespmem:s30+$0x15880] =	vst.add.f32.msk $0xffff, v37;
	v38 =	vadd.f32 v28, v59  }
0x31a: {  	v33 =	vmul.f32 v5, v33;
	v39 =	vld.idx.msk [tilespmem:v56+s15+$0x0], $0xffff;
	v35 =	vmul.f32 v60, v35  }
0x31b: {  	v42 =	vadd.f32 v6, v62;
	v45 =	vadd.s32 $0x2200, v8;
	v34 =	vld.idx.msk [tilespmem:v57+s15+$0x0], $0xffff;
	[tilespmem:s0+$0x15880] =	vst v38  }
0x31c: {  	v33 =	vadd.f32 v4, v33;
	v47 =	vadd.s32 $0x2100, v23;
	[tilespmem:s0+$0x15880] =	vst.add.f32.msk $0xffff, v35  }
0x31d: {  	v32 =	vmul.f32 v42, v32;
	v50 =	vadd.s32 $0x2200, v10;
	v46 =	vmul.f32 v13, v41;
	v40 =	vld.idx.msk [tilespmem:v61+s15+$0x0], $0xffff  }
0x31e: {  	[tilespmem:s28+$0x15980] =	vst v33;
	v37 =	vld.idx.msk [tilespmem:v63+s15+$0x0], $0xffff;
	v41 =	vmul.f32 v14, v41  }
0x31f: {  	[tilespmem:s28+$0x15980] =	vst.add.f32.msk $0xffff, v32;
	v49 =	vadd.s32 $0x2180, v16;
	v51 =	vmul.f32 v18, v39;
	v48 =	vadd.f32 v11, v46  }
0x320: {  	v36 =	vld.idx.msk [tilespmem:v45+s15+$0x0], $0xffff;
	v52 =	vmul.f32 v19, v39;
	v41 =	vadd.f32 v12, v41  }
0x321: {  	v54 =	vadd.s32 $0x2180, v22;
	v53 =	vadd.f32 v20, v51;
	v35 =	vld.idx.msk [tilespmem:v47+s15+$0x0], $0xffff;
	v33 =	vmul.f32 v48, v34  }
0x322: {  	v55 =	vadd.s32 $0x2180, v15;
	v32 =	vld.idx.msk [tilespmem:v50+s15+$0x0], $0xffff;
	v56 =	vadd.f32 v21, v52;
	[tilespmem:s29+$0x15900] =	vst v41;
	v57 =	vmul.f32 v25, v40  }
0x323: {  	v37 =	vmul.f32 v53, v37;
	[tilespmem:s29+$0x15900] =	vst.add.f32.msk $0xffff, v33;
	v58 =	vmul.f32 v26, v40  }
0x324: {  	v60 =	vadd.s32 $0x2180, v24;
	[tilespmem:s30+$0x15900] =	vst v56;
	v38 =	vld.idx.msk [tilespmem:v49+s15+$0x0], $0xffff;
	v59 =	vadd.f32 v27, v57  }
0x325: {  	v62 =	vadd.s32 $0x2180, v17;
	v61 =	vmul.f32 v9, v36;
	[tilespmem:s30+$0x15900] =	vst.add.f32.msk $0xffff, v37;
	v39 =	vadd.f32 v28, v58  }
0x326: {  	v36 =	vmul.f32 v5, v36;
	v41 =	vld.idx.msk [tilespmem:v54+s15+$0x0], $0xffff;
	v33 =	vmul.f32 v59, v35  }
0x327: {  	v63 =	vadd.s32 $0x2280, v8;
	v42 =	vld.idx.msk [tilespmem:v55+s15+$0x0], $0xffff;
	v40 =	vadd.f32 v6, v61;
	[tilespmem:s0+$0x15900] =	vst v39  }
0x328: {  	v44 =	vadd.s32 $0x2180, v23;
	v36 =	vadd.f32 v4, v36;
	[tilespmem:s0+$0x15900] =	vst.add.f32.msk $0xffff, v33  }
0x329: {  	v45 =	vadd.s32 $0x2280, v10;
	v32 =	vmul.f32 v40, v32;
	v43 =	vmul.f32 v13, v38;
	v34 =	vld.idx.msk [tilespmem:v60+s15+$0x0], $0xffff  }
0x32a: {  	[tilespmem:s28+$0x15A00] =	vst v36;
	v37 =	vld.idx.msk [tilespmem:v62+s15+$0x0], $0xffff;
	v38 =	vmul.f32 v14, v38  }
0x32b: {  	v46 =	vadd.s32 $0x2200, v16;
	[tilespmem:s28+$0x15A00] =	vst.add.f32.msk $0xffff, v32;
	v47 =	vmul.f32 v18, v41;
	v39 =	vadd.f32 v11, v43  }
0x32c: {  	v35 =	vld.idx.msk [tilespmem:v63+s15+$0x0], $0xffff;
	v41 =	vmul.f32 v19, v41;
	v38 =	vadd.f32 v12, v38  }
0x32d: {  	v48 =	vadd.s32 $0x2200, v15;
	v40 =	vadd.f32 v20, v47;
	v33 =	vld.idx.msk [tilespmem:v44+s15+$0x0], $0xffff;
	v39 =	vmul.f32 v39, v42  }
0x32e: {  	v49 =	vadd.s32 $0x2200, v22;
	v36 =	vld.idx.msk [tilespmem:v45+s15+$0x0], $0xffff;
	v41 =	vadd.f32 v21, v41;
	[tilespmem:s29+$0x15980] =	vst v38;
	v50 =	vmul.f32 v25, v34  }
0x32f: {  	v37 =	vmul.f32 v40, v37;
	[tilespmem:s29+$0x15980] =	vst.add.f32.msk $0xffff, v39;
	v34 =	vmul.f32 v26, v34  }
0x330: {  	v51 =	vadd.s32 $0x2200, v24;
	[tilespmem:s30+$0x15980] =	vst v41;
	v32 =	vld.idx.msk [tilespmem:v46+s15+$0x0], $0xffff;
	v52 =	vadd.f32 v27, v50  }
0x331: {  	[tilespmem:s30+$0x15980] =	vst.add.f32.msk $0xffff, v37;
	v34 =	vadd.f32 v28, v34  }
0x332: {  	v54 =	vadd.s32 $0x2200, v17;
	v38 =	vld.idx.msk [tilespmem:v48+s15+$0x0], $0xffff;
	v33 =	vmul.f32 v52, v33  }
0x333: {  	v39 =	vld.idx.msk [tilespmem:v49+s15+$0x0], $0xffff;
	[tilespmem:s0+$0x15980] =	vst v34  }
0x334: {  	v56 =	vadd.s32 $0x2200, v23;
	[tilespmem:s0+$0x15980] =	vst.add.f32.msk $0xffff, v33  }
0x335: {  	[tilespmem:s26+$0x15B00] =	vst v30;
	v58 =	vmul.f32 v13, v32;
	v59 =	vld.idx.msk [tilespmem:v51+s15+$0x0], $0xffff  }
0x336: {  	[tilespmem:s26+$0x15B00] =	vst.add.f32.msk $0xffff, v31;
	v61 =	vadd.s32 $0x2280, v16;
	v53 =	vmul.f32 v9, v35;
	v32 =	vmul.f32 v14, v32  }
0x337: {  	v43 =	vadd.s32 $0x2280, v15;
	v35 =	vmul.f32 v5, v35;
	v63 =	vld.idx.msk [tilespmem:v54+s15+$0x0], $0xffff;
	v62 =	vadd.f32 v11, v58  }
0x338: {  	v29 =	vld.idx.msk [tilespmem:v29+s15+$0x0], $0xffff;
	v55 =	vadd.f32 v6, v53;
	v44 =	vmul.f32 v18, v39;
	v42 =	vadd.f32 v12, v32  }
0x339: {  	v46 =	vadd.s32 $0x2280, v22;
	v45 =	vmul.f32 v19, v39;
	v33 =	vld.idx.msk [tilespmem:v56+s15+$0x0], $0xffff;
	v34 =	vmul.f32 v62, v38  }
0x33a: {  	v60 =	vmul.f32 v55, v36;
	v36 =	vadd.f32 v20, v44;
	[tilespmem:s29+$0x15A00] =	vst v42;
	v47 =	vmul.f32 v25, v59  }
0x33b: {  	v57 =	vadd.f32 v4, v35;
	v48 =	vadd.f32 v21, v45;
	[tilespmem:s29+$0x15A00] =	vst.add.f32.msk $0xffff, v34;
	v37 =	vmul.f32 v26, v59  }
0x33c: {  	v49 =	vadd.s32 $0x2280, v24;
	v35 =	vmul.f32 v36, v63;
	v30 =	vld.idx.msk [tilespmem:v61+s15+$0x0], $0xffff;
	v50 =	vadd.f32 v27, v47  }
0x33d: {  	[tilespmem:s30+$0x15A00] =	vst v48;
	v32 =	vld.idx.msk [tilespmem:v43+s15+$0x0], $0xffff;
	v52 =	vadd.f32 v28, v37  }
0x33e: {  	v53 =	vadd.s32 $0x2280, v17;
	[tilespmem:s30+$0x15A00] =	vst.add.f32.msk $0xffff, v35;
	v33 =	vmul.f32 v50, v33  }
0x33f: {  	v51 =	vadd.s32 $0x2300, v8;
	v31 =	vld.idx.msk [tilespmem:v46+s15+$0x0], $0xffff;
	[tilespmem:s0+$0x15A00] =	vst v52  }
0x340: {  	v54 =	vadd.s32 $0x2280, v23;
	[tilespmem:s0+$0x15A00] =	vst.add.f32.msk $0xffff, v33  }
0x341: {  	[tilespmem:s28+$0x15A80] =	vst v57;
	v55 =	vadd.s32 $0x2300, v10;
	v56 =	vmul.f32 v13, v30;
	v36 =	vld.idx.msk [tilespmem:v49+s15+$0x0], $0xffff  }
0x342: {  	[tilespmem:s28+$0x15A80] =	vst.add.f32.msk $0xffff, v60;
	v30 =	vmul.f32 v14, v30  }
0x343: {  	v58 =	vadd.s32 $0x2300, v16;
	v35 =	vld.idx.msk [tilespmem:v53+s15+$0x0], $0xffff;
	v37 =	vadd.f32 v11, v56  }
0x344: {  	v57 =	vld.idx.msk [tilespmem:v51+s15+$0x0], $0xffff;
	v59 =	vadd.s32 $0x2300, v15;
	v60 =	vmul.f32 v18, v31;
	v30 =	vadd.f32 v12, v30  }
0x345: {  	v31 =	vmul.f32 v19, v31;
	v33 =	vld.idx.msk [tilespmem:v54+s15+$0x0], $0xffff;
	v32 =	vmul.f32 v37, v32  }
0x346: {  	v62 =	vadd.s32 $0x2300, v22;
	v34 =	vld.idx.msk [tilespmem:v55+s15+$0x0], $0xffff;
	v61 =	vadd.f32 v20, v60;
	[tilespmem:s29+$0x15A80] =	vst v30;
	v63 =	vmul.f32 v25, v36  }
0x347: {  	v31 =	vadd.f32 v21, v31;
	[tilespmem:s29+$0x15A80] =	vst.add.f32.msk $0xffff, v32;
	v36 =	vmul.f32 v26, v36  }
0x348: {  	v46 =	vadd.s32 $0x2300, v24;
	v30 =	vmul.f32 v61, v35;
	v39 =	vld.idx.msk [tilespmem:v58+s15+$0x0], $0xffff;
	v45 =	vadd.f32 v27, v63  }
0x349: {  	v44 =	vmul.f32 v9, v57;
	v49 =	vadd.s32 $0x2300, v17;
	[tilespmem:s30+$0x15A80] =	vst v31;
	v48 =	vld.idx.msk [tilespmem:v59+s15+$0x0], $0xffff;
	v36 =	vadd.f32 v28, v36  }
0x34a: {  	v47 =	vmul.f32 v5, v57;
	[tilespmem:s30+$0x15A80] =	vst.add.f32.msk $0xffff, v30;
	v33 =	vmul.f32 v45, v33  }
0x34b: {  	v50 =	vadd.s32 $0x2380, v8;
	v32 =	vadd.f32 v6, v44;
	v51 =	vld.idx.msk [tilespmem:v62+s15+$0x0], $0xffff;
	[tilespmem:s0+$0x15A80] =	vst v36  }
0x34c: {  	v52 =	vadd.s32 $0x2300, v23;
	v31 =	vadd.f32 v4, v47;
	[tilespmem:s0+$0x15A80] =	vst.add.f32.msk $0xffff, v33  }
0x34d: {  	v7 =	vadd.s32 $0x2380, v7;
	v32 =	vmul.f32 v32, v34;
	v55 =	vld.idx.msk [tilespmem:v46+s15+$0x0], $0xffff  }
0x34e: {  	v53 =	vadd.s32 $0x2380, v10;
	[tilespmem:s28+$0x15B00] =	vst v31;
	v30 =	vld.idx.msk [tilespmem:v49+s15+$0x0], $0xffff;
	v54 =	vmul.f32 v13, v39  }
0x34f: {  	v2 =	vmul.f32 v2, v29;
	[tilespmem:s28+$0x15B00] =	vst.add.f32.msk $0xffff, v32;
	v56 =	vmul.f32 v14, v39  }
0x350: {  	v57 =	vadd.s32 $0x2380, v16;
	v8 =	vld.idx.msk [tilespmem:v50+s15+$0x0], $0xffff;
	v59 =	vmul.f32 v18, v51;
	v31 =	vadd.f32 v11, v54  }
0x351: {  	v61 =	vadd.s32 $0x2380, v22;
	v35 =	vmul.f32 v19, v51;
	v32 =	vadd.f32 v12, v56;
	v33 =	vld.idx.msk [tilespmem:v52+s15+$0x0], $0xffff  }
0x352: {  	v7 =	vld.idx.msk [tilespmem:v7+s15+$0x0], $0xffff;
	v60 =	vadd.f32 v20, v59;
	v31 =	vmul.f32 v31, v48;
	v62 =	vmul.f32 v25, v55  }
0x353: {  	v10 =	vld.idx.msk [tilespmem:v53+s15+$0x0], $0xffff;
	v63 =	vadd.f32 v21, v35;
	[tilespmem:s29+$0x15B00] =	vst v32;
	v34 =	vmul.f32 v26, v55  }
0x354: {  	v37 =	vadd.s32 $0x2380, v24;
	v30 =	vmul.f32 v60, v30;
	[tilespmem:s29+$0x15B00] =	vst.add.f32.msk $0xffff, v31;
	v36 =	vadd.f32 v27, v62  }
0x355: {  	v3 =	vmul.f32 v3, v29;
	v58 =	vadd.s32 $0x2380, v15;
	[tilespmem:s30+$0x15B00] =	vst v63;
	v16 =	vld.idx.msk [tilespmem:v57+s15+$0x0], $0xffff;
	v38 =	vadd.f32 v28, v34  }
0x356: {  	v39 =	vadd.s32 $0x2380, v17;
	v41 =	vmul.f32 v9, v8;
	[tilespmem:s30+$0x15B00] =	vst.add.f32.msk $0xffff, v30;
	v40 =	vmul.f32 v36, v33  }
0x357: {  	v0 =	vadd.f32 v0, v2;
	v22 =	vld.idx.msk [tilespmem:v61+s15+$0x0], $0xffff;
	[tilespmem:s0+$0x15B00] =	vst v38  }
0x358: {  	v1 =	vadd.f32 v1, v3;
	v42 =	vadd.s32 $0x2380, v23;
	v2 =	vadd.f32 v6, v41;
	[tilespmem:s0+$0x15B00] =	vst.add.f32.msk $0xffff, v40  }
0x359: {  	v43 =	vmul.f32 v5, v8;
	v44 =	vld.idx.msk [tilespmem:v37+s15+$0x0], $0xffff  }
0x35a: {  	v0 =	vmul.f32 v0, v7;
	[tilespmem:s26+$0x15B80] =	vst v1;
	v15 =	vld.idx.msk [tilespmem:v58+s15+$0x0], $0xffff;
	v49 =	vmul.f32 v2, v10  }
0x35b: {  	v46 =	vadd.f32 v4, v43;
	v48 =	vld.idx.msk [tilespmem:v39+s15+$0x0], $0xffff;
	v45 =	vmul.f32 v13, v16;
	v47 =	vmul.f32 v14, v16  }
0x35c: {  	[tilespmem:s26+$0x15B80] =	vst.add.f32.msk $0xffff, v0;
	v51 =	vmul.f32 v18, v22;
	v53 =	vmul.f32 v19, v22  }
0x35d: {  	[tilespmem:s28+$0x15B80] =	vst v46;
	v50 =	vadd.f32 v11, v45;
	v52 =	vadd.f32 v12, v47;
	v54 =	vld.idx.msk [tilespmem:v42+s15+$0x0], $0xffff  }
0x35e: {  	[tilespmem:s28+$0x15B80] =	vst.add.f32.msk $0xffff, v49;
	v56 =	vadd.f32 v20, v51;
	v58 =	vadd.f32 v21, v53;
	v57 =	vmul.f32 v25, v44  }
0x35f: {  	v55 =	vmul.f32 v50, v15;
	[tilespmem:s29+$0x15B80] =	vst v52;
	v59 =	vmul.f32 v26, v44  }
0x360: {  	p0 =	seq.s32 s23, $0x3;
	v60 =	vmul.f32 v56, v48;
	[tilespmem:s30+$0x15B80] =	vst v58;
	v61 =	vadd.f32 v27, v57  }
.Ltmp7:
0x361: {  	[tilespmem:s29+$0x15B80] =	vst.add.f32.msk $0xffff, v55;
	v62 =	vadd.f32 v28, v59;
	(pc) =	sbr.rel @p0 .LBB2_12-.Ltmp7, $4  }
0x362: {  	[tilespmem:s30+$0x15B80] =	vst.add.f32.msk $0xffff, v60;
	v63 =	vmul.f32 v61, v54  }
0x363: {  	[tilespmem:s0+$0x15B80] =	vst v62  }
0x364: {  	s31 =	sadd.s32 s11, s25;
	[tilespmem:s0+$0x15B80] =	vst.add.f32.msk $0xffff, v63  }
0x365: {  	[hbm4b:s31+s2] =	stream.linear.scatter [tilespmem:s20], [sflag:$0x4], $0x8000, $0x38;
	[tilespmem:$0x19800] =	vst v63  }
.Ltmp8:
0x366: {  	(pc) =	sbr.rel .LBB2_2-.Ltmp8, $3  }
0x367: {  	_ =	sdelay $0x1  }
0x368: {  	s0 =	sadd.s32 s24, s9;
	s23 =	sadd.s32 $0x1, s23  }
0x369: {  	[tilespmem:s15], [sflag:$0x2] =	stream.linear.gather [hbm4b:s0+s2], $0x4000, $0x38;
	[tilespmem:$0x19800] =	vst v63  }
.LBB2_13:
0x36a: {  	_ =	sfence.sel $0x180000  }
0x36b: {  	[bflag:$0x0] =	sbarrier.arrive $0xFFFF  }
0x36c: {  	_ =	strace $0x90000047  }
0x36d: {  	s0 =	stileid.u32;
	[bflag:$0x2] =	sbarrier.arrive $0xFFFF  }
0x36e: {  	p0 =	sne.s32 s0, $0x0;
	s0 =	rddreg [dreg:$0x3]  }
0x36f: {  	s0 =	sadd.s32 @!p0 $0x100000, s0  }
0x370: {  	[sflag:s0] =	ssyncadd.tile.s32 @!p0 $0x1;
	_ =	shalt  }
.Lfunc_end2:
_tile_overlayer_lowered:
.L_overlay_start_2:
0x371: {  	(tag) =	ssettag $0x2  }
0x372: {  	s0 =	rddreg [dreg:$0x0];
	s2 =	stileid.u32  }
0x373: {  	s1 =	rddreg [dreg:$0x1];
	p0 =	sne.s32 s2, $0x0  }
0x374: {  	s3 =	rddreg [dreg:$0x2];
	[bflag:$0x3] =	sbarrier.arrive $0xFFFF;
	s2 =	simm.s32 @!p0 $0x1C05  }
0x375: {  	[timem:s3], [sflag:s2] =	dma.local @!p0 [hbm:s0], s1  }
0x376: {  	s0 =	simm.s32 @!p0 $0x5  }
0x377: {  	_ =	swait.ge @!p0 [sflag:s0], s1  }
0x378: {  	s1 =	ssub.s32 @!p0 $0x0, s1;
	[sflag:s0] =	ssyncset.done @!p0 $0x0  }
0x379: {  	[sflag:s0] =	ssyncadd.s32 @!p0 s1  }
0x37a: {  	[bflag:$0x3] =	sbarrier.arrive $0xFFFF  }
0x37b: {  	_ =	shalt  }

</sc_bundles>
